<compile_context>
chip_gen: v7x
topology: tpu7x:2x2x1
jax: 0.10.2.dev20260603
libtpu: 0.0.44.dev20260713+nightly
codegen_flags: <defaults>
</compile_context>

<pallas_src>
import functools

import jax
import jax.numpy as jnp
from jax import lax
from jax.experimental import pallas as pl
from jax.experimental.pallas import tpu as pltpu
from jax.experimental.pallas import tpu_sc as plsc

_N = 10000
_K = 8
_NP = 10240
_BQ = 512
_NB = _NP // _BQ
_E = _NP * _K
_PADV = 1e6


def _dot(a, b, dims):
    return lax.dot_general(a, b, (dims, ((), ())),
                           preferred_element_type=jnp.float32)


_NRED = 16
_WR = _NP // _NRED


def _knn_body(xb_ref, post_ref, a1_ref, b1_ref, nbr_ref, u_ref):
    xb = xb_ref[...]
    post = post_ref[...]

    def slab(k):
        p = post[:, k * _WR:(k + 1) * _WR]
        d = (xb[:, 0:1] - p[0:1, :]) ** 2
        d = d + (xb[:, 1:2] - p[1:2, :]) ** 2
        return d + (xb[:, 2:3] - p[2:3, :]) ** 2

    def const(v):
        return jnp.full((_BQ, _WR), float(v), jnp.float32)

    def leaf_merge(a, b):
        (da, oa), (db, ob) = a, b
        t = da <= db
        return (jnp.where(t, da, db), jnp.where(t, oa, ob),
                jnp.where(t, db, da), jnp.where(t, ob, oa))

    def merge2(a, b):
        a1, ao1, a2, ao2 = a
        b1, bo1, b2, bo2 = b
        t1 = a1 <= b1
        m1 = jnp.where(t1, a1, b1)
        o1 = jnp.where(t1, ao1, bo1)
        ls = jnp.where(t1, b1, a1)
        lo = jnp.where(t1, bo1, ao1)
        t2 = a2 <= b2
        c = jnp.where(t2, a2, b2)
        co = jnp.where(t2, ao2, bo2)
        t3 = ls <= c
        return m1, o1, jnp.where(t3, ls, c), jnp.where(t3, lo, co)

    lv = [leaf_merge((slab(2 * j), const(2 * j * _WR)),
                     (slab(2 * j + 1), const((2 * j + 1) * _WR)))
          for j in range(_NRED // 2)]
    while len(lv) > 1:
        lv = [merge2(lv[j], lv[j + 1]) for j in range(0, len(lv), 2)]
    m1, o1, m2, o2 = lv[0]
    iota = lax.broadcasted_iota(jnp.int32, (_BQ, _WR), 1).astype(jnp.float32)
    dm = jnp.concatenate([m1, m2], axis=1)
    oc = jnp.concatenate([o1 + iota, o2 + iota], axis=1)

    rowf = (pl.program_id(0) * _BQ
            + lax.broadcasted_iota(jnp.int32, (_BQ, 1), 0)).astype(jnp.float32)
    dm = jnp.where(oc == rowf, jnp.inf, dm)

    picks = []
    for t in range(_K):
        m = jnp.min(dm, axis=1, keepdims=True)
        idxf = jnp.min(jnp.where(dm == m, oc, 3.0e38), axis=1, keepdims=True)
        picks.append(idxf)
        if t < _K - 1:
            dm = jnp.where(oc == idxf, jnp.inf, dm)
    nbr_ref[...] = jnp.concatenate(picks, axis=1).astype(jnp.int32)
    u_ref[...] = _dot(xb, a1_ref[...], ((1,), (0,))) + b1_ref[...]


def _knn(xpad, post, a1, b1r):
    full = lambda shape: pl.BlockSpec(shape, lambda i: (0, 0))
    return pl.pallas_call(
        _knn_body,
        grid=(_NB,),
        in_specs=[pl.BlockSpec((_BQ, 3), lambda i: (i, 0)),
                  full((3, _NP)), full((3, 32)), full((1, 32))],
        out_specs=[pl.BlockSpec((_BQ, _K), lambda i: (i, 0)),
                   pl.BlockSpec((_BQ, 32), lambda i: (i, 0))],
        out_shape=[jax.ShapeDtypeStruct((_NP, _K), jnp.int32),
                   jax.ShapeDtypeStruct((_NP, 32), jnp.float32)],
    )(xpad, post, a1, b1r)


_SC_CORES = 2
_SC_SUBCORES = 16
_NW = _SC_CORES * _SC_SUBCORES
_CH = 256


_NBUF = 3


@functools.lru_cache(maxsize=None)
def _make_gather(d):
    b_per_w = _E // _NW
    n_ch = b_per_w // _CH
    mesh = plsc.VectorSubcoreMesh(core_axis_name="c", subcore_axis_name="s")
    scratch = ([pltpu.VMEM((_CH,), jnp.int32)] * _NBUF
               + [pltpu.VMEM((_CH, d), jnp.float32)] * _NBUF
               + [pltpu.SemaphoreType.DMA] * (3 * _NBUF))

    @functools.partial(
        pl.kernel, mesh=mesh,
        compiler_params=pltpu.CompilerParams(use_tc_tiling_on_sc=False),
        out_type=jax.ShapeDtypeStruct((_E, d), jnp.float32),
        scratch_types=scratch,
    )
    def gather(table_hbm, idx_hbm, out_hbm, *scr):
        idxs, rows = scr[:_NBUF], scr[_NBUF:2 * _NBUF]
        si = scr[2 * _NBUF:2 * _NBUF + _NBUF]
        sg = scr[3 * _NBUF:3 * _NBUF + _NBUF]
        sw = scr[4 * _NBUF:4 * _NBUF + _NBUF]
        wid = lax.axis_index("s") * _SC_CORES + lax.axis_index("c")
        base = wid * b_per_w
        h_idx = [None] * _NBUF
        h_gat = [None] * _NBUF
        h_wr = [None] * _NBUF
        for b in range(min(_NBUF, n_ch)):
            h_idx[b] = pltpu.async_copy(
                idx_hbm.at[pl.ds(base + b * _CH, _CH)], idxs[b], si[b])
        for c in range(n_ch):
            b = c % _NBUF
            if c >= _NBUF:
                h_wr[b].wait()
            h_idx[b].wait()
            h_gat[b] = pltpu.async_copy(table_hbm.at[idxs[b]], rows[b], sg[b])
            if c >= 1:
                b1 = (c - 1) % _NBUF
                h_gat[b1].wait()
                h_wr[b1] = pltpu.async_copy(
                    rows[b1], out_hbm.at[pl.ds(base + (c - 1) * _CH, _CH)],
                    sw[b1])
                nxt = c - 1 + _NBUF
                if nxt < n_ch:
                    h_idx[b1] = pltpu.async_copy(
                        idx_hbm.at[pl.ds(base + nxt * _CH, _CH)], idxs[b1],
                        si[b1])
        bl = (n_ch - 1) % _NBUF
        h_gat[bl].wait()
        h_wr[bl] = pltpu.async_copy(
            rows[bl], out_hbm.at[pl.ds(base + (n_ch - 1) * _CH, _CH)], sw[bl])
        for b in range(min(_NBUF, n_ch)):
            h_wr[b].wait()

    return gather


def _gather32(table, idx):
    return _make_gather(32)(table, idx)


def _gather64(table, idx):
    return _make_gather(64)(table, idx)


def _conv1_body(uj_ref, xb_ref, w1b_ref, w1a_ref, b1_ref, w2_ref, b2_ref,
                w3a_ref, w3b_ref, b3_ref, h_ref, g_ref):
    xb = xb_ref[...]
    t2 = _dot(xb, w1b_ref[...], ((1,), (0,)))
    mp = uj_ref[...].reshape(_BQ, _K, 32) - t2[:, None, :]
    mp = jnp.maximum(mp, 0.0).reshape(_BQ * _K, 32)
    m = _dot(mp, w2_ref[...], ((1,), (0,))) + b2_ref[...]
    mk = jnp.max(m.reshape(_BQ, _K, 64), axis=1)
    s = jnp.maximum(_dot(xb, w1a_ref[...], ((1,), (0,))) + b1_ref[...], 0.0)
    s = _dot(s, w2_ref[...], ((1,), (0,))) + b2_ref[...]
    h = jnp.maximum(jnp.maximum(mk, s), 0.0)
    h_ref[...] = h
    g_ref[...] = (_dot(h, w3a_ref[...], ((1,), (0,)))
                  + _dot(xb, w3b_ref[...], ((1,), (0,)))
                  + b3_ref[...])


def _conv1(uj, xpad, w1b, w1a, b1r, w2, b2r, w3a, w3b, b3r):
    full = lambda shape: pl.BlockSpec(shape, lambda i: (0, 0))
    return pl.pallas_call(
        _conv1_body,
        grid=(_NB,),
        in_specs=[pl.BlockSpec((_BQ * _K, 32), lambda i: (i, 0)),
                  pl.BlockSpec((_BQ, 3), lambda i: (i, 0)),
                  full((3, 32)), full((3, 32)),
                  full((1, 32)), full((32, 64)), full((1, 64)),
                  full((64, 64)), full((3, 64)), full((1, 64))],
        out_specs=[pl.BlockSpec((_BQ, 64), lambda i: (i, 0)),
                   pl.BlockSpec((_BQ, 64), lambda i: (i, 0))],
        out_shape=[jax.ShapeDtypeStruct((_NP, 64), jnp.float32),
                   jax.ShapeDtypeStruct((_NP, 64), jnp.float32)],
    )(uj, xpad, w1b, w1a, b1r, w2, b2r, w3a, w3b, b3r)


def _conv2_body(gj_ref, h_ref, xb_ref, w3b_ref, w3a_ref, b3_ref,
                w4_ref, b4_ref, wc_ref, bc_ref, out_ref):
    xw = _dot(xb_ref[...], w3b_ref[...], ((1,), (0,)))
    mp = gj_ref[...].reshape(_BQ, _K, 64) - xw[:, None, :]
    mp = jnp.maximum(mp, 0.0).reshape(_BQ * _K, 64)
    m = _dot(mp, w4_ref[...], ((1,), (0,))) + b4_ref[...]
    mk = jnp.max(m.reshape(_BQ, _K, 128), axis=1)
    hb = h_ref[...]
    s = jnp.maximum(_dot(hb, w3a_ref[...], ((1,), (0,))) + b3_ref[...], 0.0)
    s = _dot(s, w4_ref[...], ((1,), (0,))) + b4_ref[...]
    hh = jnp.maximum(jnp.maximum(mk, s), 0.0)
    logits = _dot(hh, wc_ref[...], ((1,), (0,))) + bc_ref[...]
    mx = jnp.max(logits, axis=1, keepdims=True)
    lse = jnp.log(jnp.sum(jnp.exp(logits - mx), axis=1, keepdims=True)) + mx
    out_ref[...] = logits - lse


def _conv2(gj, h, xpad, w3b, w3a, b3r, w4, b4r, wc, bcr):
    full = lambda shape: pl.BlockSpec(shape, lambda i: (0, 0))
    return pl.pallas_call(
        _conv2_body,
        grid=(_NB,),
        in_specs=[pl.BlockSpec((_BQ * _K, 64), lambda i: (i, 0)),
                  pl.BlockSpec((_BQ, 64), lambda i: (i, 0)),
                  pl.BlockSpec((_BQ, 3), lambda i: (i, 0)),
                  full((3, 64)), full((64, 64)),
                  full((1, 64)), full((64, 128)), full((1, 128)),
                  full((128, 5)), full((1, 5))],
        out_specs=pl.BlockSpec((_BQ, 5), lambda i: (i, 0)),
        out_shape=jax.ShapeDtypeStruct((_NP, 5), jnp.float32),
    )(gj, h, xpad, w3b, w3a, b3r, w4, b4r, wc, bcr)


def kernel(x, batch, W1, b1, W2, b2, W3, b3, W4, b4, Wc, bc):
    del batch
    pad = jnp.full((_NP - _N, 3), _PADV, jnp.float32)
    xpad = jnp.concatenate([x, pad], axis=0)
    post = xpad.T
    a1 = W1[:3] + W1[3:]
    w1a, w1b = W1[:3], W1[3:]
    w3a, w3b = W3[:64], W3[64:]
    b1r, b2r, b3r, b4r, bcr = (b[None, :] for b in (b1, b2, b3, b4, bc))

    nbr, u = _knn(xpad, post, a1, b1r)
    idx = nbr.reshape(_E)
    uj = _gather32(u, idx)
    h, g = _conv1(uj, xpad, w1b, w1a, b1r, W2, b2r, w3a, w3b, b3r)
    gj = _gather64(g, idx)
    out = _conv2(gj, h, xpad, w3b, w3a, b3r, W4, b4r, Wc, bcr)
    return out[:_N]

# --- scband reference (transcript-rebuilt; emitter-appended) ---
"""Pipeline reference for scband-simple-point-net-627065225886 (READ-ONLY COPY).

The authoritative reference and input builder live on the scoring server;
editing this copy changes nothing except your own understanding.
"""

import jax, jax.numpy as jnp
import numpy as np

N = 10000
K = 8


def _lin_params(key, fi, fo):
    kw, kb = jax.random.split(key)
    W = jax.random.normal(kw, (fi, fo), dtype=jnp.float32) * (1.0 / np.sqrt(fi))
    b = jax.random.normal(kb, (fo,), dtype=jnp.float32) * 0.01
    return W, b


def setup_inputs(seed: int = 0) -> dict:
    key = jax.random.key(seed)
    ks = jax.random.split(key, 8)
    x = jax.random.normal(ks[0], (N, 3), dtype=jnp.float32)
    batch = jnp.zeros((N,), dtype=jnp.int32)
    W1, b1 = _lin_params(ks[1], 6, 32)
    W2, b2 = _lin_params(ks[2], 32, 64)
    W3, b3 = _lin_params(ks[3], 67, 64)
    W4, b4 = _lin_params(ks[4], 64, 128)
    Wc, bc = _lin_params(ks[5], 128, 5)
    return {"x": x, "batch": batch, "W1": W1, "b1": b1, "W2": W2, "b2": b2,
            "W3": W3, "b3": b3, "W4": W4, "b4": b4, "Wc": Wc, "bc": bc}


def _knn_edges(pos, k):
    # faithful to torch_cluster.knn_graph(pos, k, loop=False, flow='source_to_target')
    # single graph (batch is all zeros), so knn is global
    n = pos.shape[0]
    chunk = 1000
    idx_list = []
    for s in range(0, n, chunk):
        q = pos[s:s + chunk]
        d = jnp.sum((q[:, None, :] - pos[None, :, :]) ** 2, axis=-1)  # [C, N]
        rows = jnp.arange(s, s + q.shape[0])
        d = jnp.where(jnp.arange(n)[None, :] == rows[:, None], jnp.inf, d)  # exclude self
        _, idx = jax.lax.top_k(-d, k)
        idx_list.append(idx)
    nbr = jnp.concatenate(idx_list, axis=0)  # [n, k] neighbor (source) indices
    src = nbr.reshape(-1)
    dst = jnp.repeat(jnp.arange(n), k)
    # PointNetConv add_self_loops=True
    src = jnp.concatenate([src, jnp.arange(n)])
    dst = jnp.concatenate([dst, jnp.arange(n)])
    return src, dst


def _pointnet_conv(h, pos, src, dst, Wa, ba, Wb, bb):
    # message: local_nn(cat[x_j, pos_j - pos_i]), aggr='max'
    rel = pos[src] - pos[dst]
    m = jnp.concatenate([h[src], rel], axis=-1)
    m = jnp.maximum(m @ Wa + ba, 0.0)
    m = m @ Wb + bb
    return jax.ops.segment_max(m, dst, num_segments=pos.shape[0])


def reference(x, batch, W1, b1, W2, b2, W3, b3, W4, b4, Wc, bc):
    pos = x
    src, dst = _knn_edges(pos, K)
    h = jnp.maximum(_pointnet_conv(x, pos, src, dst, W1, b1, W2, b2), 0.0)
    h = jnp.maximum(_pointnet_conv(h, pos, src, dst, W3, b3, W4, b4), 0.0)
    logits = h @ Wc + bc
    return jax.nn.log_softmax(logits, axis=-1)

if __name__ == "__main__":
    import jax
    _d = setup_inputs()
    print(jax.jit(kernel)(*tuple(_d.values())))

</pallas_src>

<mosaic_0001>
#map = affine_map<(d0, d1) -> (0, 0)>
#map1 = affine_map<(d0, d1) -> (0)>
module attributes {stable_mosaic.version = 14 : i64} {
  func.func @gather(%arg0: i32, %arg1: i32, %arg2: memref<10240x32xf32, #tpu.memory_space<hbm>>, %arg3: memref<81920xi32, #tpu.memory_space<hbm>>, %arg4: memref<81920x32xf32, #tpu.memory_space<hbm>>, %arg5: memref<256xi32, #tpu.memory_space<vmem>>, %arg6: memref<256xi32, #tpu.memory_space<vmem>>, %arg7: memref<256xi32, #tpu.memory_space<vmem>>, %arg8: memref<256x32xf32, #tpu.memory_space<vmem>>, %arg9: memref<256x32xf32, #tpu.memory_space<vmem>>, %arg10: memref<256x32xf32, #tpu.memory_space<vmem>>, %arg11: memref<!tpu.dma_semaphore, #tpu.memory_space<semaphore_mem>>, %arg12: memref<!tpu.dma_semaphore, #tpu.memory_space<semaphore_mem>>, %arg13: memref<!tpu.dma_semaphore, #tpu.memory_space<semaphore_mem>>, %arg14: memref<!tpu.dma_semaphore, #tpu.memory_space<semaphore_mem>>, %arg15: memref<!tpu.dma_semaphore, #tpu.memory_space<semaphore_mem>>, %arg16: memref<!tpu.dma_semaphore, #tpu.memory_space<semaphore_mem>>, %arg17: memref<!tpu.dma_semaphore, #tpu.memory_space<semaphore_mem>>, %arg18: memref<!tpu.dma_semaphore, #tpu.memory_space<semaphore_mem>>, %arg19: memref<!tpu.dma_semaphore, #tpu.memory_space<semaphore_mem>>) attributes {dimension_semantics = [#tpu.dimension_semantics<core_parallel>, #tpu.dimension_semantics<subcore_parallel>], iteration_bounds = array<i64: 2, 16>, scalar_prefetch = 0 : i64, scratch_operands = 15 : i64, tpu.core_type = #tpu.core_type<sc_vector_subcore>, window_params = [{transform_indices = #map}, {transform_indices = #map1}, {transform_indices = #map}]} {
    %mul3A = arith.constant 2 : i32
    %mul3A_0 = arith.muli %arg1, %mul3A : i32
    %add3A = arith.addi %mul3A_0, %arg0 : i32
    %mul3A_1 = arith.constant 2560 : i32
    %mul3A_2 = arith.muli %add3A, %mul3A_1 : i32
    %add3A_3 = arith.constant 0 : i32
    %add3A_4 = arith.addi %mul3A_2, %add3A_3 : i32
    %dma_start3A = tpu.memref_slice %arg3[%add3A_4] : memref<81920xi32, #tpu.memory_space<hbm>> -> memref<256xi32, #tpu.memory_space<hbm>>
    %dma_start3A_5 = tpu.memref_slice %arg3[%add3A_4] : memref<81920xi32, #tpu.memory_space<hbm>> -> memref<256xi32, #tpu.memory_space<hbm>>
    tpu.enqueue_dma source(%dma_start3A_5 : memref<256xi32, #tpu.memory_space<hbm>>) target(%arg5 : memref<256xi32, #tpu.memory_space<vmem>>) target_semaphore(%arg11 : memref<!tpu.dma_semaphore, #tpu.memory_space<semaphore_mem>>)
    %add3A_6 = arith.constant 256 : i32
    %add3A_7 = arith.addi %mul3A_2, %add3A_6 : i32
    %dma_start3A_8 = tpu.memref_slice %arg3[%add3A_7] : memref<81920xi32, #tpu.memory_space<hbm>> -> memref<256xi32, #tpu.memory_space<hbm>>
    %dma_start3A_9 = tpu.memref_slice %arg3[%add3A_7] : memref<81920xi32, #tpu.memory_space<hbm>> -> memref<256xi32, #tpu.memory_space<hbm>>
    tpu.enqueue_dma source(%dma_start3A_9 : memref<256xi32, #tpu.memory_space<hbm>>) target(%arg6 : memref<256xi32, #tpu.memory_space<vmem>>) target_semaphore(%arg12 : memref<!tpu.dma_semaphore, #tpu.memory_space<semaphore_mem>>)
    %add3A_10 = arith.constant 512 : i32
    %add3A_11 = arith.addi %mul3A_2, %add3A_10 : i32
    %dma_start3A_12 = tpu.memref_slice %arg3[%add3A_11] : memref<81920xi32, #tpu.memory_space<hbm>> -> memref<256xi32, #tpu.memory_space<hbm>>
    %dma_start3A_13 = tpu.memref_slice %arg3[%add3A_11] : memref<81920xi32, #tpu.memory_space<hbm>> -> memref<256xi32, #tpu.memory_space<hbm>>
    tpu.enqueue_dma source(%dma_start3A_13 : memref<256xi32, #tpu.memory_space<hbm>>) target(%arg7 : memref<256xi32, #tpu.memory_space<vmem>>) target_semaphore(%arg13 : memref<!tpu.dma_semaphore, #tpu.memory_space<semaphore_mem>>)
    %dma_wait3A = tpu.memref_slice %arg3[%add3A_4] : memref<81920xi32, #tpu.memory_space<hbm>> -> memref<256xi32, #tpu.memory_space<hbm>>
    %dma_wait3A_14 = tpu.memref_slice %arg3[%add3A_4] : memref<81920xi32, #tpu.memory_space<hbm>> -> memref<256xi32, #tpu.memory_space<hbm>>
    tpu.wait_dma2 semaphore(%arg11 : memref<!tpu.dma_semaphore, #tpu.memory_space<semaphore_mem>>) src(%dma_wait3A_14 : memref<256xi32, #tpu.memory_space<hbm>>) dst(%arg5 : memref<256xi32, #tpu.memory_space<vmem>>)
    %dma_start3A_15 = arith.constant 0 : i32
    %dma_start3A_16 = arith.constant 0 : i32
    %dma_start3A_17 = tpu.memref_slice %arg2[%dma_start3A_15, %dma_start3A_16] : memref<10240x32xf32, #tpu.memory_space<hbm>> -> memref<10240x32xf32, #tpu.memory_space<hbm>>
    tpu.enqueue_indirect_dma source(%dma_start3A_17 : memref<10240x32xf32, #tpu.memory_space<hbm>>) target(%arg8 : memref<256x32xf32, #tpu.memory_space<vmem>>) offsets(%arg5 : memref<256xi32, #tpu.memory_space<vmem>>) semaphore(%arg14 : memref<!tpu.dma_semaphore, #tpu.memory_space<semaphore_mem>>)
    %dma_wait3A_18 = tpu.memref_slice %arg3[%add3A_7] : memref<81920xi32, #tpu.memory_space<hbm>> -> memref<256xi32, #tpu.memory_space<hbm>>
    %dma_wait3A_19 = tpu.memref_slice %arg3[%add3A_7] : memref<81920xi32, #tpu.memory_space<hbm>> -> memref<256xi32, #tpu.memory_space<hbm>>
    tpu.wait_dma2 semaphore(%arg12 : memref<!tpu.dma_semaphore, #tpu.memory_space<semaphore_mem>>) src(%dma_wait3A_19 : memref<256xi32, #tpu.memory_space<hbm>>) dst(%arg6 : memref<256xi32, #tpu.memory_space<vmem>>)
    %dma_start3A_20 = arith.constant 0 : i32
    %dma_start3A_21 = arith.constant 0 : i32
    %dma_start3A_22 = tpu.memref_slice %arg2[%dma_start3A_20, %dma_start3A_21] : memref<10240x32xf32, #tpu.memory_space<hbm>> -> memref<10240x32xf32, #tpu.memory_space<hbm>>
    tpu.enqueue_indirect_dma source(%dma_start3A_22 : memref<10240x32xf32, #tpu.memory_space<hbm>>) target(%arg9 : memref<256x32xf32, #tpu.memory_space<vmem>>) offsets(%arg6 : memref<256xi32, #tpu.memory_space<vmem>>) semaphore(%arg15 : memref<!tpu.dma_semaphore, #tpu.memory_space<semaphore_mem>>)
    %dma_wait3A_23 = arith.constant 0 : i32
    %dma_wait3A_24 = arith.constant 0 : i32
    %dma_wait3A_25 = tpu.memref_slice %arg2[%dma_wait3A_23, %dma_wait3A_24] : memref<10240x32xf32, #tpu.memory_space<hbm>> -> memref<10240x32xf32, #tpu.memory_space<hbm>>
    tpu.wait_indirect_dma semaphore(%arg14 : memref<!tpu.dma_semaphore, #tpu.memory_space<semaphore_mem>>) src(%dma_wait3A_25 : memref<10240x32xf32, #tpu.memory_space<hbm>>) dst(%arg8 : memref<256x32xf32, #tpu.memory_space<vmem>>)
    %add3A_26 = arith.constant 0 : i32
    %add3A_27 = arith.addi %mul3A_2, %add3A_26 : i32
    %dma_start3A_28 = arith.constant 0 : i32
    %dma_start3A_29 = tpu.memref_slice %arg4[%add3A_27, %dma_start3A_28] : memref<81920x32xf32, #tpu.memory_space<hbm>> -> memref<256x32xf32, #tpu.memory_space<hbm>>
    %dma_start3A_30 = arith.constant 0 : i32
    %dma_start3A_31 = tpu.memref_slice %arg4[%add3A_27, %dma_start3A_30] : memref<81920x32xf32, #tpu.memory_space<hbm>> -> memref<256x32xf32, #tpu.memory_space<hbm>>
    tpu.enqueue_dma source(%arg8 : memref<256x32xf32, #tpu.memory_space<vmem>>) target(%dma_start3A_31 : memref<256x32xf32, #tpu.memory_space<hbm>>) target_semaphore(%arg17 : memref<!tpu.dma_semaphore, #tpu.memory_space<semaphore_mem>>)
    %add3A_32 = arith.constant 768 : i32
    %add3A_33 = arith.addi %mul3A_2, %add3A_32 : i32
    %dma_start3A_34 = tpu.memref_slice %arg3[%add3A_33] : memref<81920xi32, #tpu.memory_space<hbm>> -> memref<256xi32, #tpu.memory_space<hbm>>
    %dma_start3A_35 = tpu.memref_slice %arg3[%add3A_33] : memref<81920xi32, #tpu.memory_space<hbm>> -> memref<256xi32, #tpu.memory_space<hbm>>
    tpu.enqueue_dma source(%dma_start3A_35 : memref<256xi32, #tpu.memory_space<hbm>>) target(%arg5 : memref<256xi32, #tpu.memory_space<vmem>>) target_semaphore(%arg11 : memref<!tpu.dma_semaphore, #tpu.memory_space<semaphore_mem>>)
    %dma_wait3A_36 = tpu.memref_slice %arg3[%add3A_11] : memref<81920xi32, #tpu.memory_space<hbm>> -> memref<256xi32, #tpu.memory_space<hbm>>
    %dma_wait3A_37 = tpu.memref_slice %arg3[%add3A_11] : memref<81920xi32, #tpu.memory_space<hbm>> -> memref<256xi32, #tpu.memory_space<hbm>>
    tpu.wait_dma2 semaphore(%arg13 : memref<!tpu.dma_semaphore, #tpu.memory_space<semaphore_mem>>) src(%dma_wait3A_37 : memref<256xi32, #tpu.memory_space<hbm>>) dst(%arg7 : memref<256xi32, #tpu.memory_space<vmem>>)
    %dma_start3A_38 = arith.constant 0 : i32
    %dma_start3A_39 = arith.constant 0 : i32
    %dma_start3A_40 = tpu.memref_slice %arg2[%dma_start3A_38, %dma_start3A_39] : memref<10240x32xf32, #tpu.memory_space<hbm>> -> memref<10240x32xf32, #tpu.memory_space<hbm>>
    tpu.enqueue_indirect_dma source(%dma_start3A_40 : memref<10240x32xf32, #tpu.memory_space<hbm>>) target(%arg10 : memref<256x32xf32, #tpu.memory_space<vmem>>) offsets(%arg7 : memref<256xi32, #tpu.memory_space<vmem>>) semaphore(%arg16 : memref<!tpu.dma_semaphore, #tpu.memory_space<semaphore_mem>>)
    %dma_wait3A_41 = arith.constant 0 : i32
    %dma_wait3A_42 = arith.constant 0 : i32
    %dma_wait3A_43 = tpu.memref_slice %arg2[%dma_wait3A_41, %dma_wait3A_42] : memref<10240x32xf32, #tpu.memory_space<hbm>> -> memref<10240x32xf32, #tpu.memory_space<hbm>>
    tpu.wait_indirect_dma semaphore(%arg15 : memref<!tpu.dma_semaphore, #tpu.memory_space<semaphore_mem>>) src(%dma_wait3A_43 : memref<10240x32xf32, #tpu.memory_space<hbm>>) dst(%arg9 : memref<256x32xf32, #tpu.memory_space<vmem>>)
    %add3A_44 = arith.constant 256 : i32
    %add3A_45 = arith.addi %mul3A_2, %add3A_44 : i32
    %dma_start3A_46 = arith.constant 0 : i32
    %dma_start3A_47 = tpu.memref_slice %arg4[%add3A_45, %dma_start3A_46] : memref<81920x32xf32, #tpu.memory_space<hbm>> -> memref<256x32xf32, #tpu.memory_space<hbm>>
    %dma_start3A_48 = arith.constant 0 : i32
    %dma_start3A_49 = tpu.memref_slice %arg4[%add3A_45, %dma_start3A_48] : memref<81920x32xf32, #tpu.memory_space<hbm>> -> memref<256x32xf32, #tpu.memory_space<hbm>>
    tpu.enqueue_dma source(%arg9 : memref<256x32xf32, #tpu.memory_space<vmem>>) target(%dma_start3A_49 : memref<256x32xf32, #tpu.memory_space<hbm>>) target_semaphore(%arg18 : memref<!tpu.dma_semaphore, #tpu.memory_space<semaphore_mem>>)
    %add3A_50 = arith.constant 1024 : i32
    %add3A_51 = arith.addi %mul3A_2, %add3A_50 : i32
    %dma_start3A_52 = tpu.memref_slice %arg3[%add3A_51] : memref<81920xi32, #tpu.memory_space<hbm>> -> memref<256xi32, #tpu.memory_space<hbm>>
    %dma_start3A_53 = tpu.memref_slice %arg3[%add3A_51] : memref<81920xi32, #tpu.memory_space<hbm>> -> memref<256xi32, #tpu.memory_space<hbm>>
    tpu.enqueue_dma source(%dma_start3A_53 : memref<256xi32, #tpu.memory_space<hbm>>) target(%arg6 : memref<256xi32, #tpu.memory_space<vmem>>) target_semaphore(%arg12 : memref<!tpu.dma_semaphore, #tpu.memory_space<semaphore_mem>>)
    %dma_wait3A_54 = arith.constant 0 : i32
    %dma_wait3A_55 = tpu.memref_slice %arg4[%add3A_27, %dma_wait3A_54] : memref<81920x32xf32, #tpu.memory_space<hbm>> -> memref<256x32xf32, #tpu.memory_space<hbm>>
    %dma_wait3A_56 = arith.constant 0 : i32
    %dma_wait3A_57 = tpu.memref_slice %arg4[%add3A_27, %dma_wait3A_56] : memref<81920x32xf32, #tpu.memory_space<hbm>> -> memref<256x32xf32, #tpu.memory_space<hbm>>
    tpu.wait_dma2 semaphore(%arg17 : memref<!tpu.dma_semaphore, #tpu.memory_space<semaphore_mem>>) src(%arg8 : memref<256x32xf32, #tpu.memory_space<vmem>>) dst(%dma_wait3A_57 : memref<256x32xf32, #tpu.memory_space<hbm>>)
    %dma_wait3A_58 = tpu.memref_slice %arg3[%add3A_33] : memref<81920xi32, #tpu.memory_space<hbm>> -> memref<256xi32, #tpu.memory_space<hbm>>
    %dma_wait3A_59 = tpu.memref_slice %arg3[%add3A_33] : memref<81920xi32, #tpu.memory_space<hbm>> -> memref<256xi32, #tpu.memory_space<hbm>>
    tpu.wait_dma2 semaphore(%arg11 : memref<!tpu.dma_semaphore, #tpu.memory_space<semaphore_mem>>) src(%dma_wait3A_59 : memref<256xi32, #tpu.memory_space<hbm>>) dst(%arg5 : memref<256xi32, #tpu.memory_space<vmem>>)
    %dma_start3A_60 = arith.constant 0 : i32
    %dma_start3A_61 = arith.constant 0 : i32
    %dma_start3A_62 = tpu.memref_slice %arg2[%dma_start3A_60, %dma_start3A_61] : memref<10240x32xf32, #tpu.memory_space<hbm>> -> memref<10240x32xf32, #tpu.memory_space<hbm>>
    tpu.enqueue_indirect_dma source(%dma_start3A_62 : memref<10240x32xf32, #tpu.memory_space<hbm>>) target(%arg8 : memref<256x32xf32, #tpu.memory_space<vmem>>) offsets(%arg5 : memref<256xi32, #tpu.memory_space<vmem>>) semaphore(%arg14 : memref<!tpu.dma_semaphore, #tpu.memory_space<semaphore_mem>>)
    %dma_wait3A_63 = arith.constant 0 : i32
    %dma_wait3A_64 = arith.constant 0 : i32
    %dma_wait3A_65 = tpu.memref_slice %arg2[%dma_wait3A_63, %dma_wait3A_64] : memref<10240x32xf32, #tpu.memory_space<hbm>> -> memref<10240x32xf32, #tpu.memory_space<hbm>>
    tpu.wait_indirect_dma semaphore(%arg16 : memref<!tpu.dma_semaphore, #tpu.memory_space<semaphore_mem>>) src(%dma_wait3A_65 : memref<10240x32xf32, #tpu.memory_space<hbm>>) dst(%arg10 : memref<256x32xf32, #tpu.memory_space<vmem>>)
    %add3A_66 = arith.constant 512 : i32
    %add3A_67 = arith.addi %mul3A_2, %add3A_66 : i32
    %dma_start3A_68 = arith.constant 0 : i32
    %dma_start3A_69 = tpu.memref_slice %arg4[%add3A_67, %dma_start3A_68] : memref<81920x32xf32, #tpu.memory_space<hbm>> -> memref<256x32xf32, #tpu.memory_space<hbm>>
    %dma_start3A_70 = arith.constant 0 : i32
    %dma_start3A_71 = tpu.memref_slice %arg4[%add3A_67, %dma_start3A_70] : memref<81920x32xf32, #tpu.memory_space<hbm>> -> memref<256x32xf32, #tpu.memory_space<hbm>>
    tpu.enqueue_dma source(%arg10 : memref<256x32xf32, #tpu.memory_space<vmem>>) target(%dma_start3A_71 : memref<256x32xf32, #tpu.memory_space<hbm>>) target_semaphore(%arg19 : memref<!tpu.dma_semaphore, #tpu.memory_space<semaphore_mem>>)
    %add3A_72 = arith.constant 1280 : i32
    %add3A_73 = arith.addi %mul3A_2, %add3A_72 : i32
    %dma_start3A_74 = tpu.memref_slice %arg3[%add3A_73] : memref<81920xi32, #tpu.memory_space<hbm>> -> memref<256xi32, #tpu.memory_space<hbm>>
    %dma_start3A_75 = tpu.memref_slice %arg3[%add3A_73] : memref<81920xi32, #tpu.memory_space<hbm>> -> memref<256xi32, #tpu.memory_space<hbm>>
    tpu.enqueue_dma source(%dma_start3A_75 : memref<256xi32, #tpu.memory_space<hbm>>) target(%arg7 : memref<256xi32, #tpu.memory_space<vmem>>) target_semaphore(%arg13 : memref<!tpu.dma_semaphore, #tpu.memory_space<semaphore_mem>>)
    %dma_wait3A_76 = arith.constant 0 : i32
    %dma_wait3A_77 = tpu.memref_slice %arg4[%add3A_45, %dma_wait3A_76] : memref<81920x32xf32, #tpu.memory_space<hbm>> -> memref<256x32xf32, #tpu.memory_space<hbm>>
    %dma_wait3A_78 = arith.constant 0 : i32
    %dma_wait3A_79 = tpu.memref_slice %arg4[%add3A_45, %dma_wait3A_78] : memref<81920x32xf32, #tpu.memory_space<hbm>> -> memref<256x32xf32, #tpu.memory_space<hbm>>
    tpu.wait_dma2 semaphore(%arg18 : memref<!tpu.dma_semaphore, #tpu.memory_space<semaphore_mem>>) src(%arg9 : memref<256x32xf32, #tpu.memory_space<vmem>>) dst(%dma_wait3A_79 : memref<256x32xf32, #tpu.memory_space<hbm>>)
    %dma_wait3A_80 = tpu.memref_slice %arg3[%add3A_51] : memref<81920xi32, #tpu.memory_space<hbm>> -> memref<256xi32, #tpu.memory_space<hbm>>
    %dma_wait3A_81 = tpu.memref_slice %arg3[%add3A_51] : memref<81920xi32, #tpu.memory_space<hbm>> -> memref<256xi32, #tpu.memory_space<hbm>>
    tpu.wait_dma2 semaphore(%arg12 : memref<!tpu.dma_semaphore, #tpu.memory_space<semaphore_mem>>) src(%dma_wait3A_81 : memref<256xi32, #tpu.memory_space<hbm>>) dst(%arg6 : memref<256xi32, #tpu.memory_space<vmem>>)
    %dma_start3A_82 = arith.constant 0 : i32
    %dma_start3A_83 = arith.constant 0 : i32
    %dma_start3A_84 = tpu.memref_slice %arg2[%dma_start3A_82, %dma_start3A_83] : memref<10240x32xf32, #tpu.memory_space<hbm>> -> memref<10240x32xf32, #tpu.memory_space<hbm>>
    tpu.enqueue_indirect_dma source(%dma_start3A_84 : memref<10240x32xf32, #tpu.memory_space<hbm>>) target(%arg9 : memref<256x32xf32, #tpu.memory_space<vmem>>) offsets(%arg6 : memref<256xi32, #tpu.memory_space<vmem>>) semaphore(%arg15 : memref<!tpu.dma_semaphore, #tpu.memory_space<semaphore_mem>>)
    %dma_wait3A_85 = arith.constant 0 : i32
    %dma_wait3A_86 = arith.constant 0 : i32
    %dma_wait3A_87 = tpu.memref_slice %arg2[%dma_wait3A_85, %dma_wait3A_86] : memref<10240x32xf32, #tpu.memory_space<hbm>> -> memref<10240x32xf32, #tpu.memory_space<hbm>>
    tpu.wait_indirect_dma semaphore(%arg14 : memref<!tpu.dma_semaphore, #tpu.memory_space<semaphore_mem>>) src(%dma_wait3A_87 : memref<10240x32xf32, #tpu.memory_space<hbm>>) dst(%arg8 : memref<256x32xf32, #tpu.memory_space<vmem>>)
    %add3A_88 = arith.constant 768 : i32
    %add3A_89 = arith.addi %mul3A_2, %add3A_88 : i32
    %dma_start3A_90 = arith.constant 0 : i32
    %dma_start3A_91 = tpu.memref_slice %arg4[%add3A_89, %dma_start3A_90] : memref<81920x32xf32, #tpu.memory_space<hbm>> -> memref<256x32xf32, #tpu.memory_space<hbm>>
    %dma_start3A_92 = arith.constant 0 : i32
    %dma_start3A_93 = tpu.memref_slice %arg4[%add3A_89, %dma_start3A_92] : memref<81920x32xf32, #tpu.memory_space<hbm>> -> memref<256x32xf32, #tpu.memory_space<hbm>>
    tpu.enqueue_dma source(%arg8 : memref<256x32xf32, #tpu.memory_space<vmem>>) target(%dma_start3A_93 : memref<256x32xf32, #tpu.memory_space<hbm>>) target_semaphore(%arg17 : memref<!tpu.dma_semaphore, #tpu.memory_space<semaphore_mem>>)
    %add3A_94 = arith.constant 1536 : i32
    %add3A_95 = arith.addi %mul3A_2, %add3A_94 : i32
    %dma_start3A_96 = tpu.memref_slice %arg3[%add3A_95] : memref<81920xi32, #tpu.memory_space<hbm>> -> memref<256xi32, #tpu.memory_space<hbm>>
    %dma_start3A_97 = tpu.memref_slice %arg3[%add3A_95] : memref<81920xi32, #tpu.memory_space<hbm>> -> memref<256xi32, #tpu.memory_space<hbm>>
    tpu.enqueue_dma source(%dma_start3A_97 : memref<256xi32, #tpu.memory_space<hbm>>) target(%arg5 : memref<256xi32, #tpu.memory_space<vmem>>) target_semaphore(%arg11 : memref<!tpu.dma_semaphore, #tpu.memory_space<semaphore_mem>>)
    %dma_wait3A_98 = arith.constant 0 : i32
    %dma_wait3A_99 = tpu.memref_slice %arg4[%add3A_67, %dma_wait3A_98] : memref<81920x32xf32, #tpu.memory_space<hbm>> -> memref<256x32xf32, #tpu.memory_space<hbm>>
    %dma_wait3A_100 = arith.constant 0 : i32
    %dma_wait3A_101 = tpu.memref_slice %arg4[%add3A_67, %dma_wait3A_100] : memref<81920x32xf32, #tpu.memory_space<hbm>> -> memref<256x32xf32, #tpu.memory_space<hbm>>
    tpu.wait_dma2 semaphore(%arg19 : memref<!tpu.dma_semaphore, #tpu.memory_space<semaphore_mem>>) src(%arg10 : memref<256x32xf32, #tpu.memory_space<vmem>>) dst(%dma_wait3A_101 : memref<256x32xf32, #tpu.memory_space<hbm>>)
    %dma_wait3A_102 = tpu.memref_slice %arg3[%add3A_73] : memref<81920xi32, #tpu.memory_space<hbm>> -> memref<256xi32, #tpu.memory_space<hbm>>
    %dma_wait3A_103 = tpu.memref_slice %arg3[%add3A_73] : memref<81920xi32, #tpu.memory_space<hbm>> -> memref<256xi32, #tpu.memory_space<hbm>>
    tpu.wait_dma2 semaphore(%arg13 : memref<!tpu.dma_semaphore, #tpu.memory_space<semaphore_mem>>) src(%dma_wait3A_103 : memref<256xi32, #tpu.memory_space<hbm>>) dst(%arg7 : memref<256xi32, #tpu.memory_space<vmem>>)
    %dma_start3A_104 = arith.constant 0 : i32
    %dma_start3A_105 = arith.constant 0 : i32
    %dma_start3A_106 = tpu.memref_slice %arg2[%dma_start3A_104, %dma_start3A_105] : memref<10240x32xf32, #tpu.memory_space<hbm>> -> memref<10240x32xf32, #tpu.memory_space<hbm>>
    tpu.enqueue_indirect_dma source(%dma_start3A_106 : memref<10240x32xf32, #tpu.memory_space<hbm>>) target(%arg10 : memref<256x32xf32, #tpu.memory_space<vmem>>) offsets(%arg7 : memref<256xi32, #tpu.memory_space<vmem>>) semaphore(%arg16 : memref<!tpu.dma_semaphore, #tpu.memory_space<semaphore_mem>>)
    %dma_wait3A_107 = arith.constant 0 : i32
    %dma_wait3A_108 = arith.constant 0 : i32
    %dma_wait3A_109 = tpu.memref_slice %arg2[%dma_wait3A_107, %dma_wait3A_108] : memref<10240x32xf32, #tpu.memory_space<hbm>> -> memref<10240x32xf32, #tpu.memory_space<hbm>>
    tpu.wait_indirect_dma semaphore(%arg15 : memref<!tpu.dma_semaphore, #tpu.memory_space<semaphore_mem>>) src(%dma_wait3A_109 : memref<10240x32xf32, #tpu.memory_space<hbm>>) dst(%arg9 : memref<256x32xf32, #tpu.memory_space<vmem>>)
    %add3A_110 = arith.constant 1024 : i32
    %add3A_111 = arith.addi %mul3A_2, %add3A_110 : i32
    %dma_start3A_112 = arith.constant 0 : i32
    %dma_start3A_113 = tpu.memref_slice %arg4[%add3A_111, %dma_start3A_112] : memref<81920x32xf32, #tpu.memory_space<hbm>> -> memref<256x32xf32, #tpu.memory_space<hbm>>
    %dma_start3A_114 = arith.constant 0 : i32
    %dma_start3A_115 = tpu.memref_slice %arg4[%add3A_111, %dma_start3A_114] : memref<81920x32xf32, #tpu.memory_space<hbm>> -> memref<256x32xf32, #tpu.memory_space<hbm>>
    tpu.enqueue_dma source(%arg9 : memref<256x32xf32, #tpu.memory_space<vmem>>) target(%dma_start3A_115 : memref<256x32xf32, #tpu.memory_space<hbm>>) target_semaphore(%arg18 : memref<!tpu.dma_semaphore, #tpu.memory_space<semaphore_mem>>)
    %add3A_116 = arith.constant 1792 : i32
    %add3A_117 = arith.addi %mul3A_2, %add3A_116 : i32
    %dma_start3A_118 = tpu.memref_slice %arg3[%add3A_117] : memref<81920xi32, #tpu.memory_space<hbm>> -> memref<256xi32, #tpu.memory_space<hbm>>
    %dma_start3A_119 = tpu.memref_slice %arg3[%add3A_117] : memref<81920xi32, #tpu.memory_space<hbm>> -> memref<256xi32, #tpu.memory_space<hbm>>
    tpu.enqueue_dma source(%dma_start3A_119 : memref<256xi32, #tpu.memory_space<hbm>>) target(%arg6 : memref<256xi32, #tpu.memory_space<vmem>>) target_semaphore(%arg12 : memref<!tpu.dma_semaphore, #tpu.memory_space<semaphore_mem>>)
    %dma_wait3A_120 = arith.constant 0 : i32
    %dma_wait3A_121 = tpu.memref_slice %arg4[%add3A_89, %dma_wait3A_120] : memref<81920x32xf32, #tpu.memory_space<hbm>> -> memref<256x32xf32, #tpu.memory_space<hbm>>
    %dma_wait3A_122 = arith.constant 0 : i32
    %dma_wait3A_123 = tpu.memref_slice %arg4[%add3A_89, %dma_wait3A_122] : memref<81920x32xf32, #tpu.memory_space<hbm>> -> memref<256x32xf32, #tpu.memory_space<hbm>>
    tpu.wait_dma2 semaphore(%arg17 : memref<!tpu.dma_semaphore, #tpu.memory_space<semaphore_mem>>) src(%arg8 : memref<256x32xf32, #tpu.memory_space<vmem>>) dst(%dma_wait3A_123 : memref<256x32xf32, #tpu.memory_space<hbm>>)
    %dma_wait3A_124 = tpu.memref_slice %arg3[%add3A_95] : memref<81920xi32, #tpu.memory_space<hbm>> -> memref<256xi32, #tpu.memory_space<hbm>>
    %dma_wait3A_125 = tpu.memref_slice %arg3[%add3A_95] : memref<81920xi32, #tpu.memory_space<hbm>> -> memref<256xi32, #tpu.memory_space<hbm>>
    tpu.wait_dma2 semaphore(%arg11 : memref<!tpu.dma_semaphore, #tpu.memory_space<semaphore_mem>>) src(%dma_wait3A_125 : memref<256xi32, #tpu.memory_space<hbm>>) dst(%arg5 : memref<256xi32, #tpu.memory_space<vmem>>)
    %dma_start3A_126 = arith.constant 0 : i32
    %dma_start3A_127 = arith.constant 0 : i32
    %dma_start3A_128 = tpu.memref_slice %arg2[%dma_start3A_126, %dma_start3A_127] : memref<10240x32xf32, #tpu.memory_space<hbm>> -> memref<10240x32xf32, #tpu.memory_space<hbm>>
    tpu.enqueue_indirect_dma source(%dma_start3A_128 : memref<10240x32xf32, #tpu.memory_space<hbm>>) target(%arg8 : memref<256x32xf32, #tpu.memory_space<vmem>>) offsets(%arg5 : memref<256xi32, #tpu.memory_space<vmem>>) semaphore(%arg14 : memref<!tpu.dma_semaphore, #tpu.memory_space<semaphore_mem>>)
    %dma_wait3A_129 = arith.constant 0 : i32
    %dma_wait3A_130 = arith.constant 0 : i32
    %dma_wait3A_131 = tpu.memref_slice %arg2[%dma_wait3A_129, %dma_wait3A_130] : memref<10240x32xf32, #tpu.memory_space<hbm>> -> memref<10240x32xf32, #tpu.memory_space<hbm>>
    tpu.wait_indirect_dma semaphore(%arg16 : memref<!tpu.dma_semaphore, #tpu.memory_space<semaphore_mem>>) src(%dma_wait3A_131 : memref<10240x32xf32, #tpu.memory_space<hbm>>) dst(%arg10 : memref<256x32xf32, #tpu.memory_space<vmem>>)
    %add3A_132 = arith.constant 1280 : i32
    %add3A_133 = arith.addi %mul3A_2, %add3A_132 : i32
    %dma_start3A_134 = arith.constant 0 : i32
    %dma_start3A_135 = tpu.memref_slice %arg4[%add3A_133, %dma_start3A_134] : memref<81920x32xf32, #tpu.memory_space<hbm>> -> memref<256x32xf32, #tpu.memory_space<hbm>>
    %dma_start3A_136 = arith.constant 0 : i32
    %dma_start3A_137 = tpu.memref_slice %arg4[%add3A_133, %dma_start3A_136] : memref<81920x32xf32, #tpu.memory_space<hbm>> -> memref<256x32xf32, #tpu.memory_space<hbm>>
    tpu.enqueue_dma source(%arg10 : memref<256x32xf32, #tpu.memory_space<vmem>>) target(%dma_start3A_137 : memref<256x32xf32, #tpu.memory_space<hbm>>) target_semaphore(%arg19 : memref<!tpu.dma_semaphore, #tpu.memory_space<semaphore_mem>>)
    %add3A_138 = arith.constant 2048 : i32
    %add3A_139 = arith.addi %mul3A_2, %add3A_138 : i32
    %dma_start3A_140 = tpu.memref_slice %arg3[%add3A_139] : memref<81920xi32, #tpu.memory_space<hbm>> -> memref<256xi32, #tpu.memory_space<hbm>>
    %dma_start3A_141 = tpu.memref_slice %arg3[%add3A_139] : memref<81920xi32, #tpu.memory_space<hbm>> -> memref<256xi32, #tpu.memory_space<hbm>>
    tpu.enqueue_dma source(%dma_start3A_141 : memref<256xi32, #tpu.memory_space<hbm>>) target(%arg7 : memref<256xi32, #tpu.memory_space<vmem>>) target_semaphore(%arg13 : memref<!tpu.dma_semaphore, #tpu.memory_space<semaphore_mem>>)
    %dma_wait3A_142 = arith.constant 0 : i32
    %dma_wait3A_143 = tpu.memref_slice %arg4[%add3A_111, %dma_wait3A_142] : memref<81920x32xf32, #tpu.memory_space<hbm>> -> memref<256x32xf32, #tpu.memory_space<hbm>>
    %dma_wait3A_144 = arith.constant 0 : i32
    %dma_wait3A_145 = tpu.memref_slice %arg4[%add3A_111, %dma_wait3A_144] : memref<81920x32xf32, #tpu.memory_space<hbm>> -> memref<256x32xf32, #tpu.memory_space<hbm>>
    tpu.wait_dma2 semaphore(%arg18 : memref<!tpu.dma_semaphore, #tpu.memory_space<semaphore_mem>>) src(%arg9 : memref<256x32xf32, #tpu.memory_space<vmem>>) dst(%dma_wait3A_145 : memref<256x32xf32, #tpu.memory_space<hbm>>)
    %dma_wait3A_146 = tpu.memref_slice %arg3[%add3A_117] : memref<81920xi32, #tpu.memory_space<hbm>> -> memref<256xi32, #tpu.memory_space<hbm>>
    %dma_wait3A_147 = tpu.memref_slice %arg3[%add3A_117] : memref<81920xi32, #tpu.memory_space<hbm>> -> memref<256xi32, #tpu.memory_space<hbm>>
    tpu.wait_dma2 semaphore(%arg12 : memref<!tpu.dma_semaphore, #tpu.memory_space<semaphore_mem>>) src(%dma_wait3A_147 : memref<256xi32, #tpu.memory_space<hbm>>) dst(%arg6 : memref<256xi32, #tpu.memory_space<vmem>>)
    %dma_start3A_148 = arith.constant 0 : i32
    %dma_start3A_149 = arith.constant 0 : i32
    %dma_start3A_150 = tpu.memref_slice %arg2[%dma_start3A_148, %dma_start3A_149] : memref<10240x32xf32, #tpu.memory_space<hbm>> -> memref<10240x32xf32, #tpu.memory_space<hbm>>
    tpu.enqueue_indirect_dma source(%dma_start3A_150 : memref<10240x32xf32, #tpu.memory_space<hbm>>) target(%arg9 : memref<256x32xf32, #tpu.memory_space<vmem>>) offsets(%arg6 : memref<256xi32, #tpu.memory_space<vmem>>) semaphore(%arg15 : memref<!tpu.dma_semaphore, #tpu.memory_space<semaphore_mem>>)
    %dma_wait3A_151 = arith.constant 0 : i32
    %dma_wait3A_152 = arith.constant 0 : i32
    %dma_wait3A_153 = tpu.memref_slice %arg2[%dma_wait3A_151, %dma_wait3A_152] : memref<10240x32xf32, #tpu.memory_space<hbm>> -> memref<10240x32xf32, #tpu.memory_space<hbm>>
    tpu.wait_indirect_dma semaphore(%arg14 : memref<!tpu.dma_semaphore, #tpu.memory_space<semaphore_mem>>) src(%dma_wait3A_153 : memref<10240x32xf32, #tpu.memory_space<hbm>>) dst(%arg8 : memref<256x32xf32, #tpu.memory_space<vmem>>)
    %add3A_154 = arith.constant 1536 : i32
    %add3A_155 = arith.addi %mul3A_2, %add3A_154 : i32
    %dma_start3A_156 = arith.constant 0 : i32
    %dma_start3A_157 = tpu.memref_slice %arg4[%add3A_155, %dma_start3A_156] : memref<81920x32xf32, #tpu.memory_space<hbm>> -> memref<256x32xf32, #tpu.memory_space<hbm>>
    %dma_start3A_158 = arith.constant 0 : i32
    %dma_start3A_159 = tpu.memref_slice %arg4[%add3A_155, %dma_start3A_158] : memref<81920x32xf32, #tpu.memory_space<hbm>> -> memref<256x32xf32, #tpu.memory_space<hbm>>
    tpu.enqueue_dma source(%arg8 : memref<256x32xf32, #tpu.memory_space<vmem>>) target(%dma_start3A_159 : memref<256x32xf32, #tpu.memory_space<hbm>>) target_semaphore(%arg17 : memref<!tpu.dma_semaphore, #tpu.memory_space<semaphore_mem>>)
    %add3A_160 = arith.constant 2304 : i32
    %add3A_161 = arith.addi %mul3A_2, %add3A_160 : i32
    %dma_start3A_162 = tpu.memref_slice %arg3[%add3A_161] : memref<81920xi32, #tpu.memory_space<hbm>> -> memref<256xi32, #tpu.memory_space<hbm>>
    %dma_start3A_163 = tpu.memref_slice %arg3[%add3A_161] : memref<81920xi32, #tpu.memory_space<hbm>> -> memref<256xi32, #tpu.memory_space<hbm>>
    tpu.enqueue_dma source(%dma_start3A_163 : memref<256xi32, #tpu.memory_space<hbm>>) target(%arg5 : memref<256xi32, #tpu.memory_space<vmem>>) target_semaphore(%arg11 : memref<!tpu.dma_semaphore, #tpu.memory_space<semaphore_mem>>)
    %dma_wait3A_164 = arith.constant 0 : i32
    %dma_wait3A_165 = tpu.memref_slice %arg4[%add3A_133, %dma_wait3A_164] : memref<81920x32xf32, #tpu.memory_space<hbm>> -> memref<256x32xf32, #tpu.memory_space<hbm>>
    %dma_wait3A_166 = arith.constant 0 : i32
    %dma_wait3A_167 = tpu.memref_slice %arg4[%add3A_133, %dma_wait3A_166] : memref<81920x32xf32, #tpu.memory_space<hbm>> -> memref<256x32xf32, #tpu.memory_space<hbm>>
    tpu.wait_dma2 semaphore(%arg19 : memref<!tpu.dma_semaphore, #tpu.memory_space<semaphore_mem>>) src(%arg10 : memref<256x32xf32, #tpu.memory_space<vmem>>) dst(%dma_wait3A_167 : memref<256x32xf32, #tpu.memory_space<hbm>>)
    %dma_wait3A_168 = tpu.memref_slice %arg3[%add3A_139] : memref<81920xi32, #tpu.memory_space<hbm>> -> memref<256xi32, #tpu.memory_space<hbm>>
    %dma_wait3A_169 = tpu.memref_slice %arg3[%add3A_139] : memref<81920xi32, #tpu.memory_space<hbm>> -> memref<256xi32, #tpu.memory_space<hbm>>
    tpu.wait_dma2 semaphore(%arg13 : memref<!tpu.dma_semaphore, #tpu.memory_space<semaphore_mem>>) src(%dma_wait3A_169 : memref<256xi32, #tpu.memory_space<hbm>>) dst(%arg7 : memref<256xi32, #tpu.memory_space<vmem>>)
    %dma_start3A_170 = arith.constant 0 : i32
    %dma_start3A_171 = arith.constant 0 : i32
    %dma_start3A_172 = tpu.memref_slice %arg2[%dma_start3A_170, %dma_start3A_171] : memref<10240x32xf32, #tpu.memory_space<hbm>> -> memref<10240x32xf32, #tpu.memory_space<hbm>>
    tpu.enqueue_indirect_dma source(%dma_start3A_172 : memref<10240x32xf32, #tpu.memory_space<hbm>>) target(%arg10 : memref<256x32xf32, #tpu.memory_space<vmem>>) offsets(%arg7 : memref<256xi32, #tpu.memory_space<vmem>>) semaphore(%arg16 : memref<!tpu.dma_semaphore, #tpu.memory_space<semaphore_mem>>)
    %dma_wait3A_173 = arith.constant 0 : i32
    %dma_wait3A_174 = arith.constant 0 : i32
    %dma_wait3A_175 = tpu.memref_slice %arg2[%dma_wait3A_173, %dma_wait3A_174] : memref<10240x32xf32, #tpu.memory_space<hbm>> -> memref<10240x32xf32, #tpu.memory_space<hbm>>
    tpu.wait_indirect_dma semaphore(%arg15 : memref<!tpu.dma_semaphore, #tpu.memory_space<semaphore_mem>>) src(%dma_wait3A_175 : memref<10240x32xf32, #tpu.memory_space<hbm>>) dst(%arg9 : memref<256x32xf32, #tpu.memory_space<vmem>>)
    %add3A_176 = arith.constant 1792 : i32
    %add3A_177 = arith.addi %mul3A_2, %add3A_176 : i32
    %dma_start3A_178 = arith.constant 0 : i32
    %dma_start3A_179 = tpu.memref_slice %arg4[%add3A_177, %dma_start3A_178] : memref<81920x32xf32, #tpu.memory_space<hbm>> -> memref<256x32xf32, #tpu.memory_space<hbm>>
    %dma_start3A_180 = arith.constant 0 : i32
    %dma_start3A_181 = tpu.memref_slice %arg4[%add3A_177, %dma_start3A_180] : memref<81920x32xf32, #tpu.memory_space<hbm>> -> memref<256x32xf32, #tpu.memory_space<hbm>>
    tpu.enqueue_dma source(%arg9 : memref<256x32xf32, #tpu.memory_space<vmem>>) target(%dma_start3A_181 : memref<256x32xf32, #tpu.memory_space<hbm>>) target_semaphore(%arg18 : memref<!tpu.dma_semaphore, #tpu.memory_space<semaphore_mem>>)
    %dma_wait3A_182 = arith.constant 0 : i32
    %dma_wait3A_183 = tpu.memref_slice %arg4[%add3A_155, %dma_wait3A_182] : memref<81920x32xf32, #tpu.memory_space<hbm>> -> memref<256x32xf32, #tpu.memory_space<hbm>>
    %dma_wait3A_184 = arith.constant 0 : i32
    %dma_wait3A_185 = tpu.memref_slice %arg4[%add3A_155, %dma_wait3A_184] : memref<81920x32xf32, #tpu.memory_space<hbm>> -> memref<256x32xf32, #tpu.memory_space<hbm>>
    tpu.wait_dma2 semaphore(%arg17 : memref<!tpu.dma_semaphore, #tpu.memory_space<semaphore_mem>>) src(%arg8 : memref<256x32xf32, #tpu.memory_space<vmem>>) dst(%dma_wait3A_185 : memref<256x32xf32, #tpu.memory_space<hbm>>)
    %dma_wait3A_186 = tpu.memref_slice %arg3[%add3A_161] : memref<81920xi32, #tpu.memory_space<hbm>> -> memref<256xi32, #tpu.memory_space<hbm>>
    %dma_wait3A_187 = tpu.memref_slice %arg3[%add3A_161] : memref<81920xi32, #tpu.memory_space<hbm>> -> memref<256xi32, #tpu.memory_space<hbm>>
    tpu.wait_dma2 semaphore(%arg11 : memref<!tpu.dma_semaphore, #tpu.memory_space<semaphore_mem>>) src(%dma_wait3A_187 : memref<256xi32, #tpu.memory_space<hbm>>) dst(%arg5 : memref<256xi32, #tpu.memory_space<vmem>>)
    %dma_start3A_188 = arith.constant 0 : i32
    %dma_start3A_189 = arith.constant 0 : i32
    %dma_start3A_190 = tpu.memref_slice %arg2[%dma_start3A_188, %dma_start3A_189] : memref<10240x32xf32, #tpu.memory_space<hbm>> -> memref<10240x32xf32, #tpu.memory_space<hbm>>
    tpu.enqueue_indirect_dma source(%dma_start3A_190 : memref<10240x32xf32, #tpu.memory_space<hbm>>) target(%arg8 : memref<256x32xf32, #tpu.memory_space<vmem>>) offsets(%arg5 : memref<256xi32, #tpu.memory_space<vmem>>) semaphore(%arg14 : memref<!tpu.dma_semaphore, #tpu.memory_space<semaphore_mem>>)
    %dma_wait3A_191 = arith.constant 0 : i32
    %dma_wait3A_192 = arith.constant 0 : i32
    %dma_wait3A_193 = tpu.memref_slice %arg2[%dma_wait3A_191, %dma_wait3A_192] : memref<10240x32xf32, #tpu.memory_space<hbm>> -> memref<10240x32xf32, #tpu.memory_space<hbm>>
    tpu.wait_indirect_dma semaphore(%arg16 : memref<!tpu.dma_semaphore, #tpu.memory_space<semaphore_mem>>) src(%dma_wait3A_193 : memref<10240x32xf32, #tpu.memory_space<hbm>>) dst(%arg10 : memref<256x32xf32, #tpu.memory_space<vmem>>)
    %add3A_194 = arith.constant 2048 : i32
    %add3A_195 = arith.addi %mul3A_2, %add3A_194 : i32
    %dma_start3A_196 = arith.constant 0 : i32
    %dma_start3A_197 = tpu.memref_slice %arg4[%add3A_195, %dma_start3A_196] : memref<81920x32xf32, #tpu.memory_space<hbm>> -> memref<256x32xf32, #tpu.memory_space<hbm>>
    %dma_start3A_198 = arith.constant 0 : i32
    %dma_start3A_199 = tpu.memref_slice %arg4[%add3A_195, %dma_start3A_198] : memref<81920x32xf32, #tpu.memory_space<hbm>> -> memref<256x32xf32, #tpu.memory_space<hbm>>
    tpu.enqueue_dma source(%arg10 : memref<256x32xf32, #tpu.memory_space<vmem>>) target(%dma_start3A_199 : memref<256x32xf32, #tpu.memory_space<hbm>>) target_semaphore(%arg19 : memref<!tpu.dma_semaphore, #tpu.memory_space<semaphore_mem>>)
    %dma_wait3A_200 = arith.constant 0 : i32
    %dma_wait3A_201 = arith.constant 0 : i32
    %dma_wait3A_202 = tpu.memref_slice %arg2[%dma_wait3A_200, %dma_wait3A_201] : memref<10240x32xf32, #tpu.memory_space<hbm>> -> memref<10240x32xf32, #tpu.memory_space<hbm>>
    tpu.wait_indirect_dma semaphore(%arg14 : memref<!tpu.dma_semaphore, #tpu.memory_space<semaphore_mem>>) src(%dma_wait3A_202 : memref<10240x32xf32, #tpu.memory_space<hbm>>) dst(%arg8 : memref<256x32xf32, #tpu.memory_space<vmem>>)
    %add3A_203 = arith.constant 2304 : i32
    %add3A_204 = arith.addi %mul3A_2, %add3A_203 : i32
    %dma_start3A_205 = arith.constant 0 : i32
    %dma_start3A_206 = tpu.memref_slice %arg4[%add3A_204, %dma_start3A_205] : memref<81920x32xf32, #tpu.memory_space<hbm>> -> memref<256x32xf32, #tpu.memory_space<hbm>>
    %dma_start3A_207 = arith.constant 0 : i32
    %dma_start3A_208 = tpu.memref_slice %arg4[%add3A_204, %dma_start3A_207] : memref<81920x32xf32, #tpu.memory_space<hbm>> -> memref<256x32xf32, #tpu.memory_space<hbm>>
    tpu.enqueue_dma source(%arg8 : memref<256x32xf32, #tpu.memory_space<vmem>>) target(%dma_start3A_208 : memref<256x32xf32, #tpu.memory_space<hbm>>) target_semaphore(%arg17 : memref<!tpu.dma_semaphore, #tpu.memory_space<semaphore_mem>>)
    %dma_wait3A_209 = arith.constant 0 : i32
    %dma_wait3A_210 = tpu.memref_slice %arg4[%add3A_204, %dma_wait3A_209] : memref<81920x32xf32, #tpu.memory_space<hbm>> -> memref<256x32xf32, #tpu.memory_space<hbm>>
    %dma_wait3A_211 = arith.constant 0 : i32
    %dma_wait3A_212 = tpu.memref_slice %arg4[%add3A_204, %dma_wait3A_211] : memref<81920x32xf32, #tpu.memory_space<hbm>> -> memref<256x32xf32, #tpu.memory_space<hbm>>
    tpu.wait_dma2 semaphore(%arg17 : memref<!tpu.dma_semaphore, #tpu.memory_space<semaphore_mem>>) src(%arg8 : memref<256x32xf32, #tpu.memory_space<vmem>>) dst(%dma_wait3A_212 : memref<256x32xf32, #tpu.memory_space<hbm>>)
    %dma_wait3A_213 = arith.constant 0 : i32
    %dma_wait3A_214 = tpu.memref_slice %arg4[%add3A_177, %dma_wait3A_213] : memref<81920x32xf32, #tpu.memory_space<hbm>> -> memref<256x32xf32, #tpu.memory_space<hbm>>
    %dma_wait3A_215 = arith.constant 0 : i32
    %dma_wait3A_216 = tpu.memref_slice %arg4[%add3A_177, %dma_wait3A_215] : memref<81920x32xf32, #tpu.memory_space<hbm>> -> memref<256x32xf32, #tpu.memory_space<hbm>>
    tpu.wait_dma2 semaphore(%arg18 : memref<!tpu.dma_semaphore, #tpu.memory_space<semaphore_mem>>) src(%arg9 : memref<256x32xf32, #tpu.memory_space<vmem>>) dst(%dma_wait3A_216 : memref<256x32xf32, #tpu.memory_space<hbm>>)
    %dma_wait3A_217 = arith.constant 0 : i32
    %dma_wait3A_218 = tpu.memref_slice %arg4[%add3A_195, %dma_wait3A_217] : memref<81920x32xf32, #tpu.memory_space<hbm>> -> memref<256x32xf32, #tpu.memory_space<hbm>>
    %dma_wait3A_219 = arith.constant 0 : i32
    %dma_wait3A_220 = tpu.memref_slice %arg4[%add3A_195, %dma_wait3A_219] : memref<81920x32xf32, #tpu.memory_space<hbm>> -> memref<256x32xf32, #tpu.memory_space<hbm>>
    tpu.wait_dma2 semaphore(%arg19 : memref<!tpu.dma_semaphore, #tpu.memory_space<semaphore_mem>>) src(%arg10 : memref<256x32xf32, #tpu.memory_space<vmem>>) dst(%dma_wait3A_220 : memref<256x32xf32, #tpu.memory_space<hbm>>)
    return
  }
}

#map = affine_map<(d0, d1) -> (0, 0)>
#map1 = affine_map<(d0, d1) -> (0)>
module attributes {stable_mosaic.version = 14 : i64} {
  func.func @gather(%arg0: i32, %arg1: i32, %arg2: memref<10240x64xf32, #tpu.memory_space<hbm>>, %arg3: memref<81920xi32, #tpu.memory_space<hbm>>, %arg4: memref<81920x64xf32, #tpu.memory_space<hbm>>, %arg5: memref<256xi32, #tpu.memory_space<vmem>>, %arg6: memref<256xi32, #tpu.memory_space<vmem>>, %arg7: memref<256xi32, #tpu.memory_space<vmem>>, %arg8: memref<256x64xf32, #tpu.memory_space<vmem>>, %arg9: memref<256x64xf32, #tpu.memory_space<vmem>>, %arg10: memref<256x64xf32, #tpu.memory_space<vmem>>, %arg11: memref<!tpu.dma_semaphore, #tpu.memory_space<semaphore_mem>>, %arg12: memref<!tpu.dma_semaphore, #tpu.memory_space<semaphore_mem>>, %arg13: memref<!tpu.dma_semaphore, #tpu.memory_space<semaphore_mem>>, %arg14: memref<!tpu.dma_semaphore, #tpu.memory_space<semaphore_mem>>, %arg15: memref<!tpu.dma_semaphore, #tpu.memory_space<semaphore_mem>>, %arg16: memref<!tpu.dma_semaphore, #tpu.memory_space<semaphore_mem>>, %arg17: memref<!tpu.dma_semaphore, #tpu.memory_space<semaphore_mem>>, %arg18: memref<!tpu.dma_semaphore, #tpu.memory_space<semaphore_mem>>, %arg19: memref<!tpu.dma_semaphore, #tpu.memory_space<semaphore_mem>>) attributes {dimension_semantics = [#tpu.dimension_semantics<core_parallel>, #tpu.dimension_semantics<subcore_parallel>], iteration_bounds = array<i64: 2, 16>, scalar_prefetch = 0 : i64, scratch_operands = 15 : i64, tpu.core_type = #tpu.core_type<sc_vector_subcore>, window_params = [{transform_indices = #map}, {transform_indices = #map1}, {transform_indices = #map}]} {
    %mul3A = arith.constant 2 : i32
    %mul3A_0 = arith.muli %arg1, %mul3A : i32
    %add3A = arith.addi %mul3A_0, %arg0 : i32
    %mul3A_1 = arith.constant 2560 : i32
    %mul3A_2 = arith.muli %add3A, %mul3A_1 : i32
    %add3A_3 = arith.constant 0 : i32
    %add3A_4 = arith.addi %mul3A_2, %add3A_3 : i32
    %dma_start3A = tpu.memref_slice %arg3[%add3A_4] : memref<81920xi32, #tpu.memory_space<hbm>> -> memref<256xi32, #tpu.memory_space<hbm>>
    %dma_start3A_5 = tpu.memref_slice %arg3[%add3A_4] : memref<81920xi32, #tpu.memory_space<hbm>> -> memref<256xi32, #tpu.memory_space<hbm>>
    tpu.enqueue_dma source(%dma_start3A_5 : memref<256xi32, #tpu.memory_space<hbm>>) target(%arg5 : memref<256xi32, #tpu.memory_space<vmem>>) target_semaphore(%arg11 : memref<!tpu.dma_semaphore, #tpu.memory_space<semaphore_mem>>)
    %add3A_6 = arith.constant 256 : i32
    %add3A_7 = arith.addi %mul3A_2, %add3A_6 : i32
    %dma_start3A_8 = tpu.memref_slice %arg3[%add3A_7] : memref<81920xi32, #tpu.memory_space<hbm>> -> memref<256xi32, #tpu.memory_space<hbm>>
    %dma_start3A_9 = tpu.memref_slice %arg3[%add3A_7] : memref<81920xi32, #tpu.memory_space<hbm>> -> memref<256xi32, #tpu.memory_space<hbm>>
    tpu.enqueue_dma source(%dma_start3A_9 : memref<256xi32, #tpu.memory_space<hbm>>) target(%arg6 : memref<256xi32, #tpu.memory_space<vmem>>) target_semaphore(%arg12 : memref<!tpu.dma_semaphore, #tpu.memory_space<semaphore_mem>>)
    %add3A_10 = arith.constant 512 : i32
    %add3A_11 = arith.addi %mul3A_2, %add3A_10 : i32
    %dma_start3A_12 = tpu.memref_slice %arg3[%add3A_11] : memref<81920xi32, #tpu.memory_space<hbm>> -> memref<256xi32, #tpu.memory_space<hbm>>
    %dma_start3A_13 = tpu.memref_slice %arg3[%add3A_11] : memref<81920xi32, #tpu.memory_space<hbm>> -> memref<256xi32, #tpu.memory_space<hbm>>
    tpu.enqueue_dma source(%dma_start3A_13 : memref<256xi32, #tpu.memory_space<hbm>>) target(%arg7 : memref<256xi32, #tpu.memory_space<vmem>>) target_semaphore(%arg13 : memref<!tpu.dma_semaphore, #tpu.memory_space<semaphore_mem>>)
    %dma_wait3A = tpu.memref_slice %arg3[%add3A_4] : memref<81920xi32, #tpu.memory_space<hbm>> -> memref<256xi32, #tpu.memory_space<hbm>>
    %dma_wait3A_14 = tpu.memref_slice %arg3[%add3A_4] : memref<81920xi32, #tpu.memory_space<hbm>> -> memref<256xi32, #tpu.memory_space<hbm>>
    tpu.wait_dma2 semaphore(%arg11 : memref<!tpu.dma_semaphore, #tpu.memory_space<semaphore_mem>>) src(%dma_wait3A_14 : memref<256xi32, #tpu.memory_space<hbm>>) dst(%arg5 : memref<256xi32, #tpu.memory_space<vmem>>)
    %dma_start3A_15 = arith.constant 0 : i32
    %dma_start3A_16 = arith.constant 0 : i32
    %dma_start3A_17 = tpu.memref_slice %arg2[%dma_start3A_15, %dma_start3A_16] : memref<10240x64xf32, #tpu.memory_space<hbm>> -> memref<10240x64xf32, #tpu.memory_space<hbm>>
    tpu.enqueue_indirect_dma source(%dma_start3A_17 : memref<10240x64xf32, #tpu.memory_space<hbm>>) target(%arg8 : memref<256x64xf32, #tpu.memory_space<vmem>>) offsets(%arg5 : memref<256xi32, #tpu.memory_space<vmem>>) semaphore(%arg14 : memref<!tpu.dma_semaphore, #tpu.memory_space<semaphore_mem>>)
    %dma_wait3A_18 = tpu.memref_slice %arg3[%add3A_7] : memref<81920xi32, #tpu.memory_space<hbm>> -> memref<256xi32, #tpu.memory_space<hbm>>
    %dma_wait3A_19 = tpu.memref_slice %arg3[%add3A_7] : memref<81920xi32, #tpu.memory_space<hbm>> -> memref<256xi32, #tpu.memory_space<hbm>>
    tpu.wait_dma2 semaphore(%arg12 : memref<!tpu.dma_semaphore, #tpu.memory_space<semaphore_mem>>) src(%dma_wait3A_19 : memref<256xi32, #tpu.memory_space<hbm>>) dst(%arg6 : memref<256xi32, #tpu.memory_space<vmem>>)
    %dma_start3A_20 = arith.constant 0 : i32
    %dma_start3A_21 = arith.constant 0 : i32
    %dma_start3A_22 = tpu.memref_slice %arg2[%dma_start3A_20, %dma_start3A_21] : memref<10240x64xf32, #tpu.memory_space<hbm>> -> memref<10240x64xf32, #tpu.memory_space<hbm>>
    tpu.enqueue_indirect_dma source(%dma_start3A_22 : memref<10240x64xf32, #tpu.memory_space<hbm>>) target(%arg9 : memref<256x64xf32, #tpu.memory_space<vmem>>) offsets(%arg6 : memref<256xi32, #tpu.memory_space<vmem>>) semaphore(%arg15 : memref<!tpu.dma_semaphore, #tpu.memory_space<semaphore_mem>>)
    %dma_wait3A_23 = arith.constant 0 : i32
    %dma_wait3A_24 = arith.constant 0 : i32
    %dma_wait3A_25 = tpu.memref_slice %arg2[%dma_wait3A_23, %dma_wait3A_24] : memref<10240x64xf32, #tpu.memory_space<hbm>> -> memref<10240x64xf32, #tpu.memory_space<hbm>>
    tpu.wait_indirect_dma semaphore(%arg14 : memref<!tpu.dma_semaphore, #tpu.memory_space<semaphore_mem>>) src(%dma_wait3A_25 : memref<10240x64xf32, #tpu.memory_space<hbm>>) dst(%arg8 : memref<256x64xf32, #tpu.memory_space<vmem>>)
    %add3A_26 = arith.constant 0 : i32
    %add3A_27 = arith.addi %mul3A_2, %add3A_26 : i32
    %dma_start3A_28 = arith.constant 0 : i32
    %dma_start3A_29 = tpu.memref_slice %arg4[%add3A_27, %dma_start3A_28] : memref<81920x64xf32, #tpu.memory_space<hbm>> -> memref<256x64xf32, #tpu.memory_space<hbm>>
    %dma_start3A_30 = arith.constant 0 : i32
    %dma_start3A_31 = tpu.memref_slice %arg4[%add3A_27, %dma_start3A_30] : memref<81920x64xf32, #tpu.memory_space<hbm>> -> memref<256x64xf32, #tpu.memory_space<hbm>>
    tpu.enqueue_dma source(%arg8 : memref<256x64xf32, #tpu.memory_space<vmem>>) target(%dma_start3A_31 : memref<256x64xf32, #tpu.memory_space<hbm>>) target_semaphore(%arg17 : memref<!tpu.dma_semaphore, #tpu.memory_space<semaphore_mem>>)
    %add3A_32 = arith.constant 768 : i32
    %add3A_33 = arith.addi %mul3A_2, %add3A_32 : i32
    %dma_start3A_34 = tpu.memref_slice %arg3[%add3A_33] : memref<81920xi32, #tpu.memory_space<hbm>> -> memref<256xi32, #tpu.memory_space<hbm>>
    %dma_start3A_35 = tpu.memref_slice %arg3[%add3A_33] : memref<81920xi32, #tpu.memory_space<hbm>> -> memref<256xi32, #tpu.memory_space<hbm>>
    tpu.enqueue_dma source(%dma_start3A_35 : memref<256xi32, #tpu.memory_space<hbm>>) target(%arg5 : memref<256xi32, #tpu.memory_space<vmem>>) target_semaphore(%arg11 : memref<!tpu.dma_semaphore, #tpu.memory_space<semaphore_mem>>)
    %dma_wait3A_36 = tpu.memref_slice %arg3[%add3A_11] : memref<81920xi32, #tpu.memory_space<hbm>> -> memref<256xi32, #tpu.memory_space<hbm>>
    %dma_wait3A_37 = tpu.memref_slice %arg3[%add3A_11] : memref<81920xi32, #tpu.memory_space<hbm>> -> memref<256xi32, #tpu.memory_space<hbm>>
    tpu.wait_dma2 semaphore(%arg13 : memref<!tpu.dma_semaphore, #tpu.memory_space<semaphore_mem>>) src(%dma_wait3A_37 : memref<256xi32, #tpu.memory_space<hbm>>) dst(%arg7 : memref<256xi32, #tpu.memory_space<vmem>>)
    %dma_start3A_38 = arith.constant 0 : i32
    %dma_start3A_39 = arith.constant 0 : i32
    %dma_start3A_40 = tpu.memref_slice %arg2[%dma_start3A_38, %dma_start3A_39] : memref<10240x64xf32, #tpu.memory_space<hbm>> -> memref<10240x64xf32, #tpu.memory_space<hbm>>
    tpu.enqueue_indirect_dma source(%dma_start3A_40 : memref<10240x64xf32, #tpu.memory_space<hbm>>) target(%arg10 : memref<256x64xf32, #tpu.memory_space<vmem>>) offsets(%arg7 : memref<256xi32, #tpu.memory_space<vmem>>) semaphore(%arg16 : memref<!tpu.dma_semaphore, #tpu.memory_space<semaphore_mem>>)
    %dma_wait3A_41 = arith.constant 0 : i32
    %dma_wait3A_42 = arith.constant 0 : i32
    %dma_wait3A_43 = tpu.memref_slice %arg2[%dma_wait3A_41, %dma_wait3A_42] : memref<10240x64xf32, #tpu.memory_space<hbm>> -> memref<10240x64xf32, #tpu.memory_space<hbm>>
    tpu.wait_indirect_dma semaphore(%arg15 : memref<!tpu.dma_semaphore, #tpu.memory_space<semaphore_mem>>) src(%dma_wait3A_43 : memref<10240x64xf32, #tpu.memory_space<hbm>>) dst(%arg9 : memref<256x64xf32, #tpu.memory_space<vmem>>)
    %add3A_44 = arith.constant 256 : i32
    %add3A_45 = arith.addi %mul3A_2, %add3A_44 : i32
    %dma_start3A_46 = arith.constant 0 : i32
    %dma_start3A_47 = tpu.memref_slice %arg4[%add3A_45, %dma_start3A_46] : memref<81920x64xf32, #tpu.memory_space<hbm>> -> memref<256x64xf32, #tpu.memory_space<hbm>>
    %dma_start3A_48 = arith.constant 0 : i32
    %dma_start3A_49 = tpu.memref_slice %arg4[%add3A_45, %dma_start3A_48] : memref<81920x64xf32, #tpu.memory_space<hbm>> -> memref<256x64xf32, #tpu.memory_space<hbm>>
    tpu.enqueue_dma source(%arg9 : memref<256x64xf32, #tpu.memory_space<vmem>>) target(%dma_start3A_49 : memref<256x64xf32, #tpu.memory_space<hbm>>) target_semaphore(%arg18 : memref<!tpu.dma_semaphore, #tpu.memory_space<semaphore_mem>>)
    %add3A_50 = arith.constant 1024 : i32
    %add3A_51 = arith.addi %mul3A_2, %add3A_50 : i32
    %dma_start3A_52 = tpu.memref_slice %arg3[%add3A_51] : memref<81920xi32, #tpu.memory_space<hbm>> -> memref<256xi32, #tpu.memory_space<hbm>>
    %dma_start3A_53 = tpu.memref_slice %arg3[%add3A_51] : memref<81920xi32, #tpu.memory_space<hbm>> -> memref<256xi32, #tpu.memory_space<hbm>>
    tpu.enqueue_dma source(%dma_start3A_53 : memref<256xi32, #tpu.memory_space<hbm>>) target(%arg6 : memref<256xi32, #tpu.memory_space<vmem>>) target_semaphore(%arg12 : memref<!tpu.dma_semaphore, #tpu.memory_space<semaphore_mem>>)
    %dma_wait3A_54 = arith.constant 0 : i32
    %dma_wait3A_55 = tpu.memref_slice %arg4[%add3A_27, %dma_wait3A_54] : memref<81920x64xf32, #tpu.memory_space<hbm>> -> memref<256x64xf32, #tpu.memory_space<hbm>>
    %dma_wait3A_56 = arith.constant 0 : i32
    %dma_wait3A_57 = tpu.memref_slice %arg4[%add3A_27, %dma_wait3A_56] : memref<81920x64xf32, #tpu.memory_space<hbm>> -> memref<256x64xf32, #tpu.memory_space<hbm>>
    tpu.wait_dma2 semaphore(%arg17 : memref<!tpu.dma_semaphore, #tpu.memory_space<semaphore_mem>>) src(%arg8 : memref<256x64xf32, #tpu.memory_space<vmem>>) dst(%dma_wait3A_57 : memref<256x64xf32, #tpu.memory_space<hbm>>)
    %dma_wait3A_58 = tpu.memref_slice %arg3[%add3A_33] : memref<81920xi32, #tpu.memory_space<hbm>> -> memref<256xi32, #tpu.memory_space<hbm>>
    %dma_wait3A_59 = tpu.memref_slice %arg3[%add3A_33] : memref<81920xi32, #tpu.memory_space<hbm>> -> memref<256xi32, #tpu.memory_space<hbm>>
    tpu.wait_dma2 semaphore(%arg11 : memref<!tpu.dma_semaphore, #tpu.memory_space<semaphore_mem>>) src(%dma_wait3A_59 : memref<256xi32, #tpu.memory_space<hbm>>) dst(%arg5 : memref<256xi32, #tpu.memory_space<vmem>>)
    %dma_start3A_60 = arith.constant 0 : i32
    %dma_start3A_61 = arith.constant 0 : i32
    %dma_start3A_62 = tpu.memref_slice %arg2[%dma_start3A_60, %dma_start3A_61] : memref<10240x64xf32, #tpu.memory_space<hbm>> -> memref<10240x64xf32, #tpu.memory_space<hbm>>
    tpu.enqueue_indirect_dma source(%dma_start3A_62 : memref<10240x64xf32, #tpu.memory_space<hbm>>) target(%arg8 : memref<256x64xf32, #tpu.memory_space<vmem>>) offsets(%arg5 : memref<256xi32, #tpu.memory_space<vmem>>) semaphore(%arg14 : memref<!tpu.dma_semaphore, #tpu.memory_space<semaphore_mem>>)
    %dma_wait3A_63 = arith.constant 0 : i32
    %dma_wait3A_64 = arith.constant 0 : i32
    %dma_wait3A_65 = tpu.memref_slice %arg2[%dma_wait3A_63, %dma_wait3A_64] : memref<10240x64xf32, #tpu.memory_space<hbm>> -> memref<10240x64xf32, #tpu.memory_space<hbm>>
    tpu.wait_indirect_dma semaphore(%arg16 : memref<!tpu.dma_semaphore, #tpu.memory_space<semaphore_mem>>) src(%dma_wait3A_65 : memref<10240x64xf32, #tpu.memory_space<hbm>>) dst(%arg10 : memref<256x64xf32, #tpu.memory_space<vmem>>)
    %add3A_66 = arith.constant 512 : i32
    %add3A_67 = arith.addi %mul3A_2, %add3A_66 : i32
    %dma_start3A_68 = arith.constant 0 : i32
    %dma_start3A_69 = tpu.memref_slice %arg4[%add3A_67, %dma_start3A_68] : memref<81920x64xf32, #tpu.memory_space<hbm>> -> memref<256x64xf32, #tpu.memory_space<hbm>>
    %dma_start3A_70 = arith.constant 0 : i32
    %dma_start3A_71 = tpu.memref_slice %arg4[%add3A_67, %dma_start3A_70] : memref<81920x64xf32, #tpu.memory_space<hbm>> -> memref<256x64xf32, #tpu.memory_space<hbm>>
    tpu.enqueue_dma source(%arg10 : memref<256x64xf32, #tpu.memory_space<vmem>>) target(%dma_start3A_71 : memref<256x64xf32, #tpu.memory_space<hbm>>) target_semaphore(%arg19 : memref<!tpu.dma_semaphore, #tpu.memory_space<semaphore_mem>>)
    %add3A_72 = arith.constant 1280 : i32
    %add3A_73 = arith.addi %mul3A_2, %add3A_72 : i32
    %dma_start3A_74 = tpu.memref_slice %arg3[%add3A_73] : memref<81920xi32, #tpu.memory_space<hbm>> -> memref<256xi32, #tpu.memory_space<hbm>>
    %dma_start3A_75 = tpu.memref_slice %arg3[%add3A_73] : memref<81920xi32, #tpu.memory_space<hbm>> -> memref<256xi32, #tpu.memory_space<hbm>>
    tpu.enqueue_dma source(%dma_start3A_75 : memref<256xi32, #tpu.memory_space<hbm>>) target(%arg7 : memref<256xi32, #tpu.memory_space<vmem>>) target_semaphore(%arg13 : memref<!tpu.dma_semaphore, #tpu.memory_space<semaphore_mem>>)
    %dma_wait3A_76 = arith.constant 0 : i32
    %dma_wait3A_77 = tpu.memref_slice %arg4[%add3A_45, %dma_wait3A_76] : memref<81920x64xf32, #tpu.memory_space<hbm>> -> memref<256x64xf32, #tpu.memory_space<hbm>>
    %dma_wait3A_78 = arith.constant 0 : i32
    %dma_wait3A_79 = tpu.memref_slice %arg4[%add3A_45, %dma_wait3A_78] : memref<81920x64xf32, #tpu.memory_space<hbm>> -> memref<256x64xf32, #tpu.memory_space<hbm>>
    tpu.wait_dma2 semaphore(%arg18 : memref<!tpu.dma_semaphore, #tpu.memory_space<semaphore_mem>>) src(%arg9 : memref<256x64xf32, #tpu.memory_space<vmem>>) dst(%dma_wait3A_79 : memref<256x64xf32, #tpu.memory_space<hbm>>)
    %dma_wait3A_80 = tpu.memref_slice %arg3[%add3A_51] : memref<81920xi32, #tpu.memory_space<hbm>> -> memref<256xi32, #tpu.memory_space<hbm>>
    %dma_wait3A_81 = tpu.memref_slice %arg3[%add3A_51] : memref<81920xi32, #tpu.memory_space<hbm>> -> memref<256xi32, #tpu.memory_space<hbm>>
    tpu.wait_dma2 semaphore(%arg12 : memref<!tpu.dma_semaphore, #tpu.memory_space<semaphore_mem>>) src(%dma_wait3A_81 : memref<256xi32, #tpu.memory_space<hbm>>) dst(%arg6 : memref<256xi32, #tpu.memory_space<vmem>>)
    %dma_start3A_82 = arith.constant 0 : i32
    %dma_start3A_83 = arith.constant 0 : i32
    %dma_start3A_84 = tpu.memref_slice %arg2[%dma_start3A_82, %dma_start3A_83] : memref<10240x64xf32, #tpu.memory_space<hbm>> -> memref<10240x64xf32, #tpu.memory_space<hbm>>
    tpu.enqueue_indirect_dma source(%dma_start3A_84 : memref<10240x64xf32, #tpu.memory_space<hbm>>) target(%arg9 : memref<256x64xf32, #tpu.memory_space<vmem>>) offsets(%arg6 : memref<256xi32, #tpu.memory_space<vmem>>) semaphore(%arg15 : memref<!tpu.dma_semaphore, #tpu.memory_space<semaphore_mem>>)
    %dma_wait3A_85 = arith.constant 0 : i32
    %dma_wait3A_86 = arith.constant 0 : i32
    %dma_wait3A_87 = tpu.memref_slice %arg2[%dma_wait3A_85, %dma_wait3A_86] : memref<10240x64xf32, #tpu.memory_space<hbm>> -> memref<10240x64xf32, #tpu.memory_space<hbm>>
    tpu.wait_indirect_dma semaphore(%arg14 : memref<!tpu.dma_semaphore, #tpu.memory_space<semaphore_mem>>) src(%dma_wait3A_87 : memref<10240x64xf32, #tpu.memory_space<hbm>>) dst(%arg8 : memref<256x64xf32, #tpu.memory_space<vmem>>)
    %add3A_88 = arith.constant 768 : i32
    %add3A_89 = arith.addi %mul3A_2, %add3A_88 : i32
    %dma_start3A_90 = arith.constant 0 : i32
    %dma_start3A_91 = tpu.memref_slice %arg4[%add3A_89, %dma_start3A_90] : memref<81920x64xf32, #tpu.memory_space<hbm>> -> memref<256x64xf32, #tpu.memory_space<hbm>>
    %dma_start3A_92 = arith.constant 0 : i32
    %dma_start3A_93 = tpu.memref_slice %arg4[%add3A_89, %dma_start3A_92] : memref<81920x64xf32, #tpu.memory_space<hbm>> -> memref<256x64xf32, #tpu.memory_space<hbm>>
    tpu.enqueue_dma source(%arg8 : memref<256x64xf32, #tpu.memory_space<vmem>>) target(%dma_start3A_93 : memref<256x64xf32, #tpu.memory_space<hbm>>) target_semaphore(%arg17 : memref<!tpu.dma_semaphore, #tpu.memory_space<semaphore_mem>>)
    %add3A_94 = arith.constant 1536 : i32
    %add3A_95 = arith.addi %mul3A_2, %add3A_94 : i32
    %dma_start3A_96 = tpu.memref_slice %arg3[%add3A_95] : memref<81920xi32, #tpu.memory_space<hbm>> -> memref<256xi32, #tpu.memory_space<hbm>>
    %dma_start3A_97 = tpu.memref_slice %arg3[%add3A_95] : memref<81920xi32, #tpu.memory_space<hbm>> -> memref<256xi32, #tpu.memory_space<hbm>>
    tpu.enqueue_dma source(%dma_start3A_97 : memref<256xi32, #tpu.memory_space<hbm>>) target(%arg5 : memref<256xi32, #tpu.memory_space<vmem>>) target_semaphore(%arg11 : memref<!tpu.dma_semaphore, #tpu.memory_space<semaphore_mem>>)
    %dma_wait3A_98 = arith.constant 0 : i32
    %dma_wait3A_99 = tpu.memref_slice %arg4[%add3A_67, %dma_wait3A_98] : memref<81920x64xf32, #tpu.memory_space<hbm>> -> memref<256x64xf32, #tpu.memory_space<hbm>>
    %dma_wait3A_100 = arith.constant 0 : i32
    %dma_wait3A_101 = tpu.memref_slice %arg4[%add3A_67, %dma_wait3A_100] : memref<81920x64xf32, #tpu.memory_space<hbm>> -> memref<256x64xf32, #tpu.memory_space<hbm>>
    tpu.wait_dma2 semaphore(%arg19 : memref<!tpu.dma_semaphore, #tpu.memory_space<semaphore_mem>>) src(%arg10 : memref<256x64xf32, #tpu.memory_space<vmem>>) dst(%dma_wait3A_101 : memref<256x64xf32, #tpu.memory_space<hbm>>)
    %dma_wait3A_102 = tpu.memref_slice %arg3[%add3A_73] : memref<81920xi32, #tpu.memory_space<hbm>> -> memref<256xi32, #tpu.memory_space<hbm>>
    %dma_wait3A_103 = tpu.memref_slice %arg3[%add3A_73] : memref<81920xi32, #tpu.memory_space<hbm>> -> memref<256xi32, #tpu.memory_space<hbm>>
    tpu.wait_dma2 semaphore(%arg13 : memref<!tpu.dma_semaphore, #tpu.memory_space<semaphore_mem>>) src(%dma_wait3A_103 : memref<256xi32, #tpu.memory_space<hbm>>) dst(%arg7 : memref<256xi32, #tpu.memory_space<vmem>>)
    %dma_start3A_104 = arith.constant 0 : i32
    %dma_start3A_105 = arith.constant 0 : i32
    %dma_start3A_106 = tpu.memref_slice %arg2[%dma_start3A_104, %dma_start3A_105] : memref<10240x64xf32, #tpu.memory_space<hbm>> -> memref<10240x64xf32, #tpu.memory_space<hbm>>
    tpu.enqueue_indirect_dma source(%dma_start3A_106 : memref<10240x64xf32, #tpu.memory_space<hbm>>) target(%arg10 : memref<256x64xf32, #tpu.memory_space<vmem>>) offsets(%arg7 : memref<256xi32, #tpu.memory_space<vmem>>) semaphore(%arg16 : memref<!tpu.dma_semaphore, #tpu.memory_space<semaphore_mem>>)
    %dma_wait3A_107 = arith.constant 0 : i32
    %dma_wait3A_108 = arith.constant 0 : i32
    %dma_wait3A_109 = tpu.memref_slice %arg2[%dma_wait3A_107, %dma_wait3A_108] : memref<10240x64xf32, #tpu.memory_space<hbm>> -> memref<10240x64xf32, #tpu.memory_space<hbm>>
    tpu.wait_indirect_dma semaphore(%arg15 : memref<!tpu.dma_semaphore, #tpu.memory_space<semaphore_mem>>) src(%dma_wait3A_109 : memref<10240x64xf32, #tpu.memory_space<hbm>>) dst(%arg9 : memref<256x64xf32, #tpu.memory_space<vmem>>)
    %add3A_110 = arith.constant 1024 : i32
    %add3A_111 = arith.addi %mul3A_2, %add3A_110 : i32
    %dma_start3A_112 = arith.constant 0 : i32
    %dma_start3A_113 = tpu.memref_slice %arg4[%add3A_111, %dma_start3A_112] : memref<81920x64xf32, #tpu.memory_space<hbm>> -> memref<256x64xf32, #tpu.memory_space<hbm>>
    %dma_start3A_114 = arith.constant 0 : i32
    %dma_start3A_115 = tpu.memref_slice %arg4[%add3A_111, %dma_start3A_114] : memref<81920x64xf32, #tpu.memory_space<hbm>> -> memref<256x64xf32, #tpu.memory_space<hbm>>
    tpu.enqueue_dma source(%arg9 : memref<256x64xf32, #tpu.memory_space<vmem>>) target(%dma_start3A_115 : memref<256x64xf32, #tpu.memory_space<hbm>>) target_semaphore(%arg18 : memref<!tpu.dma_semaphore, #tpu.memory_space<semaphore_mem>>)
    %add3A_116 = arith.constant 1792 : i32
    %add3A_117 = arith.addi %mul3A_2, %add3A_116 : i32
    %dma_start3A_118 = tpu.memref_slice %arg3[%add3A_117] : memref<81920xi32, #tpu.memory_space<hbm>> -> memref<256xi32, #tpu.memory_space<hbm>>
    %dma_start3A_119 = tpu.memref_slice %arg3[%add3A_117] : memref<81920xi32, #tpu.memory_space<hbm>> -> memref<256xi32, #tpu.memory_space<hbm>>
    tpu.enqueue_dma source(%dma_start3A_119 : memref<256xi32, #tpu.memory_space<hbm>>) target(%arg6 : memref<256xi32, #tpu.memory_space<vmem>>) target_semaphore(%arg12 : memref<!tpu.dma_semaphore, #tpu.memory_space<semaphore_mem>>)
    %dma_wait3A_120 = arith.constant 0 : i32
    %dma_wait3A_121 = tpu.memref_slice %arg4[%add3A_89, %dma_wait3A_120] : memref<81920x64xf32, #tpu.memory_space<hbm>> -> memref<256x64xf32, #tpu.memory_space<hbm>>
    %dma_wait3A_122 = arith.constant 0 : i32
    %dma_wait3A_123 = tpu.memref_slice %arg4[%add3A_89, %dma_wait3A_122] : memref<81920x64xf32, #tpu.memory_space<hbm>> -> memref<256x64xf32, #tpu.memory_space<hbm>>
    tpu.wait_dma2 semaphore(%arg17 : memref<!tpu.dma_semaphore, #tpu.memory_space<semaphore_mem>>) src(%arg8 : memref<256x64xf32, #tpu.memory_space<vmem>>) dst(%dma_wait3A_123 : memref<256x64xf32, #tpu.memory_space<hbm>>)
    %dma_wait3A_124 = tpu.memref_slice %arg3[%add3A_95] : memref<81920xi32, #tpu.memory_space<hbm>> -> memref<256xi32, #tpu.memory_space<hbm>>
    %dma_wait3A_125 = tpu.memref_slice %arg3[%add3A_95] : memref<81920xi32, #tpu.memory_space<hbm>> -> memref<256xi32, #tpu.memory_space<hbm>>
    tpu.wait_dma2 semaphore(%arg11 : memref<!tpu.dma_semaphore, #tpu.memory_space<semaphore_mem>>) src(%dma_wait3A_125 : memref<256xi32, #tpu.memory_space<hbm>>) dst(%arg5 : memref<256xi32, #tpu.memory_space<vmem>>)
    %dma_start3A_126 = arith.constant 0 : i32
    %dma_start3A_127 = arith.constant 0 : i32
    %dma_start3A_128 = tpu.memref_slice %arg2[%dma_start3A_126, %dma_start3A_127] : memref<10240x64xf32, #tpu.memory_space<hbm>> -> memref<10240x64xf32, #tpu.memory_space<hbm>>
    tpu.enqueue_indirect_dma source(%dma_start3A_128 : memref<10240x64xf32, #tpu.memory_space<hbm>>) target(%arg8 : memref<256x64xf32, #tpu.memory_space<vmem>>) offsets(%arg5 : memref<256xi32, #tpu.memory_space<vmem>>) semaphore(%arg14 : memref<!tpu.dma_semaphore, #tpu.memory_space<semaphore_mem>>)
    %dma_wait3A_129 = arith.constant 0 : i32
    %dma_wait3A_130 = arith.constant 0 : i32
    %dma_wait3A_131 = tpu.memref_slice %arg2[%dma_wait3A_129, %dma_wait3A_130] : memref<10240x64xf32, #tpu.memory_space<hbm>> -> memref<10240x64xf32, #tpu.memory_space<hbm>>
    tpu.wait_indirect_dma semaphore(%arg16 : memref<!tpu.dma_semaphore, #tpu.memory_space<semaphore_mem>>) src(%dma_wait3A_131 : memref<10240x64xf32, #tpu.memory_space<hbm>>) dst(%arg10 : memref<256x64xf32, #tpu.memory_space<vmem>>)
    %add3A_132 = arith.constant 1280 : i32
    %add3A_133 = arith.addi %mul3A_2, %add3A_132 : i32
    %dma_start3A_134 = arith.constant 0 : i32
    %dma_start3A_135 = tpu.memref_slice %arg4[%add3A_133, %dma_start3A_134] : memref<81920x64xf32, #tpu.memory_space<hbm>> -> memref<256x64xf32, #tpu.memory_space<hbm>>
    %dma_start3A_136 = arith.constant 0 : i32
    %dma_start3A_137 = tpu.memref_slice %arg4[%add3A_133, %dma_start3A_136] : memref<81920x64xf32, #tpu.memory_space<hbm>> -> memref<256x64xf32, #tpu.memory_space<hbm>>
    tpu.enqueue_dma source(%arg10 : memref<256x64xf32, #tpu.memory_space<vmem>>) target(%dma_start3A_137 : memref<256x64xf32, #tpu.memory_space<hbm>>) target_semaphore(%arg19 : memref<!tpu.dma_semaphore, #tpu.memory_space<semaphore_mem>>)
    %add3A_138 = arith.constant 2048 : i32
    %add3A_139 = arith.addi %mul3A_2, %add3A_138 : i32
    %dma_start3A_140 = tpu.memref_slice %arg3[%add3A_139] : memref<81920xi32, #tpu.memory_space<hbm>> -> memref<256xi32, #tpu.memory_space<hbm>>
    %dma_start3A_141 = tpu.memref_slice %arg3[%add3A_139] : memref<81920xi32, #tpu.memory_space<hbm>> -> memref<256xi32, #tpu.memory_space<hbm>>
    tpu.enqueue_dma source(%dma_start3A_141 : memref<256xi32, #tpu.memory_space<hbm>>) target(%arg7 : memref<256xi32, #tpu.memory_space<vmem>>) target_semaphore(%arg13 : memref<!tpu.dma_semaphore, #tpu.memory_space<semaphore_mem>>)
    %dma_wait3A_142 = arith.constant 0 : i32
    %dma_wait3A_143 = tpu.memref_slice %arg4[%add3A_111, %dma_wait3A_142] : memref<81920x64xf32, #tpu.memory_space<hbm>> -> memref<256x64xf32, #tpu.memory_space<hbm>>
    %dma_wait3A_144 = arith.constant 0 : i32
    %dma_wait3A_145 = tpu.memref_slice %arg4[%add3A_111, %dma_wait3A_144] : memref<81920x64xf32, #tpu.memory_space<hbm>> -> memref<256x64xf32, #tpu.memory_space<hbm>>
    tpu.wait_dma2 semaphore(%arg18 : memref<!tpu.dma_semaphore, #tpu.memory_space<semaphore_mem>>) src(%arg9 : memref<256x64xf32, #tpu.memory_space<vmem>>) dst(%dma_wait3A_145 : memref<256x64xf32, #tpu.memory_space<hbm>>)
    %dma_wait3A_146 = tpu.memref_slice %arg3[%add3A_117] : memref<81920xi32, #tpu.memory_space<hbm>> -> memref<256xi32, #tpu.memory_space<hbm>>
    %dma_wait3A_147 = tpu.memref_slice %arg3[%add3A_117] : memref<81920xi32, #tpu.memory_space<hbm>> -> memref<256xi32, #tpu.memory_space<hbm>>
    tpu.wait_dma2 semaphore(%arg12 : memref<!tpu.dma_semaphore, #tpu.memory_space<semaphore_mem>>) src(%dma_wait3A_147 : memref<256xi32, #tpu.memory_space<hbm>>) dst(%arg6 : memref<256xi32, #tpu.memory_space<vmem>>)
    %dma_start3A_148 = arith.constant 0 : i32
    %dma_start3A_149 = arith.constant 0 : i32
    %dma_start3A_150 = tpu.memref_slice %arg2[%dma_start3A_148, %dma_start3A_149] : memref<10240x64xf32, #tpu.memory_space<hbm>> -> memref<10240x64xf32, #tpu.memory_space<hbm>>
    tpu.enqueue_indirect_dma source(%dma_start3A_150 : memref<10240x64xf32, #tpu.memory_space<hbm>>) target(%arg9 : memref<256x64xf32, #tpu.memory_space<vmem>>) offsets(%arg6 : memref<256xi32, #tpu.memory_space<vmem>>) semaphore(%arg15 : memref<!tpu.dma_semaphore, #tpu.memory_space<semaphore_mem>>)
    %dma_wait3A_151 = arith.constant 0 : i32
    %dma_wait3A_152 = arith.constant 0 : i32
    %dma_wait3A_153 = tpu.memref_slice %arg2[%dma_wait3A_151, %dma_wait3A_152] : memref<10240x64xf32, #tpu.memory_space<hbm>> -> memref<10240x64xf32, #tpu.memory_space<hbm>>
    tpu.wait_indirect_dma semaphore(%arg14 : memref<!tpu.dma_semaphore, #tpu.memory_space<semaphore_mem>>) src(%dma_wait3A_153 : memref<10240x64xf32, #tpu.memory_space<hbm>>) dst(%arg8 : memref<256x64xf32, #tpu.memory_space<vmem>>)
    %add3A_154 = arith.constant 1536 : i32
    %add3A_155 = arith.addi %mul3A_2, %add3A_154 : i32
    %dma_start3A_156 = arith.constant 0 : i32
    %dma_start3A_157 = tpu.memref_slice %arg4[%add3A_155, %dma_start3A_156] : memref<81920x64xf32, #tpu.memory_space<hbm>> -> memref<256x64xf32, #tpu.memory_space<hbm>>
    %dma_start3A_158 = arith.constant 0 : i32
    %dma_start3A_159 = tpu.memref_slice %arg4[%add3A_155, %dma_start3A_158] : memref<81920x64xf32, #tpu.memory_space<hbm>> -> memref<256x64xf32, #tpu.memory_space<hbm>>
    tpu.enqueue_dma source(%arg8 : memref<256x64xf32, #tpu.memory_space<vmem>>) target(%dma_start3A_159 : memref<256x64xf32, #tpu.memory_space<hbm>>) target_semaphore(%arg17 : memref<!tpu.dma_semaphore, #tpu.memory_space<semaphore_mem>>)
    %add3A_160 = arith.constant 2304 : i32
    %add3A_161 = arith.addi %mul3A_2, %add3A_160 : i32
    %dma_start3A_162 = tpu.memref_slice %arg3[%add3A_161] : memref<81920xi32, #tpu.memory_space<hbm>> -> memref<256xi32, #tpu.memory_space<hbm>>
    %dma_start3A_163 = tpu.memref_slice %arg3[%add3A_161] : memref<81920xi32, #tpu.memory_space<hbm>> -> memref<256xi32, #tpu.memory_space<hbm>>
    tpu.enqueue_dma source(%dma_start3A_163 : memref<256xi32, #tpu.memory_space<hbm>>) target(%arg5 : memref<256xi32, #tpu.memory_space<vmem>>) target_semaphore(%arg11 : memref<!tpu.dma_semaphore, #tpu.memory_space<semaphore_mem>>)
    %dma_wait3A_164 = arith.constant 0 : i32
    %dma_wait3A_165 = tpu.memref_slice %arg4[%add3A_133, %dma_wait3A_164] : memref<81920x64xf32, #tpu.memory_space<hbm>> -> memref<256x64xf32, #tpu.memory_space<hbm>>
    %dma_wait3A_166 = arith.constant 0 : i32
    %dma_wait3A_167 = tpu.memref_slice %arg4[%add3A_133, %dma_wait3A_166] : memref<81920x64xf32, #tpu.memory_space<hbm>> -> memref<256x64xf32, #tpu.memory_space<hbm>>
    tpu.wait_dma2 semaphore(%arg19 : memref<!tpu.dma_semaphore, #tpu.memory_space<semaphore_mem>>) src(%arg10 : memref<256x64xf32, #tpu.memory_space<vmem>>) dst(%dma_wait3A_167 : memref<256x64xf32, #tpu.memory_space<hbm>>)
    %dma_wait3A_168 = tpu.memref_slice %arg3[%add3A_139] : memref<81920xi32, #tpu.memory_space<hbm>> -> memref<256xi32, #tpu.memory_space<hbm>>
    %dma_wait3A_169 = tpu.memref_slice %arg3[%add3A_139] : memref<81920xi32, #tpu.memory_space<hbm>> -> memref<256xi32, #tpu.memory_space<hbm>>
    tpu.wait_dma2 semaphore(%arg13 : memref<!tpu.dma_semaphore, #tpu.memory_space<semaphore_mem>>) src(%dma_wait3A_169 : memref<256xi32, #tpu.memory_space<hbm>>) dst(%arg7 : memref<256xi32, #tpu.memory_space<vmem>>)
    %dma_start3A_170 = arith.constant 0 : i32
    %dma_start3A_171 = arith.constant 0 : i32
    %dma_start3A_172 = tpu.memref_slice %arg2[%dma_start3A_170, %dma_start3A_171] : memref<10240x64xf32, #tpu.memory_space<hbm>> -> memref<10240x64xf32, #tpu.memory_space<hbm>>
    tpu.enqueue_indirect_dma source(%dma_start3A_172 : memref<10240x64xf32, #tpu.memory_space<hbm>>) target(%arg10 : memref<256x64xf32, #tpu.memory_space<vmem>>) offsets(%arg7 : memref<256xi32, #tpu.memory_space<vmem>>) semaphore(%arg16 : memref<!tpu.dma_semaphore, #tpu.memory_space<semaphore_mem>>)
    %dma_wait3A_173 = arith.constant 0 : i32
    %dma_wait3A_174 = arith.constant 0 : i32
    %dma_wait3A_175 = tpu.memref_slice %arg2[%dma_wait3A_173, %dma_wait3A_174] : memref<10240x64xf32, #tpu.memory_space<hbm>> -> memref<10240x64xf32, #tpu.memory_space<hbm>>
    tpu.wait_indirect_dma semaphore(%arg15 : memref<!tpu.dma_semaphore, #tpu.memory_space<semaphore_mem>>) src(%dma_wait3A_175 : memref<10240x64xf32, #tpu.memory_space<hbm>>) dst(%arg9 : memref<256x64xf32, #tpu.memory_space<vmem>>)
    %add3A_176 = arith.constant 1792 : i32
    %add3A_177 = arith.addi %mul3A_2, %add3A_176 : i32
    %dma_start3A_178 = arith.constant 0 : i32
    %dma_start3A_179 = tpu.memref_slice %arg4[%add3A_177, %dma_start3A_178] : memref<81920x64xf32, #tpu.memory_space<hbm>> -> memref<256x64xf32, #tpu.memory_space<hbm>>
    %dma_start3A_180 = arith.constant 0 : i32
    %dma_start3A_181 = tpu.memref_slice %arg4[%add3A_177, %dma_start3A_180] : memref<81920x64xf32, #tpu.memory_space<hbm>> -> memref<256x64xf32, #tpu.memory_space<hbm>>
    tpu.enqueue_dma source(%arg9 : memref<256x64xf32, #tpu.memory_space<vmem>>) target(%dma_start3A_181 : memref<256x64xf32, #tpu.memory_space<hbm>>) target_semaphore(%arg18 : memref<!tpu.dma_semaphore, #tpu.memory_space<semaphore_mem>>)
    %dma_wait3A_182 = arith.constant 0 : i32
    %dma_wait3A_183 = tpu.memref_slice %arg4[%add3A_155, %dma_wait3A_182] : memref<81920x64xf32, #tpu.memory_space<hbm>> -> memref<256x64xf32, #tpu.memory_space<hbm>>
    %dma_wait3A_184 = arith.constant 0 : i32
    %dma_wait3A_185 = tpu.memref_slice %arg4[%add3A_155, %dma_wait3A_184] : memref<81920x64xf32, #tpu.memory_space<hbm>> -> memref<256x64xf32, #tpu.memory_space<hbm>>
    tpu.wait_dma2 semaphore(%arg17 : memref<!tpu.dma_semaphore, #tpu.memory_space<semaphore_mem>>) src(%arg8 : memref<256x64xf32, #tpu.memory_space<vmem>>) dst(%dma_wait3A_185 : memref<256x64xf32, #tpu.memory_space<hbm>>)
    %dma_wait3A_186 = tpu.memref_slice %arg3[%add3A_161] : memref<81920xi32, #tpu.memory_space<hbm>> -> memref<256xi32, #tpu.memory_space<hbm>>
    %dma_wait3A_187 = tpu.memref_slice %arg3[%add3A_161] : memref<81920xi32, #tpu.memory_space<hbm>> -> memref<256xi32, #tpu.memory_space<hbm>>
    tpu.wait_dma2 semaphore(%arg11 : memref<!tpu.dma_semaphore, #tpu.memory_space<semaphore_mem>>) src(%dma_wait3A_187 : memref<256xi32, #tpu.memory_space<hbm>>) dst(%arg5 : memref<256xi32, #tpu.memory_space<vmem>>)
    %dma_start3A_188 = arith.constant 0 : i32
    %dma_start3A_189 = arith.constant 0 : i32
    %dma_start3A_190 = tpu.memref_slice %arg2[%dma_start3A_188, %dma_start3A_189] : memref<10240x64xf32, #tpu.memory_space<hbm>> -> memref<10240x64xf32, #tpu.memory_space<hbm>>
    tpu.enqueue_indirect_dma source(%dma_start3A_190 : memref<10240x64xf32, #tpu.memory_space<hbm>>) target(%arg8 : memref<256x64xf32, #tpu.memory_space<vmem>>) offsets(%arg5 : memref<256xi32, #tpu.memory_space<vmem>>) semaphore(%arg14 : memref<!tpu.dma_semaphore, #tpu.memory_space<semaphore_mem>>)
    %dma_wait3A_191 = arith.constant 0 : i32
    %dma_wait3A_192 = arith.constant 0 : i32
    %dma_wait3A_193 = tpu.memref_slice %arg2[%dma_wait3A_191, %dma_wait3A_192] : memref<10240x64xf32, #tpu.memory_space<hbm>> -> memref<10240x64xf32, #tpu.memory_space<hbm>>
    tpu.wait_indirect_dma semaphore(%arg16 : memref<!tpu.dma_semaphore, #tpu.memory_space<semaphore_mem>>) src(%dma_wait3A_193 : memref<10240x64xf32, #tpu.memory_space<hbm>>) dst(%arg10 : memref<256x64xf32, #tpu.memory_space<vmem>>)
    %add3A_194 = arith.constant 2048 : i32
    %add3A_195 = arith.addi %mul3A_2, %add3A_194 : i32
    %dma_start3A_196 = arith.constant 0 : i32
    %dma_start3A_197 = tpu.memref_slice %arg4[%add3A_195, %dma_start3A_196] : memref<81920x64xf32, #tpu.memory_space<hbm>> -> memref<256x64xf32, #tpu.memory_space<hbm>>
    %dma_start3A_198 = arith.constant 0 : i32
    %dma_start3A_199 = tpu.memref_slice %arg4[%add3A_195, %dma_start3A_198] : memref<81920x64xf32, #tpu.memory_space<hbm>> -> memref<256x64xf32, #tpu.memory_space<hbm>>
    tpu.enqueue_dma source(%arg10 : memref<256x64xf32, #tpu.memory_space<vmem>>) target(%dma_start3A_199 : memref<256x64xf32, #tpu.memory_space<hbm>>) target_semaphore(%arg19 : memref<!tpu.dma_semaphore, #tpu.memory_space<semaphore_mem>>)
    %dma_wait3A_200 = arith.constant 0 : i32
    %dma_wait3A_201 = arith.constant 0 : i32
    %dma_wait3A_202 = tpu.memref_slice %arg2[%dma_wait3A_200, %dma_wait3A_201] : memref<10240x64xf32, #tpu.memory_space<hbm>> -> memref<10240x64xf32, #tpu.memory_space<hbm>>
    tpu.wait_indirect_dma semaphore(%arg14 : memref<!tpu.dma_semaphore, #tpu.memory_space<semaphore_mem>>) src(%dma_wait3A_202 : memref<10240x64xf32, #tpu.memory_space<hbm>>) dst(%arg8 : memref<256x64xf32, #tpu.memory_space<vmem>>)
    %add3A_203 = arith.constant 2304 : i32
    %add3A_204 = arith.addi %mul3A_2, %add3A_203 : i32
    %dma_start3A_205 = arith.constant 0 : i32
    %dma_start3A_206 = tpu.memref_slice %arg4[%add3A_204, %dma_start3A_205] : memref<81920x64xf32, #tpu.memory_space<hbm>> -> memref<256x64xf32, #tpu.memory_space<hbm>>
    %dma_start3A_207 = arith.constant 0 : i32
    %dma_start3A_208 = tpu.memref_slice %arg4[%add3A_204, %dma_start3A_207] : memref<81920x64xf32, #tpu.memory_space<hbm>> -> memref<256x64xf32, #tpu.memory_space<hbm>>
    tpu.enqueue_dma source(%arg8 : memref<256x64xf32, #tpu.memory_space<vmem>>) target(%dma_start3A_208 : memref<256x64xf32, #tpu.memory_space<hbm>>) target_semaphore(%arg17 : memref<!tpu.dma_semaphore, #tpu.memory_space<semaphore_mem>>)
    %dma_wait3A_209 = arith.constant 0 : i32
    %dma_wait3A_210 = tpu.memref_slice %arg4[%add3A_204, %dma_wait3A_209] : memref<81920x64xf32, #tpu.memory_space<hbm>> -> memref<256x64xf32, #tpu.memory_space<hbm>>
    %dma_wait3A_211 = arith.constant 0 : i32
    %dma_wait3A_212 = tpu.memref_slice %arg4[%add3A_204, %dma_wait3A_211] : memref<81920x64xf32, #tpu.memory_space<hbm>> -> memref<256x64xf32, #tpu.memory_space<hbm>>
    tpu.wait_dma2 semaphore(%arg17 : memref<!tpu.dma_semaphore, #tpu.memory_space<semaphore_mem>>) src(%arg8 : memref<256x64xf32, #tpu.memory_space<vmem>>) dst(%dma_wait3A_212 : memref<256x64xf32, #tpu.memory_space<hbm>>)
    %dma_wait3A_213 = arith.constant 0 : i32
    %dma_wait3A_214 = tpu.memref_slice %arg4[%add3A_177, %dma_wait3A_213] : memref<81920x64xf32, #tpu.memory_space<hbm>> -> memref<256x64xf32, #tpu.memory_space<hbm>>
    %dma_wait3A_215 = arith.constant 0 : i32
    %dma_wait3A_216 = tpu.memref_slice %arg4[%add3A_177, %dma_wait3A_215] : memref<81920x64xf32, #tpu.memory_space<hbm>> -> memref<256x64xf32, #tpu.memory_space<hbm>>
    tpu.wait_dma2 semaphore(%arg18 : memref<!tpu.dma_semaphore, #tpu.memory_space<semaphore_mem>>) src(%arg9 : memref<256x64xf32, #tpu.memory_space<vmem>>) dst(%dma_wait3A_216 : memref<256x64xf32, #tpu.memory_space<hbm>>)
    %dma_wait3A_217 = arith.constant 0 : i32
    %dma_wait3A_218 = tpu.memref_slice %arg4[%add3A_195, %dma_wait3A_217] : memref<81920x64xf32, #tpu.memory_space<hbm>> -> memref<256x64xf32, #tpu.memory_space<hbm>>
    %dma_wait3A_219 = arith.constant 0 : i32
    %dma_wait3A_220 = tpu.memref_slice %arg4[%add3A_195, %dma_wait3A_219] : memref<81920x64xf32, #tpu.memory_space<hbm>> -> memref<256x64xf32, #tpu.memory_space<hbm>>
    tpu.wait_dma2 semaphore(%arg19 : memref<!tpu.dma_semaphore, #tpu.memory_space<semaphore_mem>>) src(%arg10 : memref<256x64xf32, #tpu.memory_space<vmem>>) dst(%dma_wait3A_220 : memref<256x64xf32, #tpu.memory_space<hbm>>)
    return
  }
}

module attributes {stable_mosaic.version = 14 : i64} {
  func.func @_knn_body(%arg0: i32, %arg1: memref<512x3xf32, #tpu.memory_space<vmem>>, %arg2: memref<3x10240xf32, #tpu.memory_space<vmem>>, %arg3: memref<3x32xf32, #tpu.memory_space<vmem>>, %arg4: memref<1x32xf32, #tpu.memory_space<vmem>>, %arg5: memref<512x8xi32, #tpu.memory_space<vmem>>, %arg6: memref<512x32xf32, #tpu.memory_space<vmem>>) attributes {dimension_semantics = [#tpu.dimension_semantics<arbitrary>], iteration_bounds = array<i64: 20>, scalar_prefetch = 0 : i64, scratch_operands = 0 : i64, tpu.core_type = #tpu.core_type<tc>, window_params = [{transform_indices = @transform_0, window_bounds = array<i64: 512, 3>}, {pipeline_mode = #tpu.pipeline_mode<synchronous>, transform_indices = @transform_1, window_bounds = array<i64: 3, 10240>}, {pipeline_mode = #tpu.pipeline_mode<synchronous>, transform_indices = @transform_2, window_bounds = array<i64: 3, 32>}, {pipeline_mode = #tpu.pipeline_mode<synchronous>, transform_indices = @transform_3, window_bounds = array<i64: 1, 32>}, {transform_indices = @transform_4, window_bounds = array<i64: 512, 8>}, {transform_indices = @transform_5, window_bounds = array<i64: 512, 32>}]} {
    %get3A = arith.constant 0 : index
    %get3A_0 = arith.constant 0 : index
    %get3A_1 = vector.load %arg1[%get3A, %get3A_0] : memref<512x3xf32, #tpu.memory_space<vmem>>, vector<512x3xf32>
    %get3A_2 = arith.constant 0 : index
    %get3A_3 = arith.constant 0 : index
    %get3A_4 = vector.load %arg2[%get3A_2, %get3A_3] : memref<3x10240xf32, #tpu.memory_space<vmem>>, vector<3x10240xf32>
    %slice3A = vector.extract_strided_slice %get3A_4 {offsets = [0, 0], sizes = [3, 640], strides = [1, 1]} : vector<3x10240xf32> to vector<3x640xf32>
    %slice3A_5 = vector.extract_strided_slice %get3A_1 {offsets = [0, 0], sizes = [512, 1], strides = [1, 1]} : vector<512x3xf32> to vector<512x1xf32>
    %slice3A_6 = vector.extract_strided_slice %slice3A {offsets = [0, 0], sizes = [1, 640], strides = [1, 1]} : vector<3x640xf32> to vector<1x640xf32>
    %sub3A = vector.broadcast %slice3A_5 : vector<512x1xf32> to vector<512x640xf32>
    %sub3A_7 = vector.broadcast %slice3A_6 : vector<1x640xf32> to vector<512x640xf32>
    %sub3A_8 = arith.subf %sub3A, %sub3A_7 : vector<512x640xf32>
    %integer_pow3A = arith.mulf %sub3A_8, %sub3A_8 : vector<512x640xf32>
    %slice3A_9 = vector.extract_strided_slice %get3A_1 {offsets = [0, 1], sizes = [512, 1], strides = [1, 1]} : vector<512x3xf32> to vector<512x1xf32>
    %slice3A_10 = vector.extract_strided_slice %slice3A {offsets = [1, 0], sizes = [1, 640], strides = [1, 1]} : vector<3x640xf32> to vector<1x640xf32>
    %sub3A_11 = vector.broadcast %slice3A_9 : vector<512x1xf32> to vector<512x640xf32>
    %sub3A_12 = vector.broadcast %slice3A_10 : vector<1x640xf32> to vector<512x640xf32>
    %sub3A_13 = arith.subf %sub3A_11, %sub3A_12 : vector<512x640xf32>
    %integer_pow3A_14 = arith.mulf %sub3A_13, %sub3A_13 : vector<512x640xf32>
    %add3A = arith.addf %integer_pow3A, %integer_pow3A_14 : vector<512x640xf32>
    %slice3A_15 = vector.extract_strided_slice %get3A_1 {offsets = [0, 2], sizes = [512, 1], strides = [1, 1]} : vector<512x3xf32> to vector<512x1xf32>
    %slice3A_16 = vector.extract_strided_slice %slice3A {offsets = [2, 0], sizes = [1, 640], strides = [1, 1]} : vector<3x640xf32> to vector<1x640xf32>
    %sub3A_17 = vector.broadcast %slice3A_15 : vector<512x1xf32> to vector<512x640xf32>
    %sub3A_18 = vector.broadcast %slice3A_16 : vector<1x640xf32> to vector<512x640xf32>
    %sub3A_19 = arith.subf %sub3A_17, %sub3A_18 : vector<512x640xf32>
    %integer_pow3A_20 = arith.mulf %sub3A_19, %sub3A_19 : vector<512x640xf32>
    %add3A_21 = arith.addf %add3A, %integer_pow3A_20 : vector<512x640xf32>
    %broadcast_in_dim3A = arith.constant 0.000000e+00 : f32
    %broadcast_in_dim3A_22 = vector.broadcast %broadcast_in_dim3A : f32 to vector<512x640xf32>
    %slice3A_23 = vector.extract_strided_slice %get3A_4 {offsets = [0, 640], sizes = [3, 640], strides = [1, 1]} : vector<3x10240xf32> to vector<3x640xf32>
    %slice3A_24 = vector.extract_strided_slice %get3A_1 {offsets = [0, 0], sizes = [512, 1], strides = [1, 1]} : vector<512x3xf32> to vector<512x1xf32>
    %slice3A_25 = vector.extract_strided_slice %slice3A_23 {offsets = [0, 0], sizes = [1, 640], strides = [1, 1]} : vector<3x640xf32> to vector<1x640xf32>
    %sub3A_26 = vector.broadcast %slice3A_24 : vector<512x1xf32> to vector<512x640xf32>
    %sub3A_27 = vector.broadcast %slice3A_25 : vector<1x640xf32> to vector<512x640xf32>
    %sub3A_28 = arith.subf %sub3A_26, %sub3A_27 : vector<512x640xf32>
    %integer_pow3A_29 = arith.mulf %sub3A_28, %sub3A_28 : vector<512x640xf32>
    %slice3A_30 = vector.extract_strided_slice %get3A_1 {offsets = [0, 1], sizes = [512, 1], strides = [1, 1]} : vector<512x3xf32> to vector<512x1xf32>
    %slice3A_31 = vector.extract_strided_slice %slice3A_23 {offsets = [1, 0], sizes = [1, 640], strides = [1, 1]} : vector<3x640xf32> to vector<1x640xf32>
    %sub3A_32 = vector.broadcast %slice3A_30 : vector<512x1xf32> to vector<512x640xf32>
    %sub3A_33 = vector.broadcast %slice3A_31 : vector<1x640xf32> to vector<512x640xf32>
    %sub3A_34 = arith.subf %sub3A_32, %sub3A_33 : vector<512x640xf32>
    %integer_pow3A_35 = arith.mulf %sub3A_34, %sub3A_34 : vector<512x640xf32>
    %add3A_36 = arith.addf %integer_pow3A_29, %integer_pow3A_35 : vector<512x640xf32>
    %slice3A_37 = vector.extract_strided_slice %get3A_1 {offsets = [0, 2], sizes = [512, 1], strides = [1, 1]} : vector<512x3xf32> to vector<512x1xf32>
    %slice3A_38 = vector.extract_strided_slice %slice3A_23 {offsets = [2, 0], sizes = [1, 640], strides = [1, 1]} : vector<3x640xf32> to vector<1x640xf32>
    %sub3A_39 = vector.broadcast %slice3A_37 : vector<512x1xf32> to vector<512x640xf32>
    %sub3A_40 = vector.broadcast %slice3A_38 : vector<1x640xf32> to vector<512x640xf32>
    %sub3A_41 = arith.subf %sub3A_39, %sub3A_40 : vector<512x640xf32>
    %integer_pow3A_42 = arith.mulf %sub3A_41, %sub3A_41 : vector<512x640xf32>
    %add3A_43 = arith.addf %add3A_36, %integer_pow3A_42 : vector<512x640xf32>
    %broadcast_in_dim3A_44 = arith.constant 6.400000e+02 : f32
    %broadcast_in_dim3A_45 = vector.broadcast %broadcast_in_dim3A_44 : f32 to vector<512x640xf32>
    %le3A = arith.cmpf ole, %add3A_21, %add3A_43 : vector<512x640xf32>
    %select_n3A = arith.select %le3A, %add3A_21, %add3A_43 : vector<512x640xi1>, vector<512x640xf32>
    %select_n3A_46 = arith.select %le3A, %broadcast_in_dim3A_22, %broadcast_in_dim3A_45 : vector<512x640xi1>, vector<512x640xf32>
    %select_n3A_47 = arith.select %le3A, %add3A_43, %add3A_21 : vector<512x640xi1>, vector<512x640xf32>
    %select_n3A_48 = arith.select %le3A, %broadcast_in_dim3A_45, %broadcast_in_dim3A_22 : vector<512x640xi1>, vector<512x640xf32>
    %slice3A_49 = vector.extract_strided_slice %get3A_4 {offsets = [0, 1280], sizes = [3, 640], strides = [1, 1]} : vector<3x10240xf32> to vector<3x640xf32>
    %slice3A_50 = vector.extract_strided_slice %get3A_1 {offsets = [0, 0], sizes = [512, 1], strides = [1, 1]} : vector<512x3xf32> to vector<512x1xf32>
    %slice3A_51 = vector.extract_strided_slice %slice3A_49 {offsets = [0, 0], sizes = [1, 640], strides = [1, 1]} : vector<3x640xf32> to vector<1x640xf32>
    %sub3A_52 = vector.broadcast %slice3A_50 : vector<512x1xf32> to vector<512x640xf32>
    %sub3A_53 = vector.broadcast %slice3A_51 : vector<1x640xf32> to vector<512x640xf32>
    %sub3A_54 = arith.subf %sub3A_52, %sub3A_53 : vector<512x640xf32>
    %integer_pow3A_55 = arith.mulf %sub3A_54, %sub3A_54 : vector<512x640xf32>
    %slice3A_56 = vector.extract_strided_slice %get3A_1 {offsets = [0, 1], sizes = [512, 1], strides = [1, 1]} : vector<512x3xf32> to vector<512x1xf32>
    %slice3A_57 = vector.extract_strided_slice %slice3A_49 {offsets = [1, 0], sizes = [1, 640], strides = [1, 1]} : vector<3x640xf32> to vector<1x640xf32>
    %sub3A_58 = vector.broadcast %slice3A_56 : vector<512x1xf32> to vector<512x640xf32>
    %sub3A_59 = vector.broadcast %slice3A_57 : vector<1x640xf32> to vector<512x640xf32>
    %sub3A_60 = arith.subf %sub3A_58, %sub3A_59 : vector<512x640xf32>
    %integer_pow3A_61 = arith.mulf %sub3A_60, %sub3A_60 : vector<512x640xf32>
    %add3A_62 = arith.addf %integer_pow3A_55, %integer_pow3A_61 : vector<512x640xf32>
    %slice3A_63 = vector.extract_strided_slice %get3A_1 {offsets = [0, 2], sizes = [512, 1], strides = [1, 1]} : vector<512x3xf32> to vector<512x1xf32>
    %slice3A_64 = vector.extract_strided_slice %slice3A_49 {offsets = [2, 0], sizes = [1, 640], strides = [1, 1]} : vector<3x640xf32> to vector<1x640xf32>
    %sub3A_65 = vector.broadcast %slice3A_63 : vector<512x1xf32> to vector<512x640xf32>
    %sub3A_66 = vector.broadcast %slice3A_64 : vector<1x640xf32> to vector<512x640xf32>
    %sub3A_67 = arith.subf %sub3A_65, %sub3A_66 : vector<512x640xf32>
    %integer_pow3A_68 = arith.mulf %sub3A_67, %sub3A_67 : vector<512x640xf32>
    %add3A_69 = arith.addf %add3A_62, %integer_pow3A_68 : vector<512x640xf32>
    %broadcast_in_dim3A_70 = arith.constant 1.280000e+03 : f32
    %broadcast_in_dim3A_71 = vector.broadcast %broadcast_in_dim3A_70 : f32 to vector<512x640xf32>
    %slice3A_72 = vector.extract_strided_slice %get3A_4 {offsets = [0, 1920], sizes = [3, 640], strides = [1, 1]} : vector<3x10240xf32> to vector<3x640xf32>
    %slice3A_73 = vector.extract_strided_slice %get3A_1 {offsets = [0, 0], sizes = [512, 1], strides = [1, 1]} : vector<512x3xf32> to vector<512x1xf32>
    %slice3A_74 = vector.extract_strided_slice %slice3A_72 {offsets = [0, 0], sizes = [1, 640], strides = [1, 1]} : vector<3x640xf32> to vector<1x640xf32>
    %sub3A_75 = vector.broadcast %slice3A_73 : vector<512x1xf32> to vector<512x640xf32>
    %sub3A_76 = vector.broadcast %slice3A_74 : vector<1x640xf32> to vector<512x640xf32>
    %sub3A_77 = arith.subf %sub3A_75, %sub3A_76 : vector<512x640xf32>
    %integer_pow3A_78 = arith.mulf %sub3A_77, %sub3A_77 : vector<512x640xf32>
    %slice3A_79 = vector.extract_strided_slice %get3A_1 {offsets = [0, 1], sizes = [512, 1], strides = [1, 1]} : vector<512x3xf32> to vector<512x1xf32>
    %slice3A_80 = vector.extract_strided_slice %slice3A_72 {offsets = [1, 0], sizes = [1, 640], strides = [1, 1]} : vector<3x640xf32> to vector<1x640xf32>
    %sub3A_81 = vector.broadcast %slice3A_79 : vector<512x1xf32> to vector<512x640xf32>
    %sub3A_82 = vector.broadcast %slice3A_80 : vector<1x640xf32> to vector<512x640xf32>
    %sub3A_83 = arith.subf %sub3A_81, %sub3A_82 : vector<512x640xf32>
    %integer_pow3A_84 = arith.mulf %sub3A_83, %sub3A_83 : vector<512x640xf32>
    %add3A_85 = arith.addf %integer_pow3A_78, %integer_pow3A_84 : vector<512x640xf32>
    %slice3A_86 = vector.extract_strided_slice %get3A_1 {offsets = [0, 2], sizes = [512, 1], strides = [1, 1]} : vector<512x3xf32> to vector<512x1xf32>
    %slice3A_87 = vector.extract_strided_slice %slice3A_72 {offsets = [2, 0], sizes = [1, 640], strides = [1, 1]} : vector<3x640xf32> to vector<1x640xf32>
    %sub3A_88 = vector.broadcast %slice3A_86 : vector<512x1xf32> to vector<512x640xf32>
    %sub3A_89 = vector.broadcast %slice3A_87 : vector<1x640xf32> to vector<512x640xf32>
    %sub3A_90 = arith.subf %sub3A_88, %sub3A_89 : vector<512x640xf32>
    %integer_pow3A_91 = arith.mulf %sub3A_90, %sub3A_90 : vector<512x640xf32>
    %add3A_92 = arith.addf %add3A_85, %integer_pow3A_91 : vector<512x640xf32>
    %broadcast_in_dim3A_93 = arith.constant 1.920000e+03 : f32
    %broadcast_in_dim3A_94 = vector.broadcast %broadcast_in_dim3A_93 : f32 to vector<512x640xf32>
    %le3A_95 = arith.cmpf ole, %add3A_69, %add3A_92 : vector<512x640xf32>
    %select_n3A_96 = arith.select %le3A_95, %add3A_69, %add3A_92 : vector<512x640xi1>, vector<512x640xf32>
    %select_n3A_97 = arith.select %le3A_95, %broadcast_in_dim3A_71, %broadcast_in_dim3A_94 : vector<512x640xi1>, vector<512x640xf32>
    %select_n3A_98 = arith.select %le3A_95, %add3A_92, %add3A_69 : vector<512x640xi1>, vector<512x640xf32>
    %select_n3A_99 = arith.select %le3A_95, %broadcast_in_dim3A_94, %broadcast_in_dim3A_71 : vector<512x640xi1>, vector<512x640xf32>
    %slice3A_100 = vector.extract_strided_slice %get3A_4 {offsets = [0, 2560], sizes = [3, 640], strides = [1, 1]} : vector<3x10240xf32> to vector<3x640xf32>
    %slice3A_101 = vector.extract_strided_slice %get3A_1 {offsets = [0, 0], sizes = [512, 1], strides = [1, 1]} : vector<512x3xf32> to vector<512x1xf32>
    %slice3A_102 = vector.extract_strided_slice %slice3A_100 {offsets = [0, 0], sizes = [1, 640], strides = [1, 1]} : vector<3x640xf32> to vector<1x640xf32>
    %sub3A_103 = vector.broadcast %slice3A_101 : vector<512x1xf32> to vector<512x640xf32>
    %sub3A_104 = vector.broadcast %slice3A_102 : vector<1x640xf32> to vector<512x640xf32>
    %sub3A_105 = arith.subf %sub3A_103, %sub3A_104 : vector<512x640xf32>
    %integer_pow3A_106 = arith.mulf %sub3A_105, %sub3A_105 : vector<512x640xf32>
    %slice3A_107 = vector.extract_strided_slice %get3A_1 {offsets = [0, 1], sizes = [512, 1], strides = [1, 1]} : vector<512x3xf32> to vector<512x1xf32>
    %slice3A_108 = vector.extract_strided_slice %slice3A_100 {offsets = [1, 0], sizes = [1, 640], strides = [1, 1]} : vector<3x640xf32> to vector<1x640xf32>
    %sub3A_109 = vector.broadcast %slice3A_107 : vector<512x1xf32> to vector<512x640xf32>
    %sub3A_110 = vector.broadcast %slice3A_108 : vector<1x640xf32> to vector<512x640xf32>
    %sub3A_111 = arith.subf %sub3A_109, %sub3A_110 : vector<512x640xf32>
    %integer_pow3A_112 = arith.mulf %sub3A_111, %sub3A_111 : vector<512x640xf32>
    %add3A_113 = arith.addf %integer_pow3A_106, %integer_pow3A_112 : vector<512x640xf32>
    %slice3A_114 = vector.extract_strided_slice %get3A_1 {offsets = [0, 2], sizes = [512, 1], strides = [1, 1]} : vector<512x3xf32> to vector<512x1xf32>
    %slice3A_115 = vector.extract_strided_slice %slice3A_100 {offsets = [2, 0], sizes = [1, 640], strides = [1, 1]} : vector<3x640xf32> to vector<1x640xf32>
    %sub3A_116 = vector.broadcast %slice3A_114 : vector<512x1xf32> to vector<512x640xf32>
    %sub3A_117 = vector.broadcast %slice3A_115 : vector<1x640xf32> to vector<512x640xf32>
    %sub3A_118 = arith.subf %sub3A_116, %sub3A_117 : vector<512x640xf32>
    %integer_pow3A_119 = arith.mulf %sub3A_118, %sub3A_118 : vector<512x640xf32>
    %add3A_120 = arith.addf %add3A_113, %integer_pow3A_119 : vector<512x640xf32>
    %broadcast_in_dim3A_121 = arith.constant 2.560000e+03 : f32
    %broadcast_in_dim3A_122 = vector.broadcast %broadcast_in_dim3A_121 : f32 to vector<512x640xf32>
    %slice3A_123 = vector.extract_strided_slice %get3A_4 {offsets = [0, 3200], sizes = [3, 640], strides = [1, 1]} : vector<3x10240xf32> to vector<3x640xf32>
    %slice3A_124 = vector.extract_strided_slice %get3A_1 {offsets = [0, 0], sizes = [512, 1], strides = [1, 1]} : vector<512x3xf32> to vector<512x1xf32>
    %slice3A_125 = vector.extract_strided_slice %slice3A_123 {offsets = [0, 0], sizes = [1, 640], strides = [1, 1]} : vector<3x640xf32> to vector<1x640xf32>
    %sub3A_126 = vector.broadcast %slice3A_124 : vector<512x1xf32> to vector<512x640xf32>
    %sub3A_127 = vector.broadcast %slice3A_125 : vector<1x640xf32> to vector<512x640xf32>
    %sub3A_128 = arith.subf %sub3A_126, %sub3A_127 : vector<512x640xf32>
    %integer_pow3A_129 = arith.mulf %sub3A_128, %sub3A_128 : vector<512x640xf32>
    %slice3A_130 = vector.extract_strided_slice %get3A_1 {offsets = [0, 1], sizes = [512, 1], strides = [1, 1]} : vector<512x3xf32> to vector<512x1xf32>
    %slice3A_131 = vector.extract_strided_slice %slice3A_123 {offsets = [1, 0], sizes = [1, 640], strides = [1, 1]} : vector<3x640xf32> to vector<1x640xf32>
    %sub3A_132 = vector.broadcast %slice3A_130 : vector<512x1xf32> to vector<512x640xf32>
    %sub3A_133 = vector.broadcast %slice3A_131 : vector<1x640xf32> to vector<512x640xf32>
    %sub3A_134 = arith.subf %sub3A_132, %sub3A_133 : vector<512x640xf32>
    %integer_pow3A_135 = arith.mulf %sub3A_134, %sub3A_134 : vector<512x640xf32>
    %add3A_136 = arith.addf %integer_pow3A_129, %integer_pow3A_135 : vector<512x640xf32>
    %slice3A_137 = vector.extract_strided_slice %get3A_1 {offsets = [0, 2], sizes = [512, 1], strides = [1, 1]} : vector<512x3xf32> to vector<512x1xf32>
    %slice3A_138 = vector.extract_strided_slice %slice3A_123 {offsets = [2, 0], sizes = [1, 640], strides = [1, 1]} : vector<3x640xf32> to vector<1x640xf32>
    %sub3A_139 = vector.broadcast %slice3A_137 : vector<512x1xf32> to vector<512x640xf32>
    %sub3A_140 = vector.broadcast %slice3A_138 : vector<1x640xf32> to vector<512x640xf32>
    %sub3A_141 = arith.subf %sub3A_139, %sub3A_140 : vector<512x640xf32>
    %integer_pow3A_142 = arith.mulf %sub3A_141, %sub3A_141 : vector<512x640xf32>
    %add3A_143 = arith.addf %add3A_136, %integer_pow3A_142 : vector<512x640xf32>
    %broadcast_in_dim3A_144 = arith.constant 3.200000e+03 : f32
    %broadcast_in_dim3A_145 = vector.broadcast %broadcast_in_dim3A_144 : f32 to vector<512x640xf32>
    %le3A_146 = arith.cmpf ole, %add3A_120, %add3A_143 : vector<512x640xf32>
    %select_n3A_147 = arith.select %le3A_146, %add3A_120, %add3A_143 : vector<512x640xi1>, vector<512x640xf32>
    %select_n3A_148 = arith.select %le3A_146, %broadcast_in_dim3A_122, %broadcast_in_dim3A_145 : vector<512x640xi1>, vector<512x640xf32>
    %select_n3A_149 = arith.select %le3A_146, %add3A_143, %add3A_120 : vector<512x640xi1>, vector<512x640xf32>
    %select_n3A_150 = arith.select %le3A_146, %broadcast_in_dim3A_145, %broadcast_in_dim3A_122 : vector<512x640xi1>, vector<512x640xf32>
    %slice3A_151 = vector.extract_strided_slice %get3A_4 {offsets = [0, 3840], sizes = [3, 640], strides = [1, 1]} : vector<3x10240xf32> to vector<3x640xf32>
    %slice3A_152 = vector.extract_strided_slice %get3A_1 {offsets = [0, 0], sizes = [512, 1], strides = [1, 1]} : vector<512x3xf32> to vector<512x1xf32>
    %slice3A_153 = vector.extract_strided_slice %slice3A_151 {offsets = [0, 0], sizes = [1, 640], strides = [1, 1]} : vector<3x640xf32> to vector<1x640xf32>
    %sub3A_154 = vector.broadcast %slice3A_152 : vector<512x1xf32> to vector<512x640xf32>
    %sub3A_155 = vector.broadcast %slice3A_153 : vector<1x640xf32> to vector<512x640xf32>
    %sub3A_156 = arith.subf %sub3A_154, %sub3A_155 : vector<512x640xf32>
    %integer_pow3A_157 = arith.mulf %sub3A_156, %sub3A_156 : vector<512x640xf32>
    %slice3A_158 = vector.extract_strided_slice %get3A_1 {offsets = [0, 1], sizes = [512, 1], strides = [1, 1]} : vector<512x3xf32> to vector<512x1xf32>
    %slice3A_159 = vector.extract_strided_slice %slice3A_151 {offsets = [1, 0], sizes = [1, 640], strides = [1, 1]} : vector<3x640xf32> to vector<1x640xf32>
    %sub3A_160 = vector.broadcast %slice3A_158 : vector<512x1xf32> to vector<512x640xf32>
    %sub3A_161 = vector.broadcast %slice3A_159 : vector<1x640xf32> to vector<512x640xf32>
    %sub3A_162 = arith.subf %sub3A_160, %sub3A_161 : vector<512x640xf32>
    %integer_pow3A_163 = arith.mulf %sub3A_162, %sub3A_162 : vector<512x640xf32>
    %add3A_164 = arith.addf %integer_pow3A_157, %integer_pow3A_163 : vector<512x640xf32>
    %slice3A_165 = vector.extract_strided_slice %get3A_1 {offsets = [0, 2], sizes = [512, 1], strides = [1, 1]} : vector<512x3xf32> to vector<512x1xf32>
    %slice3A_166 = vector.extract_strided_slice %slice3A_151 {offsets = [2, 0], sizes = [1, 640], strides = [1, 1]} : vector<3x640xf32> to vector<1x640xf32>
    %sub3A_167 = vector.broadcast %slice3A_165 : vector<512x1xf32> to vector<512x640xf32>
    %sub3A_168 = vector.broadcast %slice3A_166 : vector<1x640xf32> to vector<512x640xf32>
    %sub3A_169 = arith.subf %sub3A_167, %sub3A_168 : vector<512x640xf32>
    %integer_pow3A_170 = arith.mulf %sub3A_169, %sub3A_169 : vector<512x640xf32>
    %add3A_171 = arith.addf %add3A_164, %integer_pow3A_170 : vector<512x640xf32>
    %broadcast_in_dim3A_172 = arith.constant 3.840000e+03 : f32
    %broadcast_in_dim3A_173 = vector.broadcast %broadcast_in_dim3A_172 : f32 to vector<512x640xf32>
    %slice3A_174 = vector.extract_strided_slice %get3A_4 {offsets = [0, 4480], sizes = [3, 640], strides = [1, 1]} : vector<3x10240xf32> to vector<3x640xf32>
    %slice3A_175 = vector.extract_strided_slice %get3A_1 {offsets = [0, 0], sizes = [512, 1], strides = [1, 1]} : vector<512x3xf32> to vector<512x1xf32>
    %slice3A_176 = vector.extract_strided_slice %slice3A_174 {offsets = [0, 0], sizes = [1, 640], strides = [1, 1]} : vector<3x640xf32> to vector<1x640xf32>
    %sub3A_177 = vector.broadcast %slice3A_175 : vector<512x1xf32> to vector<512x640xf32>
    %sub3A_178 = vector.broadcast %slice3A_176 : vector<1x640xf32> to vector<512x640xf32>
    %sub3A_179 = arith.subf %sub3A_177, %sub3A_178 : vector<512x640xf32>
    %integer_pow3A_180 = arith.mulf %sub3A_179, %sub3A_179 : vector<512x640xf32>
    %slice3A_181 = vector.extract_strided_slice %get3A_1 {offsets = [0, 1], sizes = [512, 1], strides = [1, 1]} : vector<512x3xf32> to vector<512x1xf32>
    %slice3A_182 = vector.extract_strided_slice %slice3A_174 {offsets = [1, 0], sizes = [1, 640], strides = [1, 1]} : vector<3x640xf32> to vector<1x640xf32>
    %sub3A_183 = vector.broadcast %slice3A_181 : vector<512x1xf32> to vector<512x640xf32>
    %sub3A_184 = vector.broadcast %slice3A_182 : vector<1x640xf32> to vector<512x640xf32>
    %sub3A_185 = arith.subf %sub3A_183, %sub3A_184 : vector<512x640xf32>
    %integer_pow3A_186 = arith.mulf %sub3A_185, %sub3A_185 : vector<512x640xf32>
    %add3A_187 = arith.addf %integer_pow3A_180, %integer_pow3A_186 : vector<512x640xf32>
    %slice3A_188 = vector.extract_strided_slice %get3A_1 {offsets = [0, 2], sizes = [512, 1], strides = [1, 1]} : vector<512x3xf32> to vector<512x1xf32>
    %slice3A_189 = vector.extract_strided_slice %slice3A_174 {offsets = [2, 0], sizes = [1, 640], strides = [1, 1]} : vector<3x640xf32> to vector<1x640xf32>
    %sub3A_190 = vector.broadcast %slice3A_188 : vector<512x1xf32> to vector<512x640xf32>
    %sub3A_191 = vector.broadcast %slice3A_189 : vector<1x640xf32> to vector<512x640xf32>
    %sub3A_192 = arith.subf %sub3A_190, %sub3A_191 : vector<512x640xf32>
    %integer_pow3A_193 = arith.mulf %sub3A_192, %sub3A_192 : vector<512x640xf32>
    %add3A_194 = arith.addf %add3A_187, %integer_pow3A_193 : vector<512x640xf32>
    %broadcast_in_dim3A_195 = arith.constant 4.480000e+03 : f32
    %broadcast_in_dim3A_196 = vector.broadcast %broadcast_in_dim3A_195 : f32 to vector<512x640xf32>
    %le3A_197 = arith.cmpf ole, %add3A_171, %add3A_194 : vector<512x640xf32>
    %select_n3A_198 = arith.select %le3A_197, %add3A_171, %add3A_194 : vector<512x640xi1>, vector<512x640xf32>
    %select_n3A_199 = arith.select %le3A_197, %broadcast_in_dim3A_173, %broadcast_in_dim3A_196 : vector<512x640xi1>, vector<512x640xf32>
    %select_n3A_200 = arith.select %le3A_197, %add3A_194, %add3A_171 : vector<512x640xi1>, vector<512x640xf32>
    %select_n3A_201 = arith.select %le3A_197, %broadcast_in_dim3A_196, %broadcast_in_dim3A_173 : vector<512x640xi1>, vector<512x640xf32>
    %slice3A_202 = vector.extract_strided_slice %get3A_4 {offsets = [0, 5120], sizes = [3, 640], strides = [1, 1]} : vector<3x10240xf32> to vector<3x640xf32>
    %slice3A_203 = vector.extract_strided_slice %get3A_1 {offsets = [0, 0], sizes = [512, 1], strides = [1, 1]} : vector<512x3xf32> to vector<512x1xf32>
    %slice3A_204 = vector.extract_strided_slice %slice3A_202 {offsets = [0, 0], sizes = [1, 640], strides = [1, 1]} : vector<3x640xf32> to vector<1x640xf32>
    %sub3A_205 = vector.broadcast %slice3A_203 : vector<512x1xf32> to vector<512x640xf32>
    %sub3A_206 = vector.broadcast %slice3A_204 : vector<1x640xf32> to vector<512x640xf32>
    %sub3A_207 = arith.subf %sub3A_205, %sub3A_206 : vector<512x640xf32>
    %integer_pow3A_208 = arith.mulf %sub3A_207, %sub3A_207 : vector<512x640xf32>
    %slice3A_209 = vector.extract_strided_slice %get3A_1 {offsets = [0, 1], sizes = [512, 1], strides = [1, 1]} : vector<512x3xf32> to vector<512x1xf32>
    %slice3A_210 = vector.extract_strided_slice %slice3A_202 {offsets = [1, 0], sizes = [1, 640], strides = [1, 1]} : vector<3x640xf32> to vector<1x640xf32>
    %sub3A_211 = vector.broadcast %slice3A_209 : vector<512x1xf32> to vector<512x640xf32>
    %sub3A_212 = vector.broadcast %slice3A_210 : vector<1x640xf32> to vector<512x640xf32>
    %sub3A_213 = arith.subf %sub3A_211, %sub3A_212 : vector<512x640xf32>
    %integer_pow3A_214 = arith.mulf %sub3A_213, %sub3A_213 : vector<512x640xf32>
    %add3A_215 = arith.addf %integer_pow3A_208, %integer_pow3A_214 : vector<512x640xf32>
    %slice3A_216 = vector.extract_strided_slice %get3A_1 {offsets = [0, 2], sizes = [512, 1], strides = [1, 1]} : vector<512x3xf32> to vector<512x1xf32>
    %slice3A_217 = vector.extract_strided_slice %slice3A_202 {offsets = [2, 0], sizes = [1, 640], strides = [1, 1]} : vector<3x640xf32> to vector<1x640xf32>
    %sub3A_218 = vector.broadcast %slice3A_216 : vector<512x1xf32> to vector<512x640xf32>
    %sub3A_219 = vector.broadcast %slice3A_217 : vector<1x640xf32> to vector<512x640xf32>
    %sub3A_220 = arith.subf %sub3A_218, %sub3A_219 : vector<512x640xf32>
    %integer_pow3A_221 = arith.mulf %sub3A_220, %sub3A_220 : vector<512x640xf32>
    %add3A_222 = arith.addf %add3A_215, %integer_pow3A_221 : vector<512x640xf32>
    %broadcast_in_dim3A_223 = arith.constant 5.120000e+03 : f32
    %broadcast_in_dim3A_224 = vector.broadcast %broadcast_in_dim3A_223 : f32 to vector<512x640xf32>
    %slice3A_225 = vector.extract_strided_slice %get3A_4 {offsets = [0, 5760], sizes = [3, 640], strides = [1, 1]} : vector<3x10240xf32> to vector<3x640xf32>
    %slice3A_226 = vector.extract_strided_slice %get3A_1 {offsets = [0, 0], sizes = [512, 1], strides = [1, 1]} : vector<512x3xf32> to vector<512x1xf32>
    %slice3A_227 = vector.extract_strided_slice %slice3A_225 {offsets = [0, 0], sizes = [1, 640], strides = [1, 1]} : vector<3x640xf32> to vector<1x640xf32>
    %sub3A_228 = vector.broadcast %slice3A_226 : vector<512x1xf32> to vector<512x640xf32>
    %sub3A_229 = vector.broadcast %slice3A_227 : vector<1x640xf32> to vector<512x640xf32>
    %sub3A_230 = arith.subf %sub3A_228, %sub3A_229 : vector<512x640xf32>
    %integer_pow3A_231 = arith.mulf %sub3A_230, %sub3A_230 : vector<512x640xf32>
    %slice3A_232 = vector.extract_strided_slice %get3A_1 {offsets = [0, 1], sizes = [512, 1], strides = [1, 1]} : vector<512x3xf32> to vector<512x1xf32>
    %slice3A_233 = vector.extract_strided_slice %slice3A_225 {offsets = [1, 0], sizes = [1, 640], strides = [1, 1]} : vector<3x640xf32> to vector<1x640xf32>
    %sub3A_234 = vector.broadcast %slice3A_232 : vector<512x1xf32> to vector<512x640xf32>
    %sub3A_235 = vector.broadcast %slice3A_233 : vector<1x640xf32> to vector<512x640xf32>
    %sub3A_236 = arith.subf %sub3A_234, %sub3A_235 : vector<512x640xf32>
    %integer_pow3A_237 = arith.mulf %sub3A_236, %sub3A_236 : vector<512x640xf32>
    %add3A_238 = arith.addf %integer_pow3A_231, %integer_pow3A_237 : vector<512x640xf32>
    %slice3A_239 = vector.extract_strided_slice %get3A_1 {offsets = [0, 2], sizes = [512, 1], strides = [1, 1]} : vector<512x3xf32> to vector<512x1xf32>
    %slice3A_240 = vector.extract_strided_slice %slice3A_225 {offsets = [2, 0], sizes = [1, 640], strides = [1, 1]} : vector<3x640xf32> to vector<1x640xf32>
    %sub3A_241 = vector.broadcast %slice3A_239 : vector<512x1xf32> to vector<512x640xf32>
    %sub3A_242 = vector.broadcast %slice3A_240 : vector<1x640xf32> to vector<512x640xf32>
    %sub3A_243 = arith.subf %sub3A_241, %sub3A_242 : vector<512x640xf32>
    %integer_pow3A_244 = arith.mulf %sub3A_243, %sub3A_243 : vector<512x640xf32>
    %add3A_245 = arith.addf %add3A_238, %integer_pow3A_244 : vector<512x640xf32>
    %broadcast_in_dim3A_246 = arith.constant 5.760000e+03 : f32
    %broadcast_in_dim3A_247 = vector.broadcast %broadcast_in_dim3A_246 : f32 to vector<512x640xf32>
    %le3A_248 = arith.cmpf ole, %add3A_222, %add3A_245 : vector<512x640xf32>
    %select_n3A_249 = arith.select %le3A_248, %add3A_222, %add3A_245 : vector<512x640xi1>, vector<512x640xf32>
    %select_n3A_250 = arith.select %le3A_248, %broadcast_in_dim3A_224, %broadcast_in_dim3A_247 : vector<512x640xi1>, vector<512x640xf32>
    %select_n3A_251 = arith.select %le3A_248, %add3A_245, %add3A_222 : vector<512x640xi1>, vector<512x640xf32>
    %select_n3A_252 = arith.select %le3A_248, %broadcast_in_dim3A_247, %broadcast_in_dim3A_224 : vector<512x640xi1>, vector<512x640xf32>
    %slice3A_253 = vector.extract_strided_slice %get3A_4 {offsets = [0, 6400], sizes = [3, 640], strides = [1, 1]} : vector<3x10240xf32> to vector<3x640xf32>
    %slice3A_254 = vector.extract_strided_slice %get3A_1 {offsets = [0, 0], sizes = [512, 1], strides = [1, 1]} : vector<512x3xf32> to vector<512x1xf32>
    %slice3A_255 = vector.extract_strided_slice %slice3A_253 {offsets = [0, 0], sizes = [1, 640], strides = [1, 1]} : vector<3x640xf32> to vector<1x640xf32>
    %sub3A_256 = vector.broadcast %slice3A_254 : vector<512x1xf32> to vector<512x640xf32>
    %sub3A_257 = vector.broadcast %slice3A_255 : vector<1x640xf32> to vector<512x640xf32>
    %sub3A_258 = arith.subf %sub3A_256, %sub3A_257 : vector<512x640xf32>
    %integer_pow3A_259 = arith.mulf %sub3A_258, %sub3A_258 : vector<512x640xf32>
    %slice3A_260 = vector.extract_strided_slice %get3A_1 {offsets = [0, 1], sizes = [512, 1], strides = [1, 1]} : vector<512x3xf32> to vector<512x1xf32>
    %slice3A_261 = vector.extract_strided_slice %slice3A_253 {offsets = [1, 0], sizes = [1, 640], strides = [1, 1]} : vector<3x640xf32> to vector<1x640xf32>
    %sub3A_262 = vector.broadcast %slice3A_260 : vector<512x1xf32> to vector<512x640xf32>
    %sub3A_263 = vector.broadcast %slice3A_261 : vector<1x640xf32> to vector<512x640xf32>
    %sub3A_264 = arith.subf %sub3A_262, %sub3A_263 : vector<512x640xf32>
    %integer_pow3A_265 = arith.mulf %sub3A_264, %sub3A_264 : vector<512x640xf32>
    %add3A_266 = arith.addf %integer_pow3A_259, %integer_pow3A_265 : vector<512x640xf32>
    %slice3A_267 = vector.extract_strided_slice %get3A_1 {offsets = [0, 2], sizes = [512, 1], strides = [1, 1]} : vector<512x3xf32> to vector<512x1xf32>
    %slice3A_268 = vector.extract_strided_slice %slice3A_253 {offsets = [2, 0], sizes = [1, 640], strides = [1, 1]} : vector<3x640xf32> to vector<1x640xf32>
    %sub3A_269 = vector.broadcast %slice3A_267 : vector<512x1xf32> to vector<512x640xf32>
    %sub3A_270 = vector.broadcast %slice3A_268 : vector<1x640xf32> to vector<512x640xf32>
    %sub3A_271 = arith.subf %sub3A_269, %sub3A_270 : vector<512x640xf32>
    %integer_pow3A_272 = arith.mulf %sub3A_271, %sub3A_271 : vector<512x640xf32>
    %add3A_273 = arith.addf %add3A_266, %integer_pow3A_272 : vector<512x640xf32>
    %broadcast_in_dim3A_274 = arith.constant 6.400000e+03 : f32
    %broadcast_in_dim3A_275 = vector.broadcast %broadcast_in_dim3A_274 : f32 to vector<512x640xf32>
    %slice3A_276 = vector.extract_strided_slice %get3A_4 {offsets = [0, 7040], sizes = [3, 640], strides = [1, 1]} : vector<3x10240xf32> to vector<3x640xf32>
    %slice3A_277 = vector.extract_strided_slice %get3A_1 {offsets = [0, 0], sizes = [512, 1], strides = [1, 1]} : vector<512x3xf32> to vector<512x1xf32>
    %slice3A_278 = vector.extract_strided_slice %slice3A_276 {offsets = [0, 0], sizes = [1, 640], strides = [1, 1]} : vector<3x640xf32> to vector<1x640xf32>
    %sub3A_279 = vector.broadcast %slice3A_277 : vector<512x1xf32> to vector<512x640xf32>
    %sub3A_280 = vector.broadcast %slice3A_278 : vector<1x640xf32> to vector<512x640xf32>
    %sub3A_281 = arith.subf %sub3A_279, %sub3A_280 : vector<512x640xf32>
    %integer_pow3A_282 = arith.mulf %sub3A_281, %sub3A_281 : vector<512x640xf32>
    %slice3A_283 = vector.extract_strided_slice %get3A_1 {offsets = [0, 1], sizes = [512, 1], strides = [1, 1]} : vector<512x3xf32> to vector<512x1xf32>
    %slice3A_284 = vector.extract_strided_slice %slice3A_276 {offsets = [1, 0], sizes = [1, 640], strides = [1, 1]} : vector<3x640xf32> to vector<1x640xf32>
    %sub3A_285 = vector.broadcast %slice3A_283 : vector<512x1xf32> to vector<512x640xf32>
    %sub3A_286 = vector.broadcast %slice3A_284 : vector<1x640xf32> to vector<512x640xf32>
    %sub3A_287 = arith.subf %sub3A_285, %sub3A_286 : vector<512x640xf32>
    %integer_pow3A_288 = arith.mulf %sub3A_287, %sub3A_287 : vector<512x640xf32>
    %add3A_289 = arith.addf %integer_pow3A_282, %integer_pow3A_288 : vector<512x640xf32>
    %slice3A_290 = vector.extract_strided_slice %get3A_1 {offsets = [0, 2], sizes = [512, 1], strides = [1, 1]} : vector<512x3xf32> to vector<512x1xf32>
    %slice3A_291 = vector.extract_strided_slice %slice3A_276 {offsets = [2, 0], sizes = [1, 640], strides = [1, 1]} : vector<3x640xf32> to vector<1x640xf32>
    %sub3A_292 = vector.broadcast %slice3A_290 : vector<512x1xf32> to vector<512x640xf32>
    %sub3A_293 = vector.broadcast %slice3A_291 : vector<1x640xf32> to vector<512x640xf32>
    %sub3A_294 = arith.subf %sub3A_292, %sub3A_293 : vector<512x640xf32>
    %integer_pow3A_295 = arith.mulf %sub3A_294, %sub3A_294 : vector<512x640xf32>
    %add3A_296 = arith.addf %add3A_289, %integer_pow3A_295 : vector<512x640xf32>
    %broadcast_in_dim3A_297 = arith.constant 7.040000e+03 : f32
    %broadcast_in_dim3A_298 = vector.broadcast %broadcast_in_dim3A_297 : f32 to vector<512x640xf32>
    %le3A_299 = arith.cmpf ole, %add3A_273, %add3A_296 : vector<512x640xf32>
    %select_n3A_300 = arith.select %le3A_299, %add3A_273, %add3A_296 : vector<512x640xi1>, vector<512x640xf32>
    %select_n3A_301 = arith.select %le3A_299, %broadcast_in_dim3A_275, %broadcast_in_dim3A_298 : vector<512x640xi1>, vector<512x640xf32>
    %select_n3A_302 = arith.select %le3A_299, %add3A_296, %add3A_273 : vector<512x640xi1>, vector<512x640xf32>
    %select_n3A_303 = arith.select %le3A_299, %broadcast_in_dim3A_298, %broadcast_in_dim3A_275 : vector<512x640xi1>, vector<512x640xf32>
    %slice3A_304 = vector.extract_strided_slice %get3A_4 {offsets = [0, 7680], sizes = [3, 640], strides = [1, 1]} : vector<3x10240xf32> to vector<3x640xf32>
    %slice3A_305 = vector.extract_strided_slice %get3A_1 {offsets = [0, 0], sizes = [512, 1], strides = [1, 1]} : vector<512x3xf32> to vector<512x1xf32>
    %slice3A_306 = vector.extract_strided_slice %slice3A_304 {offsets = [0, 0], sizes = [1, 640], strides = [1, 1]} : vector<3x640xf32> to vector<1x640xf32>
    %sub3A_307 = vector.broadcast %slice3A_305 : vector<512x1xf32> to vector<512x640xf32>
    %sub3A_308 = vector.broadcast %slice3A_306 : vector<1x640xf32> to vector<512x640xf32>
    %sub3A_309 = arith.subf %sub3A_307, %sub3A_308 : vector<512x640xf32>
    %integer_pow3A_310 = arith.mulf %sub3A_309, %sub3A_309 : vector<512x640xf32>
    %slice3A_311 = vector.extract_strided_slice %get3A_1 {offsets = [0, 1], sizes = [512, 1], strides = [1, 1]} : vector<512x3xf32> to vector<512x1xf32>
    %slice3A_312 = vector.extract_strided_slice %slice3A_304 {offsets = [1, 0], sizes = [1, 640], strides = [1, 1]} : vector<3x640xf32> to vector<1x640xf32>
    %sub3A_313 = vector.broadcast %slice3A_311 : vector<512x1xf32> to vector<512x640xf32>
    %sub3A_314 = vector.broadcast %slice3A_312 : vector<1x640xf32> to vector<512x640xf32>
    %sub3A_315 = arith.subf %sub3A_313, %sub3A_314 : vector<512x640xf32>
    %integer_pow3A_316 = arith.mulf %sub3A_315, %sub3A_315 : vector<512x640xf32>
    %add3A_317 = arith.addf %integer_pow3A_310, %integer_pow3A_316 : vector<512x640xf32>
    %slice3A_318 = vector.extract_strided_slice %get3A_1 {offsets = [0, 2], sizes = [512, 1], strides = [1, 1]} : vector<512x3xf32> to vector<512x1xf32>
    %slice3A_319 = vector.extract_strided_slice %slice3A_304 {offsets = [2, 0], sizes = [1, 640], strides = [1, 1]} : vector<3x640xf32> to vector<1x640xf32>
    %sub3A_320 = vector.broadcast %slice3A_318 : vector<512x1xf32> to vector<512x640xf32>
    %sub3A_321 = vector.broadcast %slice3A_319 : vector<1x640xf32> to vector<512x640xf32>
    %sub3A_322 = arith.subf %sub3A_320, %sub3A_321 : vector<512x640xf32>
    %integer_pow3A_323 = arith.mulf %sub3A_322, %sub3A_322 : vector<512x640xf32>
    %add3A_324 = arith.addf %add3A_317, %integer_pow3A_323 : vector<512x640xf32>
    %broadcast_in_dim3A_325 = arith.constant 7.680000e+03 : f32
    %broadcast_in_dim3A_326 = vector.broadcast %broadcast_in_dim3A_325 : f32 to vector<512x640xf32>
    %slice3A_327 = vector.extract_strided_slice %get3A_4 {offsets = [0, 8320], sizes = [3, 640], strides = [1, 1]} : vector<3x10240xf32> to vector<3x640xf32>
    %slice3A_328 = vector.extract_strided_slice %get3A_1 {offsets = [0, 0], sizes = [512, 1], strides = [1, 1]} : vector<512x3xf32> to vector<512x1xf32>
    %slice3A_329 = vector.extract_strided_slice %slice3A_327 {offsets = [0, 0], sizes = [1, 640], strides = [1, 1]} : vector<3x640xf32> to vector<1x640xf32>
    %sub3A_330 = vector.broadcast %slice3A_328 : vector<512x1xf32> to vector<512x640xf32>
    %sub3A_331 = vector.broadcast %slice3A_329 : vector<1x640xf32> to vector<512x640xf32>
    %sub3A_332 = arith.subf %sub3A_330, %sub3A_331 : vector<512x640xf32>
    %integer_pow3A_333 = arith.mulf %sub3A_332, %sub3A_332 : vector<512x640xf32>
    %slice3A_334 = vector.extract_strided_slice %get3A_1 {offsets = [0, 1], sizes = [512, 1], strides = [1, 1]} : vector<512x3xf32> to vector<512x1xf32>
    %slice3A_335 = vector.extract_strided_slice %slice3A_327 {offsets = [1, 0], sizes = [1, 640], strides = [1, 1]} : vector<3x640xf32> to vector<1x640xf32>
    %sub3A_336 = vector.broadcast %slice3A_334 : vector<512x1xf32> to vector<512x640xf32>
    %sub3A_337 = vector.broadcast %slice3A_335 : vector<1x640xf32> to vector<512x640xf32>
    %sub3A_338 = arith.subf %sub3A_336, %sub3A_337 : vector<512x640xf32>
    %integer_pow3A_339 = arith.mulf %sub3A_338, %sub3A_338 : vector<512x640xf32>
    %add3A_340 = arith.addf %integer_pow3A_333, %integer_pow3A_339 : vector<512x640xf32>
    %slice3A_341 = vector.extract_strided_slice %get3A_1 {offsets = [0, 2], sizes = [512, 1], strides = [1, 1]} : vector<512x3xf32> to vector<512x1xf32>
    %slice3A_342 = vector.extract_strided_slice %slice3A_327 {offsets = [2, 0], sizes = [1, 640], strides = [1, 1]} : vector<3x640xf32> to vector<1x640xf32>
    %sub3A_343 = vector.broadcast %slice3A_341 : vector<512x1xf32> to vector<512x640xf32>
    %sub3A_344 = vector.broadcast %slice3A_342 : vector<1x640xf32> to vector<512x640xf32>
    %sub3A_345 = arith.subf %sub3A_343, %sub3A_344 : vector<512x640xf32>
    %integer_pow3A_346 = arith.mulf %sub3A_345, %sub3A_345 : vector<512x640xf32>
    %add3A_347 = arith.addf %add3A_340, %integer_pow3A_346 : vector<512x640xf32>
    %broadcast_in_dim3A_348 = arith.constant 8.320000e+03 : f32
    %broadcast_in_dim3A_349 = vector.broadcast %broadcast_in_dim3A_348 : f32 to vector<512x640xf32>
    %le3A_350 = arith.cmpf ole, %add3A_324, %add3A_347 : vector<512x640xf32>
    %select_n3A_351 = arith.select %le3A_350, %add3A_324, %add3A_347 : vector<512x640xi1>, vector<512x640xf32>
    %select_n3A_352 = arith.select %le3A_350, %broadcast_in_dim3A_326, %broadcast_in_dim3A_349 : vector<512x640xi1>, vector<512x640xf32>
    %select_n3A_353 = arith.select %le3A_350, %add3A_347, %add3A_324 : vector<512x640xi1>, vector<512x640xf32>
    %select_n3A_354 = arith.select %le3A_350, %broadcast_in_dim3A_349, %broadcast_in_dim3A_326 : vector<512x640xi1>, vector<512x640xf32>
    %slice3A_355 = vector.extract_strided_slice %get3A_4 {offsets = [0, 8960], sizes = [3, 640], strides = [1, 1]} : vector<3x10240xf32> to vector<3x640xf32>
    %slice3A_356 = vector.extract_strided_slice %get3A_1 {offsets = [0, 0], sizes = [512, 1], strides = [1, 1]} : vector<512x3xf32> to vector<512x1xf32>
    %slice3A_357 = vector.extract_strided_slice %slice3A_355 {offsets = [0, 0], sizes = [1, 640], strides = [1, 1]} : vector<3x640xf32> to vector<1x640xf32>
    %sub3A_358 = vector.broadcast %slice3A_356 : vector<512x1xf32> to vector<512x640xf32>
    %sub3A_359 = vector.broadcast %slice3A_357 : vector<1x640xf32> to vector<512x640xf32>
    %sub3A_360 = arith.subf %sub3A_358, %sub3A_359 : vector<512x640xf32>
    %integer_pow3A_361 = arith.mulf %sub3A_360, %sub3A_360 : vector<512x640xf32>
    %slice3A_362 = vector.extract_strided_slice %get3A_1 {offsets = [0, 1], sizes = [512, 1], strides = [1, 1]} : vector<512x3xf32> to vector<512x1xf32>
    %slice3A_363 = vector.extract_strided_slice %slice3A_355 {offsets = [1, 0], sizes = [1, 640], strides = [1, 1]} : vector<3x640xf32> to vector<1x640xf32>
    %sub3A_364 = vector.broadcast %slice3A_362 : vector<512x1xf32> to vector<512x640xf32>
    %sub3A_365 = vector.broadcast %slice3A_363 : vector<1x640xf32> to vector<512x640xf32>
    %sub3A_366 = arith.subf %sub3A_364, %sub3A_365 : vector<512x640xf32>
    %integer_pow3A_367 = arith.mulf %sub3A_366, %sub3A_366 : vector<512x640xf32>
    %add3A_368 = arith.addf %integer_pow3A_361, %integer_pow3A_367 : vector<512x640xf32>
    %slice3A_369 = vector.extract_strided_slice %get3A_1 {offsets = [0, 2], sizes = [512, 1], strides = [1, 1]} : vector<512x3xf32> to vector<512x1xf32>
    %slice3A_370 = vector.extract_strided_slice %slice3A_355 {offsets = [2, 0], sizes = [1, 640], strides = [1, 1]} : vector<3x640xf32> to vector<1x640xf32>
    %sub3A_371 = vector.broadcast %slice3A_369 : vector<512x1xf32> to vector<512x640xf32>
    %sub3A_372 = vector.broadcast %slice3A_370 : vector<1x640xf32> to vector<512x640xf32>
    %sub3A_373 = arith.subf %sub3A_371, %sub3A_372 : vector<512x640xf32>
    %integer_pow3A_374 = arith.mulf %sub3A_373, %sub3A_373 : vector<512x640xf32>
    %add3A_375 = arith.addf %add3A_368, %integer_pow3A_374 : vector<512x640xf32>
    %broadcast_in_dim3A_376 = arith.constant 8.960000e+03 : f32
    %broadcast_in_dim3A_377 = vector.broadcast %broadcast_in_dim3A_376 : f32 to vector<512x640xf32>
    %slice3A_378 = vector.extract_strided_slice %get3A_4 {offsets = [0, 9600], sizes = [3, 640], strides = [1, 1]} : vector<3x10240xf32> to vector<3x640xf32>
    %slice3A_379 = vector.extract_strided_slice %get3A_1 {offsets = [0, 0], sizes = [512, 1], strides = [1, 1]} : vector<512x3xf32> to vector<512x1xf32>
    %slice3A_380 = vector.extract_strided_slice %slice3A_378 {offsets = [0, 0], sizes = [1, 640], strides = [1, 1]} : vector<3x640xf32> to vector<1x640xf32>
    %sub3A_381 = vector.broadcast %slice3A_379 : vector<512x1xf32> to vector<512x640xf32>
    %sub3A_382 = vector.broadcast %slice3A_380 : vector<1x640xf32> to vector<512x640xf32>
    %sub3A_383 = arith.subf %sub3A_381, %sub3A_382 : vector<512x640xf32>
    %integer_pow3A_384 = arith.mulf %sub3A_383, %sub3A_383 : vector<512x640xf32>
    %slice3A_385 = vector.extract_strided_slice %get3A_1 {offsets = [0, 1], sizes = [512, 1], strides = [1, 1]} : vector<512x3xf32> to vector<512x1xf32>
    %slice3A_386 = vector.extract_strided_slice %slice3A_378 {offsets = [1, 0], sizes = [1, 640], strides = [1, 1]} : vector<3x640xf32> to vector<1x640xf32>
    %sub3A_387 = vector.broadcast %slice3A_385 : vector<512x1xf32> to vector<512x640xf32>
    %sub3A_388 = vector.broadcast %slice3A_386 : vector<1x640xf32> to vector<512x640xf32>
    %sub3A_389 = arith.subf %sub3A_387, %sub3A_388 : vector<512x640xf32>
    %integer_pow3A_390 = arith.mulf %sub3A_389, %sub3A_389 : vector<512x640xf32>
    %add3A_391 = arith.addf %integer_pow3A_384, %integer_pow3A_390 : vector<512x640xf32>
    %slice3A_392 = vector.extract_strided_slice %get3A_1 {offsets = [0, 2], sizes = [512, 1], strides = [1, 1]} : vector<512x3xf32> to vector<512x1xf32>
    %slice3A_393 = vector.extract_strided_slice %slice3A_378 {offsets = [2, 0], sizes = [1, 640], strides = [1, 1]} : vector<3x640xf32> to vector<1x640xf32>
    %sub3A_394 = vector.broadcast %slice3A_392 : vector<512x1xf32> to vector<512x640xf32>
    %sub3A_395 = vector.broadcast %slice3A_393 : vector<1x640xf32> to vector<512x640xf32>
    %sub3A_396 = arith.subf %sub3A_394, %sub3A_395 : vector<512x640xf32>
    %integer_pow3A_397 = arith.mulf %sub3A_396, %sub3A_396 : vector<512x640xf32>
    %add3A_398 = arith.addf %add3A_391, %integer_pow3A_397 : vector<512x640xf32>
    %broadcast_in_dim3A_399 = arith.constant 9.600000e+03 : f32
    %broadcast_in_dim3A_400 = vector.broadcast %broadcast_in_dim3A_399 : f32 to vector<512x640xf32>
    %le3A_401 = arith.cmpf ole, %add3A_375, %add3A_398 : vector<512x640xf32>
    %select_n3A_402 = arith.select %le3A_401, %add3A_375, %add3A_398 : vector<512x640xi1>, vector<512x640xf32>
    %select_n3A_403 = arith.select %le3A_401, %broadcast_in_dim3A_377, %broadcast_in_dim3A_400 : vector<512x640xi1>, vector<512x640xf32>
    %select_n3A_404 = arith.select %le3A_401, %add3A_398, %add3A_375 : vector<512x640xi1>, vector<512x640xf32>
    %select_n3A_405 = arith.select %le3A_401, %broadcast_in_dim3A_400, %broadcast_in_dim3A_377 : vector<512x640xi1>, vector<512x640xf32>
    %le3A_406 = arith.cmpf ole, %select_n3A, %select_n3A_96 : vector<512x640xf32>
    %select_n3A_407 = arith.select %le3A_406, %select_n3A, %select_n3A_96 : vector<512x640xi1>, vector<512x640xf32>
    %select_n3A_408 = arith.select %le3A_406, %select_n3A_46, %select_n3A_97 : vector<512x640xi1>, vector<512x640xf32>
    %select_n3A_409 = arith.select %le3A_406, %select_n3A_96, %select_n3A : vector<512x640xi1>, vector<512x640xf32>
    %select_n3A_410 = arith.select %le3A_406, %select_n3A_97, %select_n3A_46 : vector<512x640xi1>, vector<512x640xf32>
    %le3A_411 = arith.cmpf ole, %select_n3A_47, %select_n3A_98 : vector<512x640xf32>
    %select_n3A_412 = arith.select %le3A_411, %select_n3A_47, %select_n3A_98 : vector<512x640xi1>, vector<512x640xf32>
    %select_n3A_413 = arith.select %le3A_411, %select_n3A_48, %select_n3A_99 : vector<512x640xi1>, vector<512x640xf32>
    %le3A_414 = arith.cmpf ole, %select_n3A_409, %select_n3A_412 : vector<512x640xf32>
    %select_n3A_415 = arith.select %le3A_414, %select_n3A_409, %select_n3A_412 : vector<512x640xi1>, vector<512x640xf32>
    %select_n3A_416 = arith.select %le3A_414, %select_n3A_410, %select_n3A_413 : vector<512x640xi1>, vector<512x640xf32>
    %le3A_417 = arith.cmpf ole, %select_n3A_147, %select_n3A_198 : vector<512x640xf32>
    %select_n3A_418 = arith.select %le3A_417, %select_n3A_147, %select_n3A_198 : vector<512x640xi1>, vector<512x640xf32>
    %select_n3A_419 = arith.select %le3A_417, %select_n3A_148, %select_n3A_199 : vector<512x640xi1>, vector<512x640xf32>
    %select_n3A_420 = arith.select %le3A_417, %select_n3A_198, %select_n3A_147 : vector<512x640xi1>, vector<512x640xf32>
    %select_n3A_421 = arith.select %le3A_417, %select_n3A_199, %select_n3A_148 : vector<512x640xi1>, vector<512x640xf32>
    %le3A_422 = arith.cmpf ole, %select_n3A_149, %select_n3A_200 : vector<512x640xf32>
    %select_n3A_423 = arith.select %le3A_422, %select_n3A_149, %select_n3A_200 : vector<512x640xi1>, vector<512x640xf32>
    %select_n3A_424 = arith.select %le3A_422, %select_n3A_150, %select_n3A_201 : vector<512x640xi1>, vector<512x640xf32>
    %le3A_425 = arith.cmpf ole, %select_n3A_420, %select_n3A_423 : vector<512x640xf32>
    %select_n3A_426 = arith.select %le3A_425, %select_n3A_420, %select_n3A_423 : vector<512x640xi1>, vector<512x640xf32>
    %select_n3A_427 = arith.select %le3A_425, %select_n3A_421, %select_n3A_424 : vector<512x640xi1>, vector<512x640xf32>
    %le3A_428 = arith.cmpf ole, %select_n3A_249, %select_n3A_300 : vector<512x640xf32>
    %select_n3A_429 = arith.select %le3A_428, %select_n3A_249, %select_n3A_300 : vector<512x640xi1>, vector<512x640xf32>
    %select_n3A_430 = arith.select %le3A_428, %select_n3A_250, %select_n3A_301 : vector<512x640xi1>, vector<512x640xf32>
    %select_n3A_431 = arith.select %le3A_428, %select_n3A_300, %select_n3A_249 : vector<512x640xi1>, vector<512x640xf32>
    %select_n3A_432 = arith.select %le3A_428, %select_n3A_301, %select_n3A_250 : vector<512x640xi1>, vector<512x640xf32>
    %le3A_433 = arith.cmpf ole, %select_n3A_251, %select_n3A_302 : vector<512x640xf32>
    %select_n3A_434 = arith.select %le3A_433, %select_n3A_251, %select_n3A_302 : vector<512x640xi1>, vector<512x640xf32>
    %select_n3A_435 = arith.select %le3A_433, %select_n3A_252, %select_n3A_303 : vector<512x640xi1>, vector<512x640xf32>
    %le3A_436 = arith.cmpf ole, %select_n3A_431, %select_n3A_434 : vector<512x640xf32>
    %select_n3A_437 = arith.select %le3A_436, %select_n3A_431, %select_n3A_434 : vector<512x640xi1>, vector<512x640xf32>
    %select_n3A_438 = arith.select %le3A_436, %select_n3A_432, %select_n3A_435 : vector<512x640xi1>, vector<512x640xf32>
    %le3A_439 = arith.cmpf ole, %select_n3A_351, %select_n3A_402 : vector<512x640xf32>
    %select_n3A_440 = arith.select %le3A_439, %select_n3A_351, %select_n3A_402 : vector<512x640xi1>, vector<512x640xf32>
    %select_n3A_441 = arith.select %le3A_439, %select_n3A_352, %select_n3A_403 : vector<512x640xi1>, vector<512x640xf32>
    %select_n3A_442 = arith.select %le3A_439, %select_n3A_402, %select_n3A_351 : vector<512x640xi1>, vector<512x640xf32>
    %select_n3A_443 = arith.select %le3A_439, %select_n3A_403, %select_n3A_352 : vector<512x640xi1>, vector<512x640xf32>
    %le3A_444 = arith.cmpf ole, %select_n3A_353, %select_n3A_404 : vector<512x640xf32>
    %select_n3A_445 = arith.select %le3A_444, %select_n3A_353, %select_n3A_404 : vector<512x640xi1>, vector<512x640xf32>
    %select_n3A_446 = arith.select %le3A_444, %select_n3A_354, %select_n3A_405 : vector<512x640xi1>, vector<512x640xf32>
    %le3A_447 = arith.cmpf ole, %select_n3A_442, %select_n3A_445 : vector<512x640xf32>
    %select_n3A_448 = arith.select %le3A_447, %select_n3A_442, %select_n3A_445 : vector<512x640xi1>, vector<512x640xf32>
    %select_n3A_449 = arith.select %le3A_447, %select_n3A_443, %select_n3A_446 : vector<512x640xi1>, vector<512x640xf32>
    %le3A_450 = arith.cmpf ole, %select_n3A_407, %select_n3A_418 : vector<512x640xf32>
    %select_n3A_451 = arith.select %le3A_450, %select_n3A_407, %select_n3A_418 : vector<512x640xi1>, vector<512x640xf32>
    %select_n3A_452 = arith.select %le3A_450, %select_n3A_408, %select_n3A_419 : vector<512x640xi1>, vector<512x640xf32>
    %select_n3A_453 = arith.select %le3A_450, %select_n3A_418, %select_n3A_407 : vector<512x640xi1>, vector<512x640xf32>
    %select_n3A_454 = arith.select %le3A_450, %select_n3A_419, %select_n3A_408 : vector<512x640xi1>, vector<512x640xf32>
    %le3A_455 = arith.cmpf ole, %select_n3A_415, %select_n3A_426 : vector<512x640xf32>
    %select_n3A_456 = arith.select %le3A_455, %select_n3A_415, %select_n3A_426 : vector<512x640xi1>, vector<512x640xf32>
    %select_n3A_457 = arith.select %le3A_455, %select_n3A_416, %select_n3A_427 : vector<512x640xi1>, vector<512x640xf32>
    %le3A_458 = arith.cmpf ole, %select_n3A_453, %select_n3A_456 : vector<512x640xf32>
    %select_n3A_459 = arith.select %le3A_458, %select_n3A_453, %select_n3A_456 : vector<512x640xi1>, vector<512x640xf32>
    %select_n3A_460 = arith.select %le3A_458, %select_n3A_454, %select_n3A_457 : vector<512x640xi1>, vector<512x640xf32>
    %le3A_461 = arith.cmpf ole, %select_n3A_429, %select_n3A_440 : vector<512x640xf32>
    %select_n3A_462 = arith.select %le3A_461, %select_n3A_429, %select_n3A_440 : vector<512x640xi1>, vector<512x640xf32>
    %select_n3A_463 = arith.select %le3A_461, %select_n3A_430, %select_n3A_441 : vector<512x640xi1>, vector<512x640xf32>
    %select_n3A_464 = arith.select %le3A_461, %select_n3A_440, %select_n3A_429 : vector<512x640xi1>, vector<512x640xf32>
    %select_n3A_465 = arith.select %le3A_461, %select_n3A_441, %select_n3A_430 : vector<512x640xi1>, vector<512x640xf32>
    %le3A_466 = arith.cmpf ole, %select_n3A_437, %select_n3A_448 : vector<512x640xf32>
    %select_n3A_467 = arith.select %le3A_466, %select_n3A_437, %select_n3A_448 : vector<512x640xi1>, vector<512x640xf32>
    %select_n3A_468 = arith.select %le3A_466, %select_n3A_438, %select_n3A_449 : vector<512x640xi1>, vector<512x640xf32>
    %le3A_469 = arith.cmpf ole, %select_n3A_464, %select_n3A_467 : vector<512x640xf32>
    %select_n3A_470 = arith.select %le3A_469, %select_n3A_464, %select_n3A_467 : vector<512x640xi1>, vector<512x640xf32>
    %select_n3A_471 = arith.select %le3A_469, %select_n3A_465, %select_n3A_468 : vector<512x640xi1>, vector<512x640xf32>
    %le3A_472 = arith.cmpf ole, %select_n3A_451, %select_n3A_462 : vector<512x640xf32>
    %select_n3A_473 = arith.select %le3A_472, %select_n3A_451, %select_n3A_462 : vector<512x640xi1>, vector<512x640xf32>
    %select_n3A_474 = arith.select %le3A_472, %select_n3A_452, %select_n3A_463 : vector<512x640xi1>, vector<512x640xf32>
    %select_n3A_475 = arith.select %le3A_472, %select_n3A_462, %select_n3A_451 : vector<512x640xi1>, vector<512x640xf32>
    %select_n3A_476 = arith.select %le3A_472, %select_n3A_463, %select_n3A_452 : vector<512x640xi1>, vector<512x640xf32>
    %le3A_477 = arith.cmpf ole, %select_n3A_459, %select_n3A_470 : vector<512x640xf32>
    %select_n3A_478 = arith.select %le3A_477, %select_n3A_459, %select_n3A_470 : vector<512x640xi1>, vector<512x640xf32>
    %select_n3A_479 = arith.select %le3A_477, %select_n3A_460, %select_n3A_471 : vector<512x640xi1>, vector<512x640xf32>
    %le3A_480 = arith.cmpf ole, %select_n3A_475, %select_n3A_478 : vector<512x640xf32>
    %select_n3A_481 = arith.select %le3A_480, %select_n3A_475, %select_n3A_478 : vector<512x640xi1>, vector<512x640xf32>
    %select_n3A_482 = arith.select %le3A_480, %select_n3A_476, %select_n3A_479 : vector<512x640xi1>, vector<512x640xf32>
    %iota3A = tpu.iota {dimensions = array<i32: 1>} : vector<512x640xi32>
    %convert_element_type3A = arith.sitofp %iota3A : vector<512x640xi32> to vector<512x640xf32>
    %concatenate3A = tpu.concatenate %select_n3A_473, %select_n3A_481 in 1 : vector<512x640xf32>, vector<512x640xf32> -> vector<512x1280xf32>
    %add3A_483 = arith.addf %select_n3A_474, %convert_element_type3A : vector<512x640xf32>
    %add3A_484 = arith.addf %select_n3A_482, %convert_element_type3A : vector<512x640xf32>
    %concatenate3A_485 = tpu.concatenate %add3A_483, %add3A_484 in 1 : vector<512x640xf32>, vector<512x640xf32> -> vector<512x1280xf32>
    %mul3A = arith.constant 512 : i32
    %mul3A_486 = arith.muli %arg0, %mul3A : i32
    %iota3A_487 = tpu.iota {dimensions = array<i32: 0>} : vector<512x1xi32>
    %add3A_488 = vector.broadcast %mul3A_486 : i32 to vector<512x1xi32>
    %add3A_489 = arith.addi %add3A_488, %iota3A_487 : vector<512x1xi32>
    %convert_element_type3A_490 = arith.sitofp %add3A_489 : vector<512x1xi32> to vector<512x1xf32>
    %eq3A = vector.broadcast %convert_element_type3A_490 : vector<512x1xf32> to vector<512x1280xf32>
    %eq3A_491 = arith.cmpf oeq, %concatenate3A_485, %eq3A : vector<512x1280xf32>
    %jit3A = arith.constant 0x7F800000 : f32
    %broadcast_in_dim3A_492 = vector.broadcast %jit3A : f32 to vector<512x1280xf32>
    %select_n3A_493 = arith.select %eq3A_491, %broadcast_in_dim3A_492, %concatenate3A : vector<512x1280xi1>, vector<512x1280xf32>
    %reduce_min3A = arith.constant dense<0x7F800000> : vector<512xf32>
    %reduce_min3A_494 = vector.multi_reduction <minimumf>, %select_n3A_493, %reduce_min3A [1] : vector<512x1280xf32> to vector<512xf32>
    %broadcast_in_dim3A_495 = vector.shape_cast %reduce_min3A_494 : vector<512xf32> to vector<512x1xf32>
    %eq3A_496 = vector.broadcast %broadcast_in_dim3A_495 : vector<512x1xf32> to vector<512x1280xf32>
    %eq3A_497 = arith.cmpf oeq, %select_n3A_493, %eq3A_496 : vector<512x1280xf32>
    %jit3A_498 = arith.constant 3.000000e+38 : f32
    %broadcast_in_dim3A_499 = vector.broadcast %jit3A_498 : f32 to vector<512x1280xf32>
    %select_n3A_500 = arith.select %eq3A_497, %concatenate3A_485, %broadcast_in_dim3A_499 : vector<512x1280xi1>, vector<512x1280xf32>
    %reduce_min3A_501 = arith.constant dense<0x7F800000> : vector<512xf32>
    %reduce_min3A_502 = vector.multi_reduction <minimumf>, %select_n3A_500, %reduce_min3A_501 [1] : vector<512x1280xf32> to vector<512xf32>
    %broadcast_in_dim3A_503 = vector.shape_cast %reduce_min3A_502 : vector<512xf32> to vector<512x1xf32>
    %eq3A_504 = vector.broadcast %broadcast_in_dim3A_503 : vector<512x1xf32> to vector<512x1280xf32>
    %eq3A_505 = arith.cmpf oeq, %concatenate3A_485, %eq3A_504 : vector<512x1280xf32>
    %jit3A_506 = arith.constant 0x7F800000 : f32
    %broadcast_in_dim3A_507 = vector.broadcast %jit3A_506 : f32 to vector<512x1280xf32>
    %select_n3A_508 = arith.select %eq3A_505, %broadcast_in_dim3A_507, %select_n3A_493 : vector<512x1280xi1>, vector<512x1280xf32>
    %reduce_min3A_509 = arith.constant dense<0x7F800000> : vector<512xf32>
    %reduce_min3A_510 = vector.multi_reduction <minimumf>, %select_n3A_508, %reduce_min3A_509 [1] : vector<512x1280xf32> to vector<512xf32>
    %broadcast_in_dim3A_511 = vector.shape_cast %reduce_min3A_510 : vector<512xf32> to vector<512x1xf32>
    %eq3A_512 = vector.broadcast %broadcast_in_dim3A_511 : vector<512x1xf32> to vector<512x1280xf32>
    %eq3A_513 = arith.cmpf oeq, %select_n3A_508, %eq3A_512 : vector<512x1280xf32>
    %jit3A_514 = arith.constant 3.000000e+38 : f32
    %broadcast_in_dim3A_515 = vector.broadcast %jit3A_514 : f32 to vector<512x1280xf32>
    %select_n3A_516 = arith.select %eq3A_513, %concatenate3A_485, %broadcast_in_dim3A_515 : vector<512x1280xi1>, vector<512x1280xf32>
    %reduce_min3A_517 = arith.constant dense<0x7F800000> : vector<512xf32>
    %reduce_min3A_518 = vector.multi_reduction <minimumf>, %select_n3A_516, %reduce_min3A_517 [1] : vector<512x1280xf32> to vector<512xf32>
    %broadcast_in_dim3A_519 = vector.shape_cast %reduce_min3A_518 : vector<512xf32> to vector<512x1xf32>
    %eq3A_520 = vector.broadcast %broadcast_in_dim3A_519 : vector<512x1xf32> to vector<512x1280xf32>
    %eq3A_521 = arith.cmpf oeq, %concatenate3A_485, %eq3A_520 : vector<512x1280xf32>
    %jit3A_522 = arith.constant 0x7F800000 : f32
    %broadcast_in_dim3A_523 = vector.broadcast %jit3A_522 : f32 to vector<512x1280xf32>
    %select_n3A_524 = arith.select %eq3A_521, %broadcast_in_dim3A_523, %select_n3A_508 : vector<512x1280xi1>, vector<512x1280xf32>
    %reduce_min3A_525 = arith.constant dense<0x7F800000> : vector<512xf32>
    %reduce_min3A_526 = vector.multi_reduction <minimumf>, %select_n3A_524, %reduce_min3A_525 [1] : vector<512x1280xf32> to vector<512xf32>
    %broadcast_in_dim3A_527 = vector.shape_cast %reduce_min3A_526 : vector<512xf32> to vector<512x1xf32>
    %eq3A_528 = vector.broadcast %broadcast_in_dim3A_527 : vector<512x1xf32> to vector<512x1280xf32>
    %eq3A_529 = arith.cmpf oeq, %select_n3A_524, %eq3A_528 : vector<512x1280xf32>
    %jit3A_530 = arith.constant 3.000000e+38 : f32
    %broadcast_in_dim3A_531 = vector.broadcast %jit3A_530 : f32 to vector<512x1280xf32>
    %select_n3A_532 = arith.select %eq3A_529, %concatenate3A_485, %broadcast_in_dim3A_531 : vector<512x1280xi1>, vector<512x1280xf32>
    %reduce_min3A_533 = arith.constant dense<0x7F800000> : vector<512xf32>
    %reduce_min3A_534 = vector.multi_reduction <minimumf>, %select_n3A_532, %reduce_min3A_533 [1] : vector<512x1280xf32> to vector<512xf32>
    %broadcast_in_dim3A_535 = vector.shape_cast %reduce_min3A_534 : vector<512xf32> to vector<512x1xf32>
    %eq3A_536 = vector.broadcast %broadcast_in_dim3A_535 : vector<512x1xf32> to vector<512x1280xf32>
    %eq3A_537 = arith.cmpf oeq, %concatenate3A_485, %eq3A_536 : vector<512x1280xf32>
    %jit3A_538 = arith.constant 0x7F800000 : f32
    %broadcast_in_dim3A_539 = vector.broadcast %jit3A_538 : f32 to vector<512x1280xf32>
    %select_n3A_540 = arith.select %eq3A_537, %broadcast_in_dim3A_539, %select_n3A_524 : vector<512x1280xi1>, vector<512x1280xf32>
    %reduce_min3A_541 = arith.constant dense<0x7F800000> : vector<512xf32>
    %reduce_min3A_542 = vector.multi_reduction <minimumf>, %select_n3A_540, %reduce_min3A_541 [1] : vector<512x1280xf32> to vector<512xf32>
    %broadcast_in_dim3A_543 = vector.shape_cast %reduce_min3A_542 : vector<512xf32> to vector<512x1xf32>
    %eq3A_544 = vector.broadcast %broadcast_in_dim3A_543 : vector<512x1xf32> to vector<512x1280xf32>
    %eq3A_545 = arith.cmpf oeq, %select_n3A_540, %eq3A_544 : vector<512x1280xf32>
    %jit3A_546 = arith.constant 3.000000e+38 : f32
    %broadcast_in_dim3A_547 = vector.broadcast %jit3A_546 : f32 to vector<512x1280xf32>
    %select_n3A_548 = arith.select %eq3A_545, %concatenate3A_485, %broadcast_in_dim3A_547 : vector<512x1280xi1>, vector<512x1280xf32>
    %reduce_min3A_549 = arith.constant dense<0x7F800000> : vector<512xf32>
    %reduce_min3A_550 = vector.multi_reduction <minimumf>, %select_n3A_548, %reduce_min3A_549 [1] : vector<512x1280xf32> to vector<512xf32>
    %broadcast_in_dim3A_551 = vector.shape_cast %reduce_min3A_550 : vector<512xf32> to vector<512x1xf32>
    %eq3A_552 = vector.broadcast %broadcast_in_dim3A_551 : vector<512x1xf32> to vector<512x1280xf32>
    %eq3A_553 = arith.cmpf oeq, %concatenate3A_485, %eq3A_552 : vector<512x1280xf32>
    %jit3A_554 = arith.constant 0x7F800000 : f32
    %broadcast_in_dim3A_555 = vector.broadcast %jit3A_554 : f32 to vector<512x1280xf32>
    %select_n3A_556 = arith.select %eq3A_553, %broadcast_in_dim3A_555, %select_n3A_540 : vector<512x1280xi1>, vector<512x1280xf32>
    %reduce_min3A_557 = arith.constant dense<0x7F800000> : vector<512xf32>
    %reduce_min3A_558 = vector.multi_reduction <minimumf>, %select_n3A_556, %reduce_min3A_557 [1] : vector<512x1280xf32> to vector<512xf32>
    %broadcast_in_dim3A_559 = vector.shape_cast %reduce_min3A_558 : vector<512xf32> to vector<512x1xf32>
    %eq3A_560 = vector.broadcast %broadcast_in_dim3A_559 : vector<512x1xf32> to vector<512x1280xf32>
    %eq3A_561 = arith.cmpf oeq, %select_n3A_556, %eq3A_560 : vector<512x1280xf32>
    %jit3A_562 = arith.constant 3.000000e+38 : f32
    %broadcast_in_dim3A_563 = vector.broadcast %jit3A_562 : f32 to vector<512x1280xf32>
    %select_n3A_564 = arith.select %eq3A_561, %concatenate3A_485, %broadcast_in_dim3A_563 : vector<512x1280xi1>, vector<512x1280xf32>
    %reduce_min3A_565 = arith.constant dense<0x7F800000> : vector<512xf32>
    %reduce_min3A_566 = vector.multi_reduction <minimumf>, %select_n3A_564, %reduce_min3A_565 [1] : vector<512x1280xf32> to vector<512xf32>
    %broadcast_in_dim3A_567 = vector.shape_cast %reduce_min3A_566 : vector<512xf32> to vector<512x1xf32>
    %eq3A_568 = vector.broadcast %broadcast_in_dim3A_567 : vector<512x1xf32> to vector<512x1280xf32>
    %eq3A_569 = arith.cmpf oeq, %concatenate3A_485, %eq3A_568 : vector<512x1280xf32>
    %jit3A_570 = arith.constant 0x7F800000 : f32
    %broadcast_in_dim3A_571 = vector.broadcast %jit3A_570 : f32 to vector<512x1280xf32>
    %select_n3A_572 = arith.select %eq3A_569, %broadcast_in_dim3A_571, %select_n3A_556 : vector<512x1280xi1>, vector<512x1280xf32>
    %reduce_min3A_573 = arith.constant dense<0x7F800000> : vector<512xf32>
    %reduce_min3A_574 = vector.multi_reduction <minimumf>, %select_n3A_572, %reduce_min3A_573 [1] : vector<512x1280xf32> to vector<512xf32>
    %broadcast_in_dim3A_575 = vector.shape_cast %reduce_min3A_574 : vector<512xf32> to vector<512x1xf32>
    %eq3A_576 = vector.broadcast %broadcast_in_dim3A_575 : vector<512x1xf32> to vector<512x1280xf32>
    %eq3A_577 = arith.cmpf oeq, %select_n3A_572, %eq3A_576 : vector<512x1280xf32>
    %jit3A_578 = arith.constant 3.000000e+38 : f32
    %broadcast_in_dim3A_579 = vector.broadcast %jit3A_578 : f32 to vector<512x1280xf32>
    %select_n3A_580 = arith.select %eq3A_577, %concatenate3A_485, %broadcast_in_dim3A_579 : vector<512x1280xi1>, vector<512x1280xf32>
    %reduce_min3A_581 = arith.constant dense<0x7F800000> : vector<512xf32>
    %reduce_min3A_582 = vector.multi_reduction <minimumf>, %select_n3A_580, %reduce_min3A_581 [1] : vector<512x1280xf32> to vector<512xf32>
    %broadcast_in_dim3A_583 = vector.shape_cast %reduce_min3A_582 : vector<512xf32> to vector<512x1xf32>
    %eq3A_584 = vector.broadcast %broadcast_in_dim3A_583 : vector<512x1xf32> to vector<512x1280xf32>
    %eq3A_585 = arith.cmpf oeq, %concatenate3A_485, %eq3A_584 : vector<512x1280xf32>
    %jit3A_586 = arith.constant 0x7F800000 : f32
    %broadcast_in_dim3A_587 = vector.broadcast %jit3A_586 : f32 to vector<512x1280xf32>
    %select_n3A_588 = arith.select %eq3A_585, %broadcast_in_dim3A_587, %select_n3A_572 : vector<512x1280xi1>, vector<512x1280xf32>
    %reduce_min3A_589 = arith.constant dense<0x7F800000> : vector<512xf32>
    %reduce_min3A_590 = vector.multi_reduction <minimumf>, %select_n3A_588, %reduce_min3A_589 [1] : vector<512x1280xf32> to vector<512xf32>
    %broadcast_in_dim3A_591 = vector.shape_cast %reduce_min3A_590 : vector<512xf32> to vector<512x1xf32>
    %eq3A_592 = vector.broadcast %broadcast_in_dim3A_591 : vector<512x1xf32> to vector<512x1280xf32>
    %eq3A_593 = arith.cmpf oeq, %select_n3A_588, %eq3A_592 : vector<512x1280xf32>
    %jit3A_594 = arith.constant 3.000000e+38 : f32
    %broadcast_in_dim3A_595 = vector.broadcast %jit3A_594 : f32 to vector<512x1280xf32>
    %select_n3A_596 = arith.select %eq3A_593, %concatenate3A_485, %broadcast_in_dim3A_595 : vector<512x1280xi1>, vector<512x1280xf32>
    %reduce_min3A_597 = arith.constant dense<0x7F800000> : vector<512xf32>
    %reduce_min3A_598 = vector.multi_reduction <minimumf>, %select_n3A_596, %reduce_min3A_597 [1] : vector<512x1280xf32> to vector<512xf32>
    %broadcast_in_dim3A_599 = vector.shape_cast %reduce_min3A_598 : vector<512xf32> to vector<512x1xf32>
    %eq3A_600 = vector.broadcast %broadcast_in_dim3A_599 : vector<512x1xf32> to vector<512x1280xf32>
    %eq3A_601 = arith.cmpf oeq, %concatenate3A_485, %eq3A_600 : vector<512x1280xf32>
    %jit3A_602 = arith.constant 0x7F800000 : f32
    %broadcast_in_dim3A_603 = vector.broadcast %jit3A_602 : f32 to vector<512x1280xf32>
    %select_n3A_604 = arith.select %eq3A_601, %broadcast_in_dim3A_603, %select_n3A_588 : vector<512x1280xi1>, vector<512x1280xf32>
    %reduce_min3A_605 = arith.constant dense<0x7F800000> : vector<512xf32>
    %reduce_min3A_606 = vector.multi_reduction <minimumf>, %select_n3A_604, %reduce_min3A_605 [1] : vector<512x1280xf32> to vector<512xf32>
    %broadcast_in_dim3A_607 = vector.shape_cast %reduce_min3A_606 : vector<512xf32> to vector<512x1xf32>
    %eq3A_608 = vector.broadcast %broadcast_in_dim3A_607 : vector<512x1xf32> to vector<512x1280xf32>
    %eq3A_609 = arith.cmpf oeq, %select_n3A_604, %eq3A_608 : vector<512x1280xf32>
    %jit3A_610 = arith.constant 3.000000e+38 : f32
    %broadcast_in_dim3A_611 = vector.broadcast %jit3A_610 : f32 to vector<512x1280xf32>
    %select_n3A_612 = arith.select %eq3A_609, %concatenate3A_485, %broadcast_in_dim3A_611 : vector<512x1280xi1>, vector<512x1280xf32>
    %reduce_min3A_613 = arith.constant dense<0x7F800000> : vector<512xf32>
    %reduce_min3A_614 = vector.multi_reduction <minimumf>, %select_n3A_612, %reduce_min3A_613 [1] : vector<512x1280xf32> to vector<512xf32>
    %broadcast_in_dim3A_615 = vector.shape_cast %reduce_min3A_614 : vector<512xf32> to vector<512x1xf32>
    %concatenate3A_616 = tpu.concatenate %broadcast_in_dim3A_503, %broadcast_in_dim3A_519, %broadcast_in_dim3A_535, %broadcast_in_dim3A_551, %broadcast_in_dim3A_567, %broadcast_in_dim3A_583, %broadcast_in_dim3A_599, %broadcast_in_dim3A_615 in 1 : vector<512x1xf32>, vector<512x1xf32>, vector<512x1xf32>, vector<512x1xf32>, vector<512x1xf32>, vector<512x1xf32>, vector<512x1xf32>, vector<512x1xf32> -> vector<512x8xf32>
    %convert_element_type3A_617 = arith.fptosi %concatenate3A_616 : vector<512x8xf32> to vector<512x8xi32>
    %swap3A = arith.constant 0 : index
    %swap3A_618 = arith.constant 0 : index
    %swap3A_619 = vector.load %arg5[%swap3A, %swap3A_618] : memref<512x8xi32, #tpu.memory_space<vmem>>, vector<512x8xi32>
    tpu.vector_store %arg5[%swap3A, %swap3A_618], %convert_element_type3A_617 {strides = array<i32>} : memref<512x8xi32, #tpu.memory_space<vmem>>, vector<512x8xi32>,
    %get3A_620 = arith.constant 0 : index
    %get3A_621 = arith.constant 0 : index
    %get3A_622 = vector.load %arg3[%get3A_620, %get3A_621] : memref<3x32xf32, #tpu.memory_space<vmem>>, vector<3x32xf32>
    %dot_general3A = arith.constant dense<0.000000e+00> : vector<512x32xf32>
    %dot_general3A_623 = tpu.matmul %get3A_1, %get3A_622, %dot_general3A {dimension_numbers = #tpu.dot_dimension_numbers<[1], [0], [0], [1], [0, 0, 1, 1], [], []>, transpose_lhs_hint = false} : vector<512x3xf32>, vector<3x32xf32>, vector<512x32xf32> -> vector<512x32xf32>
    %get3A_624 = arith.constant 0 : index
    %get3A_625 = arith.constant 0 : index
    %get3A_626 = vector.load %arg4[%get3A_624, %get3A_625] : memref<1x32xf32, #tpu.memory_space<vmem>>, vector<1x32xf32>
    %add3A_627 = vector.broadcast %get3A_626 : vector<1x32xf32> to vector<512x32xf32>
    %add3A_628 = arith.addf %dot_general3A_623, %add3A_627 : vector<512x32xf32>
    %swap3A_629 = arith.constant 0 : index
    %swap3A_630 = arith.constant 0 : index
    %swap3A_631 = vector.load %arg6[%swap3A_629, %swap3A_630] : memref<512x32xf32, #tpu.memory_space<vmem>>, vector<512x32xf32>
    tpu.vector_store %arg6[%swap3A_629, %swap3A_630], %add3A_628 {strides = array<i32>} : memref<512x32xf32, #tpu.memory_space<vmem>>, vector<512x32xf32>,
    return
  }
  func.func @transform_0(%arg0: i32) -> (i32, i32) {
    %c0_i32 = arith.constant 0 : i32
    %c0_i32_0 = arith.constant 0 : i32
    return %arg0, %c0_i32 : i32, i32
  }
  func.func @transform_1(%arg0: i32) -> (i32, i32) {
    %c0_i32 = arith.constant 0 : i32
    %c0_i32_0 = arith.constant 0 : i32
    %c0_i32_1 = arith.constant 0 : i32
    return %c0_i32, %c0_i32_0 : i32, i32
  }
  func.func @transform_2(%arg0: i32) -> (i32, i32) {
    %c0_i32 = arith.constant 0 : i32
    %c0_i32_0 = arith.constant 0 : i32
    %c0_i32_1 = arith.constant 0 : i32
    return %c0_i32, %c0_i32_0 : i32, i32
  }
  func.func @transform_3(%arg0: i32) -> (i32, i32) {
    %c0_i32 = arith.constant 0 : i32
    %c0_i32_0 = arith.constant 0 : i32
    %c0_i32_1 = arith.constant 0 : i32
    return %c0_i32, %c0_i32_0 : i32, i32
  }
  func.func @transform_4(%arg0: i32) -> (i32, i32) {
    %c0_i32 = arith.constant 0 : i32
    %c0_i32_0 = arith.constant 0 : i32
    return %arg0, %c0_i32 : i32, i32
  }
  func.func @transform_5(%arg0: i32) -> (i32, i32) {
    %c0_i32 = arith.constant 0 : i32
    %c0_i32_0 = arith.constant 0 : i32
    return %arg0, %c0_i32 : i32, i32
  }
}

module attributes {stable_mosaic.version = 14 : i64} {
  func.func @_conv1_body(%arg0: i32, %arg1: memref<4096x32xf32, #tpu.memory_space<vmem>>, %arg2: memref<512x3xf32, #tpu.memory_space<vmem>>, %arg3: memref<3x32xf32, #tpu.memory_space<vmem>>, %arg4: memref<3x32xf32, #tpu.memory_space<vmem>>, %arg5: memref<1x32xf32, #tpu.memory_space<vmem>>, %arg6: memref<32x64xf32, #tpu.memory_space<vmem>>, %arg7: memref<1x64xf32, #tpu.memory_space<vmem>>, %arg8: memref<64x64xf32, #tpu.memory_space<vmem>>, %arg9: memref<3x64xf32, #tpu.memory_space<vmem>>, %arg10: memref<1x64xf32, #tpu.memory_space<vmem>>, %arg11: memref<512x64xf32, #tpu.memory_space<vmem>>, %arg12: memref<512x64xf32, #tpu.memory_space<vmem>>) attributes {dimension_semantics = [#tpu.dimension_semantics<arbitrary>], iteration_bounds = array<i64: 20>, scalar_prefetch = 0 : i64, scratch_operands = 0 : i64, tpu.core_type = #tpu.core_type<tc>, window_params = [{transform_indices = @transform_0, window_bounds = array<i64: 4096, 32>}, {transform_indices = @transform_1, window_bounds = array<i64: 512, 3>}, {pipeline_mode = #tpu.pipeline_mode<synchronous>, transform_indices = @transform_2, window_bounds = array<i64: 3, 32>}, {pipeline_mode = #tpu.pipeline_mode<synchronous>, transform_indices = @transform_3, window_bounds = array<i64: 3, 32>}, {pipeline_mode = #tpu.pipeline_mode<synchronous>, transform_indices = @transform_4, window_bounds = array<i64: 1, 32>}, {pipeline_mode = #tpu.pipeline_mode<synchronous>, transform_indices = @transform_5, window_bounds = array<i64: 32, 64>}, {pipeline_mode = #tpu.pipeline_mode<synchronous>, transform_indices = @transform_6, window_bounds = array<i64: 1, 64>}, {pipeline_mode = #tpu.pipeline_mode<synchronous>, transform_indices = @transform_7, window_bounds = array<i64: 64, 64>}, {pipeline_mode = #tpu.pipeline_mode<synchronous>, transform_indices = @transform_8, window_bounds = array<i64: 3, 64>}, {pipeline_mode = #tpu.pipeline_mode<synchronous>, transform_indices = @transform_9, window_bounds = array<i64: 1, 64>}, {transform_indices = @transform_10, window_bounds = array<i64: 512, 64>}, {transform_indices = @transform_11, window_bounds = array<i64: 512, 64>}]} {
    %get3A = arith.constant 0 : index
    %get3A_0 = arith.constant 0 : index
    %get3A_1 = vector.load %arg2[%get3A, %get3A_0] : memref<512x3xf32, #tpu.memory_space<vmem>>, vector<512x3xf32>
    %get3A_2 = arith.constant 0 : index
    %get3A_3 = arith.constant 0 : index
    %get3A_4 = vector.load %arg3[%get3A_2, %get3A_3] : memref<3x32xf32, #tpu.memory_space<vmem>>, vector<3x32xf32>
    %dot_general3A = arith.constant dense<0.000000e+00> : vector<512x32xf32>
    %dot_general3A_5 = tpu.matmul %get3A_1, %get3A_4, %dot_general3A {dimension_numbers = #tpu.dot_dimension_numbers<[1], [0], [0], [1], [0, 0, 1, 1], [], []>, transpose_lhs_hint = false} : vector<512x3xf32>, vector<3x32xf32>, vector<512x32xf32> -> vector<512x32xf32>
    %get3A_6 = arith.constant 0 : index
    %get3A_7 = arith.constant 0 : index
    %get3A_8 = vector.load %arg1[%get3A_6, %get3A_7] : memref<4096x32xf32, #tpu.memory_space<vmem>>, vector<4096x32xf32>
    %reshape3A = vector.shape_cast %get3A_8 : vector<4096x32xf32> to vector<512x8x32xf32>
    %broadcast_in_dim3A = vector.shape_cast %dot_general3A_5 : vector<512x32xf32> to vector<512x1x32xf32>
    %sub3A = vector.broadcast %broadcast_in_dim3A : vector<512x1x32xf32> to vector<512x8x32xf32>
    %sub3A_9 = arith.subf %reshape3A, %sub3A : vector<512x8x32xf32>
    %max3A = arith.constant 0.000000e+00 : f32
    %max3A_10 = vector.broadcast %max3A : f32 to vector<512x8x32xf32>
    %max3A_11 = arith.maximumf %sub3A_9, %max3A_10 : vector<512x8x32xf32>
    %reshape3A_12 = vector.shape_cast %max3A_11 : vector<512x8x32xf32> to vector<4096x32xf32>
    %get3A_13 = arith.constant 0 : index
    %get3A_14 = arith.constant 0 : index
    %get3A_15 = vector.load %arg6[%get3A_13, %get3A_14] : memref<32x64xf32, #tpu.memory_space<vmem>>, vector<32x64xf32>
    %dot_general3A_16 = arith.constant dense<0.000000e+00> : vector<4096x64xf32>
    %dot_general3A_17 = tpu.matmul %reshape3A_12, %get3A_15, %dot_general3A_16 {dimension_numbers = #tpu.dot_dimension_numbers<[1], [0], [0], [1], [0, 0, 1, 1], [], []>, transpose_lhs_hint = false} : vector<4096x32xf32>, vector<32x64xf32>, vector<4096x64xf32> -> vector<4096x64xf32>
    %get3A_18 = arith.constant 0 : index
    %get3A_19 = arith.constant 0 : index
    %get3A_20 = vector.load %arg7[%get3A_18, %get3A_19] : memref<1x64xf32, #tpu.memory_space<vmem>>, vector<1x64xf32>
    %add3A = vector.broadcast %get3A_20 : vector<1x64xf32> to vector<4096x64xf32>
    %add3A_21 = arith.addf %dot_general3A_17, %add3A : vector<4096x64xf32>
    %reshape3A_22 = vector.shape_cast %add3A_21 : vector<4096x64xf32> to vector<512x8x64xf32>
    %reduce_max3A = arith.constant dense<0xFF800000> : vector<512x64xf32>
    %reduce_max3A_23 = vector.multi_reduction <maximumf>, %reshape3A_22, %reduce_max3A [1] : vector<512x8x64xf32> to vector<512x64xf32>
    %get3A_24 = arith.constant 0 : index
    %get3A_25 = arith.constant 0 : index
    %get3A_26 = vector.load %arg4[%get3A_24, %get3A_25] : memref<3x32xf32, #tpu.memory_space<vmem>>, vector<3x32xf32>
    %dot_general3A_27 = arith.constant dense<0.000000e+00> : vector<512x32xf32>
    %dot_general3A_28 = tpu.matmul %get3A_1, %get3A_26, %dot_general3A_27 {dimension_numbers = #tpu.dot_dimension_numbers<[1], [0], [0], [1], [0, 0, 1, 1], [], []>, transpose_lhs_hint = false} : vector<512x3xf32>, vector<3x32xf32>, vector<512x32xf32> -> vector<512x32xf32>
    %get3A_29 = arith.constant 0 : index
    %get3A_30 = arith.constant 0 : index
    %get3A_31 = vector.load %arg5[%get3A_29, %get3A_30] : memref<1x32xf32, #tpu.memory_space<vmem>>, vector<1x32xf32>
    %add3A_32 = vector.broadcast %get3A_31 : vector<1x32xf32> to vector<512x32xf32>
    %add3A_33 = arith.addf %dot_general3A_28, %add3A_32 : vector<512x32xf32>
    %max3A_34 = arith.constant 0.000000e+00 : f32
    %max3A_35 = vector.broadcast %max3A_34 : f32 to vector<512x32xf32>
    %max3A_36 = arith.maximumf %add3A_33, %max3A_35 : vector<512x32xf32>
    %get3A_37 = arith.constant 0 : index
    %get3A_38 = arith.constant 0 : index
    %get3A_39 = vector.load %arg6[%get3A_37, %get3A_38] : memref<32x64xf32, #tpu.memory_space<vmem>>, vector<32x64xf32>
    %dot_general3A_40 = arith.constant dense<0.000000e+00> : vector<512x64xf32>
    %dot_general3A_41 = tpu.matmul %max3A_36, %get3A_39, %dot_general3A_40 {dimension_numbers = #tpu.dot_dimension_numbers<[1], [0], [0], [1], [0, 0, 1, 1], [], []>, transpose_lhs_hint = false} : vector<512x32xf32>, vector<32x64xf32>, vector<512x64xf32> -> vector<512x64xf32>
    %get3A_42 = arith.constant 0 : index
    %get3A_43 = arith.constant 0 : index
    %get3A_44 = vector.load %arg7[%get3A_42, %get3A_43] : memref<1x64xf32, #tpu.memory_space<vmem>>, vector<1x64xf32>
    %add3A_45 = vector.broadcast %get3A_44 : vector<1x64xf32> to vector<512x64xf32>
    %add3A_46 = arith.addf %dot_general3A_41, %add3A_45 : vector<512x64xf32>
    %max3A_47 = arith.maximumf %reduce_max3A_23, %add3A_46 : vector<512x64xf32>
    %max3A_48 = arith.constant 0.000000e+00 : f32
    %max3A_49 = vector.broadcast %max3A_48 : f32 to vector<512x64xf32>
    %max3A_50 = arith.maximumf %max3A_47, %max3A_49 : vector<512x64xf32>
    %swap3A = arith.constant 0 : index
    %swap3A_51 = arith.constant 0 : index
    %swap3A_52 = vector.load %arg11[%swap3A, %swap3A_51] : memref<512x64xf32, #tpu.memory_space<vmem>>, vector<512x64xf32>
    tpu.vector_store %arg11[%swap3A, %swap3A_51], %max3A_50 {strides = array<i32>} : memref<512x64xf32, #tpu.memory_space<vmem>>, vector<512x64xf32>,
    %get3A_53 = arith.constant 0 : index
    %get3A_54 = arith.constant 0 : index
    %get3A_55 = vector.load %arg8[%get3A_53, %get3A_54] : memref<64x64xf32, #tpu.memory_space<vmem>>, vector<64x64xf32>
    %dot_general3A_56 = arith.constant dense<0.000000e+00> : vector<512x64xf32>
    %dot_general3A_57 = tpu.matmul %max3A_50, %get3A_55, %dot_general3A_56 {dimension_numbers = #tpu.dot_dimension_numbers<[1], [0], [0], [1], [0, 0, 1, 1], [], []>, transpose_lhs_hint = false} : vector<512x64xf32>, vector<64x64xf32>, vector<512x64xf32> -> vector<512x64xf32>
    %get3A_58 = arith.constant 0 : index
    %get3A_59 = arith.constant 0 : index
    %get3A_60 = vector.load %arg9[%get3A_58, %get3A_59] : memref<3x64xf32, #tpu.memory_space<vmem>>, vector<3x64xf32>
    %dot_general3A_61 = arith.constant dense<0.000000e+00> : vector<512x64xf32>
    %dot_general3A_62 = tpu.matmul %get3A_1, %get3A_60, %dot_general3A_61 {dimension_numbers = #tpu.dot_dimension_numbers<[1], [0], [0], [1], [0, 0, 1, 1], [], []>, transpose_lhs_hint = false} : vector<512x3xf32>, vector<3x64xf32>, vector<512x64xf32> -> vector<512x64xf32>
    %add3A_63 = arith.addf %dot_general3A_57, %dot_general3A_62 : vector<512x64xf32>
    %get3A_64 = arith.constant 0 : index
    %get3A_65 = arith.constant 0 : index
    %get3A_66 = vector.load %arg10[%get3A_64, %get3A_65] : memref<1x64xf32, #tpu.memory_space<vmem>>, vector<1x64xf32>
    %add3A_67 = vector.broadcast %get3A_66 : vector<1x64xf32> to vector<512x64xf32>
    %add3A_68 = arith.addf %add3A_63, %add3A_67 : vector<512x64xf32>
    %swap3A_69 = arith.constant 0 : index
    %swap3A_70 = arith.constant 0 : index
    %swap3A_71 = vector.load %arg12[%swap3A_69, %swap3A_70] : memref<512x64xf32, #tpu.memory_space<vmem>>, vector<512x64xf32>
    tpu.vector_store %arg12[%swap3A_69, %swap3A_70], %add3A_68 {strides = array<i32>} : memref<512x64xf32, #tpu.memory_space<vmem>>, vector<512x64xf32>,
    return
  }
  func.func @transform_0(%arg0: i32) -> (i32, i32) {
    %c0_i32 = arith.constant 0 : i32
    %c0_i32_0 = arith.constant 0 : i32
    return %arg0, %c0_i32 : i32, i32
  }
  func.func @transform_1(%arg0: i32) -> (i32, i32) {
    %c0_i32 = arith.constant 0 : i32
    %c0_i32_0 = arith.constant 0 : i32
    return %arg0, %c0_i32 : i32, i32
  }
  func.func @transform_2(%arg0: i32) -> (i32, i32) {
    %c0_i32 = arith.constant 0 : i32
    %c0_i32_0 = arith.constant 0 : i32
    %c0_i32_1 = arith.constant 0 : i32
    return %c0_i32, %c0_i32_0 : i32, i32
  }
  func.func @transform_3(%arg0: i32) -> (i32, i32) {
    %c0_i32 = arith.constant 0 : i32
    %c0_i32_0 = arith.constant 0 : i32
    %c0_i32_1 = arith.constant 0 : i32
    return %c0_i32, %c0_i32_0 : i32, i32
  }
  func.func @transform_4(%arg0: i32) -> (i32, i32) {
    %c0_i32 = arith.constant 0 : i32
    %c0_i32_0 = arith.constant 0 : i32
    %c0_i32_1 = arith.constant 0 : i32
    return %c0_i32, %c0_i32_0 : i32, i32
  }
  func.func @transform_5(%arg0: i32) -> (i32, i32) {
    %c0_i32 = arith.constant 0 : i32
    %c0_i32_0 = arith.constant 0 : i32
    %c0_i32_1 = arith.constant 0 : i32
    return %c0_i32, %c0_i32_0 : i32, i32
  }
  func.func @transform_6(%arg0: i32) -> (i32, i32) {
    %c0_i32 = arith.constant 0 : i32
    %c0_i32_0 = arith.constant 0 : i32
    %c0_i32_1 = arith.constant 0 : i32
    return %c0_i32, %c0_i32_0 : i32, i32
  }
  func.func @transform_7(%arg0: i32) -> (i32, i32) {
    %c0_i32 = arith.constant 0 : i32
    %c0_i32_0 = arith.constant 0 : i32
    %c0_i32_1 = arith.constant 0 : i32
    return %c0_i32, %c0_i32_0 : i32, i32
  }
  func.func @transform_8(%arg0: i32) -> (i32, i32) {
    %c0_i32 = arith.constant 0 : i32
    %c0_i32_0 = arith.constant 0 : i32
    %c0_i32_1 = arith.constant 0 : i32
    return %c0_i32, %c0_i32_0 : i32, i32
  }
  func.func @transform_9(%arg0: i32) -> (i32, i32) {
    %c0_i32 = arith.constant 0 : i32
    %c0_i32_0 = arith.constant 0 : i32
    %c0_i32_1 = arith.constant 0 : i32
    return %c0_i32, %c0_i32_0 : i32, i32
  }
  func.func @transform_10(%arg0: i32) -> (i32, i32) {
    %c0_i32 = arith.constant 0 : i32
    %c0_i32_0 = arith.constant 0 : i32
    return %arg0, %c0_i32 : i32, i32
  }
  func.func @transform_11(%arg0: i32) -> (i32, i32) {
    %c0_i32 = arith.constant 0 : i32
    %c0_i32_0 = arith.constant 0 : i32
    return %arg0, %c0_i32 : i32, i32
  }
}

module attributes {stable_mosaic.version = 14 : i64} {
  func.func @_conv2_body(%arg0: i32, %arg1: memref<4096x64xf32, #tpu.memory_space<vmem>>, %arg2: memref<512x64xf32, #tpu.memory_space<vmem>>, %arg3: memref<512x3xf32, #tpu.memory_space<vmem>>, %arg4: memref<3x64xf32, #tpu.memory_space<vmem>>, %arg5: memref<64x64xf32, #tpu.memory_space<vmem>>, %arg6: memref<1x64xf32, #tpu.memory_space<vmem>>, %arg7: memref<64x128xf32, #tpu.memory_space<vmem>>, %arg8: memref<1x128xf32, #tpu.memory_space<vmem>>, %arg9: memref<128x5xf32, #tpu.memory_space<vmem>>, %arg10: memref<1x5xf32, #tpu.memory_space<vmem>>, %arg11: memref<512x5xf32, #tpu.memory_space<vmem>>) attributes {dimension_semantics = [#tpu.dimension_semantics<arbitrary>], iteration_bounds = array<i64: 20>, scalar_prefetch = 0 : i64, scratch_operands = 0 : i64, tpu.core_type = #tpu.core_type<tc>, window_params = [{transform_indices = @transform_0, window_bounds = array<i64: 4096, 64>}, {transform_indices = @transform_1, window_bounds = array<i64: 512, 64>}, {transform_indices = @transform_2, window_bounds = array<i64: 512, 3>}, {pipeline_mode = #tpu.pipeline_mode<synchronous>, transform_indices = @transform_3, window_bounds = array<i64: 3, 64>}, {pipeline_mode = #tpu.pipeline_mode<synchronous>, transform_indices = @transform_4, window_bounds = array<i64: 64, 64>}, {pipeline_mode = #tpu.pipeline_mode<synchronous>, transform_indices = @transform_5, window_bounds = array<i64: 1, 64>}, {pipeline_mode = #tpu.pipeline_mode<synchronous>, transform_indices = @transform_6, window_bounds = array<i64: 64, 128>}, {pipeline_mode = #tpu.pipeline_mode<synchronous>, transform_indices = @transform_7, window_bounds = array<i64: 1, 128>}, {pipeline_mode = #tpu.pipeline_mode<synchronous>, transform_indices = @transform_8, window_bounds = array<i64: 128, 5>}, {pipeline_mode = #tpu.pipeline_mode<synchronous>, transform_indices = @transform_9, window_bounds = array<i64: 1, 5>}, {transform_indices = @transform_10, window_bounds = array<i64: 512, 5>}]} {
    %get3A = arith.constant 0 : index
    %get3A_0 = arith.constant 0 : index
    %get3A_1 = vector.load %arg3[%get3A, %get3A_0] : memref<512x3xf32, #tpu.memory_space<vmem>>, vector<512x3xf32>
    %get3A_2 = arith.constant 0 : index
    %get3A_3 = arith.constant 0 : index
    %get3A_4 = vector.load %arg4[%get3A_2, %get3A_3] : memref<3x64xf32, #tpu.memory_space<vmem>>, vector<3x64xf32>
    %dot_general3A = arith.constant dense<0.000000e+00> : vector<512x64xf32>
    %dot_general3A_5 = tpu.matmul %get3A_1, %get3A_4, %dot_general3A {dimension_numbers = #tpu.dot_dimension_numbers<[1], [0], [0], [1], [0, 0, 1, 1], [], []>, transpose_lhs_hint = false} : vector<512x3xf32>, vector<3x64xf32>, vector<512x64xf32> -> vector<512x64xf32>
    %get3A_6 = arith.constant 0 : index
    %get3A_7 = arith.constant 0 : index
    %get3A_8 = vector.load %arg1[%get3A_6, %get3A_7] : memref<4096x64xf32, #tpu.memory_space<vmem>>, vector<4096x64xf32>
    %reshape3A = vector.shape_cast %get3A_8 : vector<4096x64xf32> to vector<512x8x64xf32>
    %broadcast_in_dim3A = vector.shape_cast %dot_general3A_5 : vector<512x64xf32> to vector<512x1x64xf32>
    %sub3A = vector.broadcast %broadcast_in_dim3A : vector<512x1x64xf32> to vector<512x8x64xf32>
    %sub3A_9 = arith.subf %reshape3A, %sub3A : vector<512x8x64xf32>
    %max3A = arith.constant 0.000000e+00 : f32
    %max3A_10 = vector.broadcast %max3A : f32 to vector<512x8x64xf32>
    %max3A_11 = arith.maximumf %sub3A_9, %max3A_10 : vector<512x8x64xf32>
    %reshape3A_12 = vector.shape_cast %max3A_11 : vector<512x8x64xf32> to vector<4096x64xf32>
    %get3A_13 = arith.constant 0 : index
    %get3A_14 = arith.constant 0 : index
    %get3A_15 = vector.load %arg7[%get3A_13, %get3A_14] : memref<64x128xf32, #tpu.memory_space<vmem>>, vector<64x128xf32>
    %dot_general3A_16 = arith.constant dense<0.000000e+00> : vector<4096x128xf32>
    %dot_general3A_17 = tpu.matmul %reshape3A_12, %get3A_15, %dot_general3A_16 {dimension_numbers = #tpu.dot_dimension_numbers<[1], [0], [0], [1], [0, 0, 1, 1], [], []>, transpose_lhs_hint = false} : vector<4096x64xf32>, vector<64x128xf32>, vector<4096x128xf32> -> vector<4096x128xf32>
    %get3A_18 = arith.constant 0 : index
    %get3A_19 = arith.constant 0 : index
    %get3A_20 = vector.load %arg8[%get3A_18, %get3A_19] : memref<1x128xf32, #tpu.memory_space<vmem>>, vector<1x128xf32>
    %add3A = vector.broadcast %get3A_20 : vector<1x128xf32> to vector<4096x128xf32>
    %add3A_21 = arith.addf %dot_general3A_17, %add3A : vector<4096x128xf32>
    %reshape3A_22 = vector.shape_cast %add3A_21 : vector<4096x128xf32> to vector<512x8x128xf32>
    %reduce_max3A = arith.constant dense<0xFF800000> : vector<512x128xf32>
    %reduce_max3A_23 = vector.multi_reduction <maximumf>, %reshape3A_22, %reduce_max3A [1] : vector<512x8x128xf32> to vector<512x128xf32>
    %get3A_24 = arith.constant 0 : index
    %get3A_25 = arith.constant 0 : index
    %get3A_26 = vector.load %arg2[%get3A_24, %get3A_25] : memref<512x64xf32, #tpu.memory_space<vmem>>, vector<512x64xf32>
    %get3A_27 = arith.constant 0 : index
    %get3A_28 = arith.constant 0 : index
    %get3A_29 = vector.load %arg5[%get3A_27, %get3A_28] : memref<64x64xf32, #tpu.memory_space<vmem>>, vector<64x64xf32>
    %dot_general3A_30 = arith.constant dense<0.000000e+00> : vector<512x64xf32>
    %dot_general3A_31 = tpu.matmul %get3A_26, %get3A_29, %dot_general3A_30 {dimension_numbers = #tpu.dot_dimension_numbers<[1], [0], [0], [1], [0, 0, 1, 1], [], []>, transpose_lhs_hint = false} : vector<512x64xf32>, vector<64x64xf32>, vector<512x64xf32> -> vector<512x64xf32>
    %get3A_32 = arith.constant 0 : index
    %get3A_33 = arith.constant 0 : index
    %get3A_34 = vector.load %arg6[%get3A_32, %get3A_33] : memref<1x64xf32, #tpu.memory_space<vmem>>, vector<1x64xf32>
    %add3A_35 = vector.broadcast %get3A_34 : vector<1x64xf32> to vector<512x64xf32>
    %add3A_36 = arith.addf %dot_general3A_31, %add3A_35 : vector<512x64xf32>
    %max3A_37 = arith.constant 0.000000e+00 : f32
    %max3A_38 = vector.broadcast %max3A_37 : f32 to vector<512x64xf32>
    %max3A_39 = arith.maximumf %add3A_36, %max3A_38 : vector<512x64xf32>
    %get3A_40 = arith.constant 0 : index
    %get3A_41 = arith.constant 0 : index
    %get3A_42 = vector.load %arg7[%get3A_40, %get3A_41] : memref<64x128xf32, #tpu.memory_space<vmem>>, vector<64x128xf32>
    %dot_general3A_43 = arith.constant dense<0.000000e+00> : vector<512x128xf32>
    %dot_general3A_44 = tpu.matmul %max3A_39, %get3A_42, %dot_general3A_43 {dimension_numbers = #tpu.dot_dimension_numbers<[1], [0], [0], [1], [0, 0, 1, 1], [], []>, transpose_lhs_hint = false} : vector<512x64xf32>, vector<64x128xf32>, vector<512x128xf32> -> vector<512x128xf32>
    %get3A_45 = arith.constant 0 : index
    %get3A_46 = arith.constant 0 : index
    %get3A_47 = vector.load %arg8[%get3A_45, %get3A_46] : memref<1x128xf32, #tpu.memory_space<vmem>>, vector<1x128xf32>
    %add3A_48 = vector.broadcast %get3A_47 : vector<1x128xf32> to vector<512x128xf32>
    %add3A_49 = arith.addf %dot_general3A_44, %add3A_48 : vector<512x128xf32>
    %max3A_50 = arith.maximumf %reduce_max3A_23, %add3A_49 : vector<512x128xf32>
    %max3A_51 = arith.constant 0.000000e+00 : f32
    %max3A_52 = vector.broadcast %max3A_51 : f32 to vector<512x128xf32>
    %max3A_53 = arith.maximumf %max3A_50, %max3A_52 : vector<512x128xf32>
    %get3A_54 = arith.constant 0 : index
    %get3A_55 = arith.constant 0 : index
    %get3A_56 = vector.load %arg9[%get3A_54, %get3A_55] : memref<128x5xf32, #tpu.memory_space<vmem>>, vector<128x5xf32>
    %dot_general3A_57 = arith.constant dense<0.000000e+00> : vector<512x5xf32>
    %dot_general3A_58 = tpu.matmul %max3A_53, %get3A_56, %dot_general3A_57 {dimension_numbers = #tpu.dot_dimension_numbers<[1], [0], [0], [1], [0, 0, 1, 1], [], []>, transpose_lhs_hint = false} : vector<512x128xf32>, vector<128x5xf32>, vector<512x5xf32> -> vector<512x5xf32>
    %get3A_59 = arith.constant 0 : index
    %get3A_60 = arith.constant 0 : index
    %get3A_61 = vector.load %arg10[%get3A_59, %get3A_60] : memref<1x5xf32, #tpu.memory_space<vmem>>, vector<1x5xf32>
    %add3A_62 = vector.broadcast %get3A_61 : vector<1x5xf32> to vector<512x5xf32>
    %add3A_63 = arith.addf %dot_general3A_58, %add3A_62 : vector<512x5xf32>
    %reduce_max3A_64 = arith.constant dense<0xFF800000> : vector<512xf32>
    %reduce_max3A_65 = vector.multi_reduction <maximumf>, %add3A_63, %reduce_max3A_64 [1] : vector<512x5xf32> to vector<512xf32>
    %broadcast_in_dim3A_66 = vector.shape_cast %reduce_max3A_65 : vector<512xf32> to vector<512x1xf32>
    %sub3A_67 = vector.broadcast %broadcast_in_dim3A_66 : vector<512x1xf32> to vector<512x5xf32>
    %sub3A_68 = arith.subf %add3A_63, %sub3A_67 : vector<512x5xf32>
    %exp3A = math.exp %sub3A_68 : vector<512x5xf32>
    %reduce_sum3A = arith.constant dense<0.000000e+00> : vector<512xf32>
    %reduce_sum3A_69 = vector.multi_reduction <add>, %exp3A, %reduce_sum3A [1] : vector<512x5xf32> to vector<512xf32>
    %broadcast_in_dim3A_70 = vector.shape_cast %reduce_sum3A_69 : vector<512xf32> to vector<512x1xf32>
    %log3A = math.log %broadcast_in_dim3A_70 : vector<512x1xf32>
    %add3A_71 = arith.addf %log3A, %broadcast_in_dim3A_66 : vector<512x1xf32>
    %sub3A_72 = vector.broadcast %add3A_71 : vector<512x1xf32> to vector<512x5xf32>
    %sub3A_73 = arith.subf %add3A_63, %sub3A_72 : vector<512x5xf32>
    %swap3A = arith.constant 0 : index
    %swap3A_74 = arith.constant 0 : index
    %swap3A_75 = vector.load %arg11[%swap3A, %swap3A_74] : memref<512x5xf32, #tpu.memory_space<vmem>>, vector<512x5xf32>
    tpu.vector_store %arg11[%swap3A, %swap3A_74], %sub3A_73 {strides = array<i32>} : memref<512x5xf32, #tpu.memory_space<vmem>>, vector<512x5xf32>,
    return
  }
  func.func @transform_0(%arg0: i32) -> (i32, i32) {
    %c0_i32 = arith.constant 0 : i32
    %c0_i32_0 = arith.constant 0 : i32
    return %arg0, %c0_i32 : i32, i32
  }
  func.func @transform_1(%arg0: i32) -> (i32, i32) {
    %c0_i32 = arith.constant 0 : i32
    %c0_i32_0 = arith.constant 0 : i32
    return %arg0, %c0_i32 : i32, i32
  }
  func.func @transform_2(%arg0: i32) -> (i32, i32) {
    %c0_i32 = arith.constant 0 : i32
    %c0_i32_0 = arith.constant 0 : i32
    return %arg0, %c0_i32 : i32, i32
  }
  func.func @transform_3(%arg0: i32) -> (i32, i32) {
    %c0_i32 = arith.constant 0 : i32
    %c0_i32_0 = arith.constant 0 : i32
    %c0_i32_1 = arith.constant 0 : i32
    return %c0_i32, %c0_i32_0 : i32, i32
  }
  func.func @transform_4(%arg0: i32) -> (i32, i32) {
    %c0_i32 = arith.constant 0 : i32
    %c0_i32_0 = arith.constant 0 : i32
    %c0_i32_1 = arith.constant 0 : i32
    return %c0_i32, %c0_i32_0 : i32, i32
  }
  func.func @transform_5(%arg0: i32) -> (i32, i32) {
    %c0_i32 = arith.constant 0 : i32
    %c0_i32_0 = arith.constant 0 : i32
    %c0_i32_1 = arith.constant 0 : i32
    return %c0_i32, %c0_i32_0 : i32, i32
  }
  func.func @transform_6(%arg0: i32) -> (i32, i32) {
    %c0_i32 = arith.constant 0 : i32
    %c0_i32_0 = arith.constant 0 : i32
    %c0_i32_1 = arith.constant 0 : i32
    return %c0_i32, %c0_i32_0 : i32, i32
  }
  func.func @transform_7(%arg0: i32) -> (i32, i32) {
    %c0_i32 = arith.constant 0 : i32
    %c0_i32_0 = arith.constant 0 : i32
    %c0_i32_1 = arith.constant 0 : i32
    return %c0_i32, %c0_i32_0 : i32, i32
  }
  func.func @transform_8(%arg0: i32) -> (i32, i32) {
    %c0_i32 = arith.constant 0 : i32
    %c0_i32_0 = arith.constant 0 : i32
    %c0_i32_1 = arith.constant 0 : i32
    return %c0_i32, %c0_i32_0 : i32, i32
  }
  func.func @transform_9(%arg0: i32) -> (i32, i32) {
    %c0_i32 = arith.constant 0 : i32
    %c0_i32_0 = arith.constant 0 : i32
    %c0_i32_1 = arith.constant 0 : i32
    return %c0_i32, %c0_i32_0 : i32, i32
  }
  func.func @transform_10(%arg0: i32) -> (i32, i32) {
    %c0_i32 = arith.constant 0 : i32
    %c0_i32_0 = arith.constant 0 : i32
    return %arg0, %c0_i32 : i32, i32
  }
}

</mosaic_0001>

<sc_bundles>
// kernel: kernel.10.cloned.1.call-start
scs
__scs_entry_jumppad:
0x0: {  	(pc) =	sbr.rel $0x88, $3  }
0x1: {  	(tag) =	ssettag $0x0;
	lr =	simm.s32 $0x1  }
0x2: {  	[smem:$0x3F96] =	sst lr;
	_ =	strace $0xD0000000  }
0x3: {  	_ = 	snop  }
0x4: {  	_ = 	snop  }
0x5: {  	_ = 	snop  }
0x6: {  	_ = 	snop  }
0x7: {  	_ = 	snop  }
__scs_overlays_trampoline_lowered:
0x8: {  	[smem:$0x3FA5] =	sst s0  }
0x9: {  	[smem:$0x3FA6] =	sst s1  }
0xa: {  	[smem:$0x3FA7] =	sst s2  }
0xb: {  	[smem:$0x3FA8] =	sst s3  }
0xc: {  	[smem:$0x3FA9] =	sst s4  }
0xd: {  	[smem:$0x3FAA] =	sst s5  }
0xe: {  	[smem:$0x3FAB] =	sst s6  }
0xf: {  	[smem:$0x3FAC] =	sst s7  }
0x10: {  	[smem:$0x3FAD] =	sst s8  }
0x11: {  	[smem:$0x3FAE] =	sst s9;
	s0 =	simm.s32 @!p0 $0x0  }
0x12: {  	s1 =	sld [smem:$0x3F94];
	s0 =	simm.s32 @p0 $0x1  }
0x13: {  	[smem:$0x3FAF] =	sst s0;
	s0 =	simm.s32 @!p1 $0x0  }
0x14: {  	s2 =	sld [smem:$0x3F93];
	s0 =	simm.s32 @p1 $0x1  }
0x15: {  	[smem:$0x3FB0] =	sst s0;
	s0 =	simm.s32 @!p2 $0x0  }
0x16: {  	s3 =	sld [smem:$0x3FDB];
	s0 =	simm.s32 @p2 $0x1  }
0x17: {  	s4 =	simm.s32 $0x1BF5;
	[smem:$0x3FB2] =	sst s0  }
0x18: {  	s0 =	sld [smem:$0x3F95];
	_ =	swait.ge [sflag:s4], $0x0  }
0x19: {  	s7 =	sld [smem:$0x3F96]  }
0x1a: {  	s8 =	sadd.s32 $0xFFFFE003, lr  }
0x1b: {  	s9 =	sadd.s32 $0xFFFFFEF7, lr;
	s5 =	simm.s32 $0xFFFFFFFF;
	p2 =	slt.u32 s8, $0xFFFFF086  }
0x1c: {  	p1 =	slt.u32 s9, $0xF7A;
	s5 =	simm.s32 @!p2 $0x0  }
0x1d: {  	s5 =	simm.s32 @p1 $0x1;
	p0 =	seq.s32 s7, s2  }
0x1e: {  	s7 =	smul.u32 @!p0 $0xF7A, s2;
	p2 =	seq.s32 @!p0 s5, $0x0  }
0x1f: {  	s9 =	smul.u32 $0xF7A, s1;
	s8 =	simm.s32 @!p0 $0x1BF5;
	p2 =	por !p2, p0  }
0x20: {  	[sflag:s8] =	ssyncset.s32 @!p0 $0xFFFFF086;
	s6 =	sadd.s32 @!p0 s3, s7;
	s7 =	simm.s32 @!p0 $0x108  }
0x21: {  	s3 =	sadd.s32 s3, s9;
	s6 =	sadd.s32 @!p0 $0x88, s6;
	s7 =	simm.s32 @p2 $0x1082  }
0x22: {  	[simem:s7], [sflag:s8] =	dma.local @!p0 [hbm:s6], $0xF7A  }
0x23: {  	s9 =	sor.u32 $0xD0000000, s2;
	s6 =	simm.s32 $0x108;
	_ =	swait.ge @!p0 [sflag:s8], $0x0  }
0x24: {  	s3 =	sadd.s32 $0x88, s3;
	s6 =	simm.s32 @!p1 $0x1082;
	[sflag:s4] =	ssyncset.s32 $0xFFFFF086  }
0x25: {  	[simem:s6], [sflag:s4] =	dma.local [hbm:s3], $0xF7A  }
0x26: {  	[smem:$0x3F96] =	sst s1;
	(tag) =	ssettag s2;
	_ =	strace s9  }
0x27: {  	s1 =	sld [smem:$0x3FA6]  }
0x28: {  	s2 =	sld [smem:$0x3FA7]  }
0x29: {  	s4 =	sld [smem:$0x3FA9]  }
0x2a: {  	p0 =	seq.s32 s5, $0x0;
	s5 =	sld [smem:$0x3FAA]  }
0x2b: {  	s6 =	sld [smem:$0x3FAB]  }
0x2c: {  	s7 =	sld [smem:$0x3FAC]  }
0x2d: {  	s3 =	simm.s32 $0x108;
	s8 =	sld [smem:$0x3FAD]  }
0x2e: {  	s3 =	simm.s32 @!p0 $0x1082;
	s9 =	sld [smem:$0x3FAE]  }
0x2f: {  	lr =	sadd.s32 s0, s3;
	s0 =	sld [smem:$0x3FA5]  }
0x30: {  	s3 =	sld [smem:$0x3FA8]  }
0x31: {  	[smem:$0x3FB1] =	sst s10  }
0x32: {  	s10 =	sld [smem:$0x3FAF];
	_ =	sdelay $0x3  }
0x33: {  	p0 =	seq.s32 s10, $0x1;
	s10 =	sld [smem:$0x3FB1];
	_ =	sdelay $0x3  }
0x34: {  	[smem:$0x3FB1] =	sst s10  }
0x35: {  	s10 =	sld [smem:$0x3FB0];
	_ =	sdelay $0x3  }
0x36: {  	p1 =	seq.s32 s10, $0x1;
	s10 =	sld [smem:$0x3FB1];
	_ =	sdelay $0x3  }
0x37: {  	[smem:$0x3FB1] =	sst s10  }
0x38: {  	s10 =	sld [smem:$0x3FB2]  }
0x39: {  	_ = 	snop;
	(pc) =	sbr.ind lr, $3  }
0x3a: {  	_ = 	snop  }
0x3b: {  	_ = 	snop  }
0x3c: {  	p2 =	seq.s32 s10, $0x1;
	s10 =	sld [smem:$0x3FB1]  }
0x3d: {  	_ =	shalt  }
0x3e: {  	_ =	shalt  }
0x3f: {  	_ =	shalt  }
0x40: {  	_ =	shalt  }
0x41: {  	_ =	shalt  }
0x42: {  	_ =	shalt  }
0x43: {  	_ =	shalt  }
0x44: {  	_ =	shalt  }
0x45: {  	_ =	shalt  }
0x46: {  	_ =	shalt  }
0x47: {  	_ =	shalt  }
0x48: {  	_ =	shalt  }
0x49: {  	_ =	shalt  }
0x4a: {  	_ =	shalt  }
0x4b: {  	_ =	shalt  }
0x4c: {  	_ =	shalt  }
0x4d: {  	_ =	shalt  }
0x4e: {  	_ =	shalt  }
0x4f: {  	_ =	shalt  }
0x50: {  	_ =	shalt  }
0x51: {  	_ =	shalt  }
0x52: {  	_ =	shalt  }
0x53: {  	_ =	shalt  }
0x54: {  	_ =	shalt  }
0x55: {  	_ =	shalt  }
0x56: {  	_ =	shalt  }
0x57: {  	_ =	shalt  }
0x58: {  	_ =	shalt  }
0x59: {  	_ =	shalt  }
0x5a: {  	_ =	shalt  }
0x5b: {  	_ =	shalt  }
0x5c: {  	_ =	shalt  }
0x5d: {  	_ =	shalt  }
0x5e: {  	_ =	shalt  }
0x5f: {  	_ =	shalt  }
0x60: {  	_ =	shalt  }
0x61: {  	_ =	shalt  }
0x62: {  	_ =	shalt  }
0x63: {  	_ =	shalt  }
0x64: {  	_ =	shalt  }
0x65: {  	_ =	shalt  }
0x66: {  	_ =	shalt  }
0x67: {  	_ =	shalt  }
0x68: {  	_ =	shalt  }
0x69: {  	_ =	shalt  }
0x6a: {  	_ =	shalt  }
0x6b: {  	_ =	shalt  }
0x6c: {  	_ =	shalt  }
0x6d: {  	_ =	shalt  }
0x6e: {  	_ =	shalt  }
0x6f: {  	_ =	shalt  }
0x70: {  	_ =	shalt  }
0x71: {  	_ =	shalt  }
0x72: {  	_ =	shalt  }
0x73: {  	_ =	shalt  }
0x74: {  	_ =	shalt  }
0x75: {  	_ =	shalt  }
0x76: {  	_ =	shalt  }
0x77: {  	_ =	shalt  }
0x78: {  	_ =	shalt  }
0x79: {  	_ =	shalt  }
0x7a: {  	_ =	shalt  }
0x7b: {  	_ =	shalt  }
0x7c: {  	_ =	shalt  }
0x7d: {  	_ =	shalt  }
0x7e: {  	_ =	shalt  }
0x7f: {  	_ =	shalt  }
0x80: {  	_ =	shalt  }
0x81: {  	_ =	shalt  }
0x82: {  	_ =	shalt  }
0x83: {  	_ =	shalt  }
0x84: {  	_ =	shalt  }
0x85: {  	_ =	shalt  }
0x86: {  	_ =	shalt  }
0x87: {  	_ =	shalt  }
.Lfunc_end0:
.L_simem_size_0:
called_computation.1_lowered:
.L_overlay_start_0:
0x88: {  	s2 =	sld [smem:$0x3FD9]  }
0x89: {  	s3 =	sld [smem:$0x3FFE];
	_ =	sdelay $0x1  }
0x8a: {  	s1 =	srdreg.scid  }
0x8b: {  	s0 =	sand.u32 $0x1, s1  }
0x8c: {  	s16 =	sshll.u32 s0, $0xA;
	s2 =	sadd.s32 s3, s2  }
0x8d: {  	s2 =	sadd.s32 s2, s16  }
0x8e: {  	[smem:$0x3FBD] =	sst s2  }
0x8f: {  	_ = 	snop  }
0x90: {  	(tm) =	ssettm $0x1  }
0x91: {  	s17 =	sld [smem:$0x3FFB];
	_ =	sdelay $0x3  }
0x92: {  	_ =	strace s17  }
0x93: {  	s2 =	sld [smem:$0x3FFC];
	_ =	sdelay $0x3  }
0x94: {  	_ =	strace s2  }
0x95: {  	s2 =	sld [smem:$0x3FFD];
	_ =	sdelay $0x3  }
0x96: {  	_ =	strace s2  }
0x97: {  	_ =	strace $0x8FFFFFFF  }
0x98: {  	s18 =	sld [smem:$0x3FDB];
	_ =	sdelay $0x1  }
0x99: {  	s19 =	simm.s32 $_scs_section_size  }
0x9a: {  	s4 =	simm.s32 $_size__tile_overlayer_lowered;
	s5 =	simm.s32 $_tile_overlayer_lowered  }
0x9b: {  	s22 =	simm.s32 $0x1BFF;
	s21 =	sshll.u32 s5, $0x1;
	s2 =	sadd.s32 s19, s18  }
0x9c: {  	s6 =	simm.s32 $0x0;
	s20 =	sshll.u32 s4, $0x1;
	s4 =	sadd.s32 s21, s2  }
0x9d: {  	[timem:s6], [sflag:s22] =	dma.local [hbm:s4], s20  }
0x9e: {  	_ =	swait.ge [sflag:s22], s20  }
0x9f: {  	s3 =	ssub.s32 $0x0, s20;
	[sflag:s22] =	ssyncset.done $0x0  }
0xa0: {  	[sflag:s22] =	ssyncadd.s32 s3;
	_ =	sdelay $0x1  }
0xa1: {  	s23 =	simm.s32 $0x1B8B  }
0xa2: {  	_ =	swait.ge [sflag:s23], $0x1  }
0xa3: {  	[sflag:s23] =	ssyncset.done $0x0  }
0xa4: {  	s25 =	simm.s32 $0x1B8E;
	s24 =	sld [smem:$0x3FFE];
	[sflag:s23] =	ssyncadd.s32 $0xFFFFFFFF  }
0xa5: {  	s26 =	simm.s32 $execute0_lowered;
	[smem:$0x3FD2] =	sst s25  }
0xa6: {  	s4 =	sshll.u32 s26, $0x1;
	_ =	strace $0x80000049;
	[dreg:$0x1] =	wrdreg $0xFFFFFFFF  }
0xa7: {  	s28 =	simm.s32 $_size_execute0_lowered;
	s2 =	sadd.s32 s2, s4;
	[dreg:$0x0] =	wrdreg $0x0  }
0xa8: {  	s4 =	sshll.u32 s28, $0x1;
	[dreg:$0x2] =	wrdreg s2  }
0xa9: {  	[dreg:$0x3] =	wrdreg s4  }
0xaa: {  	[dreg:$0x4] =	wrdreg $0xC0  }
0xab: {  	_ =	task [dreg:s6], $0x5FFFF  }
0xac: {  	[dreg:$0x1] =	wrdreg $0xFFFFFFFF  }
0xad: {  	[dreg:$0x0] =	wrdreg $0x60  }
0xae: {  	[dreg:$0x2] =	wrdreg s24  }
0xaf: {  	[dreg:$0x3] =	wrdreg $0x9  }
0xb0: {  	_ =	task.clear_ibuf [dreg:s6], $0x4FFFF;
	_ =	strace $0x90000049  }
0xb1: {  	s29 =	simm.s32 $0x9;
	_ =	strace $0x8000004B  }
0xb2: {  	_ =	swait.ge [sflag:s29], $0x1  }
0xb3: {  	[sflag:s29] =	ssyncadd.s32 $0xFFFFFFFF  }
0xb4: {  	_ =	strace $0x9000004B  }
0xb5: {  	_ =	sfence  }
0xb6: {  	s30 =	sld [smem:$0x0];
	_ =	sdelay $0x2  }
0xb7: {  	s31 =	sshll.u32 s1, $0xD;
	s1 =	sshrl.u32 s1, $0x2  }
0xb8: {  	s3 =	sand.u32 $0x4000, s31;
	s1 =	sadd.s32 s1, s30  }
0xb9: {  	s0 =	sor.u32 s3, s0;
	s1 =	sshll.u32 s1, $0x11  }
0xba: {  	s0 =	sor.u32 s1, s0  }
0xbb: {  	s0 =	sadd.s32 $0x8F2B, s0  }
0xbc: {  	[sflag:s0] =	ssyncadd.remote.s32 $0x1  }
0xbd: {  	_ =	sfence.sel $0xFFFF  }
0xbe: {  	[dreg:$0x0] =	wrdreg $0xFFFFFFFF;
	(pc) =	sbr.abs _section_cstart, $3  }
0xbf: {  	[dreg:$0x1] =	wrdreg $0xFFFFFFFF  }
0xc0: {  	_ =	task.clear_ibuf [dreg:s6], $0x2FFFF;
	_ =	strace $0x9FFFFFFF  }
0xc1: {  	(tm) =	ssettm $0x7FFFFFFF  }
tec
execute0_lowered:
.L_overlay_start_1:
0x0: {  	(tag) =	ssettag $0x1  }
0x1: {  	s1 =	srdreg.scid;
	s0 =	stileid.u32  }
0x2: {  	s6 =	rddreg [dreg:$0x0];
	s1 =	sand.u32 $0x1, s1;
	s2 =	sshll.u32 s0, $0x1  }
0x3: {  	s28 =	sadd.s32 $0x2400, s6;
	s3 =	sor.u32 s1, s2  }
0x4: {  	[dreg:$0xa] =	wrdreg s1;
	s2 =	simm.s32 $0x0;
	s29 =	smul.u32 $0xA00, s3  }
0x5: {  	s31 =	sadd.s32 $0x18C00, s6;
	[smem:$0x7FF] =	sst s2;
	s3 =	smul.u32 $0x5000, s3  }
0x6: {  	_ =	strace $0x8000004A;
	s4 =	sshrl.u32 s29, $0x3;
	s5 =	sor.u32 $0x100, s29  }
0x7: {  	s16 =	sadd.s32 $0x200, s29;
	s19 =	sadd.s32 $0x300, s29;
	s3 =	sadd.s32 s31, s3  }
0x8: {  	s4 =	sadd.s32 s28, s4;
	s10 =	sshrl.u32 s5, $0x3;
	[dreg:$0x5] =	wrdreg s3  }
0x9: {  	s7 =	sshrl.u32 s16, $0x3;
	[dreg:$0x2] =	wrdreg s4;
	s4 =	sadd.s32 s28, s10  }
0xa: {  	s12 =	sshrl.u32 s19, $0x3;
	s11 =	sadd.s32 s28, s7;
	[dreg:$0x3] =	wrdreg s4  }
0xb: {  	s13 =	sadd.s32 s28, s12;
	[dreg:$0x4] =	wrdreg s11  }
0xc: {  	s22 =	sadd.s32 $0x400, s29;
	s14 =	sshll.u32 s5, $0x3;
	[dreg:$0x6] =	wrdreg s13  }
0xd: {  	s17 =	sshrl.u32 s22, $0x3;
	s3 =	sadd.s32 s31, s14;
	s15 =	rddreg [dreg:$0x2]  }
0xe: {  	s20 =	sadd.s32 s28, s17;
	[dreg:$0x7] =	wrdreg s3  }
0xf: {  	[dreg:$0x8] =	wrdreg s20  }
0x10: {  	[tilespmem:s2], [sflag:$0x1] =	stream.linear.gather [hbm4b:s15+s2], $0x100, $0x38;
	[tilespmem:$0xC300] =	vst v63  }
0x11: {  	s3 =	simm.s32 $0x100;
	s18 =	rddreg [dreg:$0x3]  }
0x12: {  	[tilespmem:s3], [sflag:$0x2] =	stream.linear.gather [hbm4b:s18+s2], $0x100, $0x38;
	[tilespmem:$0xC300] =	vst v63  }
0x13: {  	s5 =	simm.s32 $0x1;
	s4 =	simm.s32 $0x200;
	s21 =	rddreg [dreg:$0x4]  }
0x14: {  	[tilespmem:s4], [sflag:$0x3] =	stream.linear.gather [hbm4b:s21+s2], $0x100, $0x38;
	[tilespmem:$0xC300] =	vst v63  }
0x15: {  	_ =	swait.ge [sflag:s5], $0x100  }
0x16: {  	s8 =	simm.s32 $0x2;
	[sflag:s5] =	ssyncset.done $0x0  }
0x17: {  	s6 =	sadd.s32 $0x4C00, s6;
	s7 =	simm.s32 $0x300;
	[sflag:s5] =	ssyncadd.s32 $0xFFFFFF00  }
0x18: {  	[tilespmem:s7], [sflag:$0x4] =	stream.indirect.gather [hbm4b:s6+s3], $0x40, s2, s3, $0xb8;
	[tilespmem:$0xC300] =	vst v63  }
0x19: {  	_ =	swait.ge [sflag:s8], $0x100  }
0x1a: {  	[sflag:s8] =	ssyncset.done $0x0  }
0x1b: {  	s9 =	simm.s32 $0x4300;
	s10 =	simm.s32 $0x4;
	[sflag:s8] =	ssyncadd.s32 $0xFFFFFF00  }
0x1c: {  	[tilespmem:s9], [sflag:$0x5] =	stream.indirect.gather [hbm4b:s6+s3], $0x40, s3, s3, $0xb8;
	[tilespmem:$0xC300] =	vst v63  }
0x1d: {  	_ =	swait.ge [sflag:s10], $0x4000  }
0x1e: {  	[sflag:s10] =	ssyncset.done $0x0  }
0x1f: {  	s11 =	rddreg [dreg:$0x5];
	[sflag:s10] =	ssyncadd.s32 $0xFFFFC000  }
0x20: {  	[hbm4b:s11+s2] =	stream.linear.scatter [tilespmem:s7], [sflag:$0x7], $0x4000, $0x38;
	[tilespmem:$0xC300] =	vst v63  }
0x21: {  	s12 =	rddreg [dreg:$0x6];
	s11 =	simm.s32 $0x3  }
0x22: {  	[tilespmem:s2], [sflag:$0x1] =	stream.linear.gather [hbm4b:s12+s2], $0x100, $0x38;
	[tilespmem:$0xC300] =	vst v63  }
0x23: {  	_ =	swait.ge [sflag:s11], $0x100  }
0x24: {  	[sflag:s11] =	ssyncset.done $0x0  }
0x25: {  	s13 =	simm.s32 $0x5;
	s12 =	simm.s32 $0x8300;
	[sflag:s11] =	ssyncadd.s32 $0xFFFFFF00  }
0x26: {  	[tilespmem:s12], [sflag:$0x6] =	stream.indirect.gather [hbm4b:s6+s3], $0x40, s4, s3, $0xb8;
	[tilespmem:$0xC300] =	vst v63  }
0x27: {  	_ =	swait.ge [sflag:s13], $0x4000  }
0x28: {  	[sflag:s13] =	ssyncset.done $0x0  }
0x29: {  	s14 =	rddreg [dreg:$0x7];
	[sflag:s13] =	ssyncadd.s32 $0xFFFFC000  }
0x2a: {  	[hbm4b:s14+s2] =	stream.linear.scatter [tilespmem:s9], [sflag:$0x8], $0x4000, $0x38;
	[tilespmem:$0xC300] =	vst v63  }
0x2b: {  	s15 =	rddreg [dreg:$0x8];
	s14 =	simm.s32 $0x7  }
0x2c: {  	[tilespmem:s3], [sflag:$0x2] =	stream.linear.gather [hbm4b:s15+s2], $0x100, $0x38;
	[tilespmem:$0xC300] =	vst v63  }
0x2d: {  	_ =	swait.ge [sflag:s14], $0x4000  }
0x2e: {  	[sflag:s14] =	ssyncset.done $0x0  }
0x2f: {  	[sflag:s14] =	ssyncadd.s32 $0xFFFFC000  }
0x30: {  	_ =	swait.ge [sflag:s5], $0x100  }
0x31: {  	[sflag:s5] =	ssyncset.done $0x0  }
0x32: {  	s15 =	simm.s32 $0x6;
	[sflag:s5] =	ssyncadd.s32 $0xFFFFFF00  }
0x33: {  	[tilespmem:s7], [sflag:$0x4] =	stream.indirect.gather [hbm4b:s6+s3], $0x40, s2, s3, $0xb8;
	[tilespmem:$0xC300] =	vst v63  }
0x34: {  	_ =	swait.ge [sflag:s15], $0x4000  }
0x35: {  	s24 =	sadd.s32 $0x500, s29;
	s16 =	sshll.u32 s16, $0x3;
	[sflag:s15] =	ssyncset.done $0x0  }
0x36: {  	s25 =	sshrl.u32 s24, $0x3;
	s23 =	sadd.s32 s31, s16;
	[sflag:s15] =	ssyncadd.s32 $0xFFFFC000  }
0x37: {  	[hbm4b:s23+s2] =	stream.linear.scatter [tilespmem:s12], [sflag:$0x9], $0x4000, $0x38;
	[tilespmem:$0xC300] =	vst v63  }
0x38: {  	s26 =	sadd.s32 s28, s25;
	s18 =	simm.s32 $0x8;
	[dreg:$0x9] =	wrdreg s23  }
0x39: {  	[tilespmem:s4], [sflag:$0x3] =	stream.linear.gather [hbm4b:s26+s2], $0x100, $0x38;
	[tilespmem:$0xC300] =	vst v63  }
0x3a: {  	_ =	swait.ge [sflag:s18], $0x4000  }
0x3b: {  	[sflag:s18] =	ssyncset.done $0x0  }
0x3c: {  	[sflag:s18] =	ssyncadd.s32 $0xFFFFC000  }
0x3d: {  	_ =	swait.ge [sflag:s8], $0x100  }
0x3e: {  	[sflag:s8] =	ssyncset.done $0x0  }
0x3f: {  	[sflag:s8] =	ssyncadd.s32 $0xFFFFFF00  }
0x40: {  	[tilespmem:s9], [sflag:$0x5] =	stream.indirect.gather [hbm4b:s6+s3], $0x40, s3, s3, $0xb8;
	[tilespmem:$0xC300] =	vst v63  }
0x41: {  	s19 =	sshll.u32 s19, $0x3;
	_ =	swait.ge [sflag:s10], $0x4000  }
0x42: {  	s17 =	smov.u32 s26;
	s26 =	sadd.s32 $0x600, s29;
	[sflag:s10] =	ssyncset.done $0x0  }
0x43: {  	s19 =	sadd.s32 s31, s19;
	s20 =	sshrl.u32 s26, $0x3;
	[sflag:s10] =	ssyncadd.s32 $0xFFFFC000  }
0x44: {  	[hbm4b:s19+s2] =	stream.linear.scatter [tilespmem:s7], [sflag:$0x7], $0x4000, $0x38;
	[tilespmem:$0xC300] =	vst v63  }
0x45: {  	s21 =	sadd.s32 s28, s20;
	s20 =	simm.s32 $0x9  }
0x46: {  	[tilespmem:s2], [sflag:$0x1] =	stream.linear.gather [hbm4b:s21+s2], $0x100, $0x38;
	[tilespmem:$0xC300] =	vst v63  }
0x47: {  	_ =	swait.ge [sflag:s20], $0x4000  }
0x48: {  	[sflag:s20] =	ssyncset.done $0x0  }
0x49: {  	[sflag:s20] =	ssyncadd.s32 $0xFFFFC000  }
0x4a: {  	_ =	swait.ge [sflag:s11], $0x100  }
0x4b: {  	[sflag:s11] =	ssyncset.done $0x0  }
0x4c: {  	[sflag:s11] =	ssyncadd.s32 $0xFFFFFF00  }
0x4d: {  	[tilespmem:s12], [sflag:$0x6] =	stream.indirect.gather [hbm4b:s6+s3], $0x40, s4, s3, $0xb8;
	[tilespmem:$0xC300] =	vst v63  }
0x4e: {  	_ =	swait.ge [sflag:s13], $0x4000  }
0x4f: {  	s30 =	sadd.s32 $0x700, s29;
	s22 =	sshll.u32 s22, $0x3;
	[sflag:s13] =	ssyncset.done $0x0  }
0x50: {  	s22 =	sadd.s32 s31, s22;
	s23 =	sshrl.u32 s30, $0x3;
	[sflag:s13] =	ssyncadd.s32 $0xFFFFC000  }
0x51: {  	[hbm4b:s22+s2] =	stream.linear.scatter [tilespmem:s9], [sflag:$0x8], $0x4000, $0x38;
	[tilespmem:$0xC300] =	vst v63  }
0x52: {  	s23 =	sadd.s32 s28, s23  }
0x53: {  	[tilespmem:s3], [sflag:$0x2] =	stream.linear.gather [hbm4b:s23+s2], $0x100, $0x38;
	[tilespmem:$0xC300] =	vst v63  }
0x54: {  	_ =	swait.ge [sflag:s14], $0x4000  }
0x55: {  	[sflag:s14] =	ssyncset.done $0x0  }
0x56: {  	[sflag:s14] =	ssyncadd.s32 $0xFFFFC000  }
0x57: {  	_ =	swait.ge [sflag:s5], $0x100  }
0x58: {  	[sflag:s5] =	ssyncset.done $0x0  }
0x59: {  	[sflag:s5] =	ssyncadd.s32 $0xFFFFFF00  }
0x5a: {  	[tilespmem:s7], [sflag:$0x4] =	stream.indirect.gather [hbm4b:s6+s3], $0x40, s2, s3, $0xb8;
	[tilespmem:$0xC300] =	vst v63  }
0x5b: {  	_ =	swait.ge [sflag:s15], $0x4000  }
0x5c: {  	s0 =	sadd.s32 $0x800, s29;
	s24 =	sshll.u32 s24, $0x3;
	[sflag:s15] =	ssyncset.done $0x0  }
0x5d: {  	s24 =	sadd.s32 s31, s24;
	s25 =	sshrl.u32 s0, $0x3;
	[sflag:s15] =	ssyncadd.s32 $0xFFFFC000  }
0x5e: {  	[hbm4b:s24+s2] =	stream.linear.scatter [tilespmem:s12], [sflag:$0x9], $0x4000, $0x38;
	[tilespmem:$0xC300] =	vst v63  }
0x5f: {  	s25 =	sadd.s32 s28, s25  }
0x60: {  	[tilespmem:s4], [sflag:$0x3] =	stream.linear.gather [hbm4b:s25+s2], $0x100, $0x38;
	[tilespmem:$0xC300] =	vst v63  }
0x61: {  	_ =	swait.ge [sflag:s18], $0x4000  }
0x62: {  	[sflag:s18] =	ssyncset.done $0x0  }
0x63: {  	[sflag:s18] =	ssyncadd.s32 $0xFFFFC000  }
0x64: {  	_ =	swait.ge [sflag:s8], $0x100  }
0x65: {  	[sflag:s8] =	ssyncset.done $0x0  }
0x66: {  	[sflag:s8] =	ssyncadd.s32 $0xFFFFFF00  }
0x67: {  	[tilespmem:s9], [sflag:$0x5] =	stream.indirect.gather [hbm4b:s6+s3], $0x40, s3, s3, $0xb8;
	[tilespmem:$0xC300] =	vst v63  }
0x68: {  	_ =	swait.ge [sflag:s10], $0x4000  }
0x69: {  	s16 =	sadd.s32 $0x900, s29;
	s26 =	sshll.u32 s26, $0x3;
	[sflag:s10] =	ssyncset.done $0x0  }
0x6a: {  	s29 =	sshrl.u32 s16, $0x3;
	s26 =	sadd.s32 s31, s26;
	[sflag:s10] =	ssyncadd.s32 $0xFFFFC000  }
0x6b: {  	[hbm4b:s26+s2] =	stream.linear.scatter [tilespmem:s7], [sflag:$0x7], $0x4000, $0x38;
	[tilespmem:$0xC300] =	vst v63  }
0x6c: {  	s28 =	sadd.s32 s28, s29  }
0x6d: {  	[tilespmem:s2], [sflag:$0x1] =	stream.linear.gather [hbm4b:s28+s2], $0x100, $0x38;
	[tilespmem:$0xC300] =	vst v63  }
0x6e: {  	_ =	swait.ge [sflag:s20], $0x4000  }
0x6f: {  	[sflag:s20] =	ssyncset.done $0x0  }
0x70: {  	[sflag:s20] =	ssyncadd.s32 $0xFFFFC000  }
0x71: {  	_ =	swait.ge [sflag:s11], $0x100  }
0x72: {  	[sflag:s11] =	ssyncset.done $0x0  }
0x73: {  	[sflag:s11] =	ssyncadd.s32 $0xFFFFFF00  }
0x74: {  	[tilespmem:s12], [sflag:$0x6] =	stream.indirect.gather [hbm4b:s6+s3], $0x40, s4, s3, $0xb8;
	[tilespmem:$0xC300] =	vst v63  }
0x75: {  	_ =	swait.ge [sflag:s13], $0x4000  }
0x76: {  	s29 =	sshll.u32 s30, $0x3;
	[sflag:s13] =	ssyncset.done $0x0  }
0x77: {  	s29 =	sadd.s32 s31, s29;
	[sflag:s13] =	ssyncadd.s32 $0xFFFFC000  }
0x78: {  	[hbm4b:s29+s2] =	stream.linear.scatter [tilespmem:s9], [sflag:$0x8], $0x4000, $0x38;
	[tilespmem:$0xC300] =	vst v63  }
0x79: {  	_ =	swait.ge [sflag:s14], $0x4000  }
0x7a: {  	[sflag:s14] =	ssyncset.done $0x0  }
0x7b: {  	[sflag:s14] =	ssyncadd.s32 $0xFFFFC000  }
0x7c: {  	_ =	swait.ge [sflag:s5], $0x100  }
0x7d: {  	[sflag:s5] =	ssyncset.done $0x0  }
0x7e: {  	[sflag:s5] =	ssyncadd.s32 $0xFFFFFF00  }
0x7f: {  	[tilespmem:s7], [sflag:$0x4] =	stream.indirect.gather [hbm4b:s6+s3], $0x40, s2, s3, $0xb8;
	[tilespmem:$0xC300] =	vst v63  }
0x80: {  	_ =	swait.ge [sflag:s15], $0x4000  }
0x81: {  	s1 =	sshll.u32 s0, $0x3;
	[sflag:s15] =	ssyncset.done $0x0  }
0x82: {  	s30 =	sadd.s32 s31, s1;
	[sflag:s15] =	ssyncadd.s32 $0xFFFFC000  }
0x83: {  	[hbm4b:s30+s2] =	stream.linear.scatter [tilespmem:s12], [sflag:$0x9], $0x4000, $0x38;
	[tilespmem:$0xC300] =	vst v63  }
0x84: {  	_ =	swait.ge [sflag:s10], $0x4000  }
0x85: {  	s0 =	sshll.u32 s16, $0x3;
	[sflag:s10] =	ssyncset.done $0x0  }
0x86: {  	s31 =	sadd.s32 s31, s0;
	[sflag:s10] =	ssyncadd.s32 $0xFFFFC000  }
0x87: {  	[hbm4b:s31+s2] =	stream.linear.scatter [tilespmem:s7], [sflag:$0x7], $0x4000, $0x38;
	[tilespmem:$0xC300] =	vst v63  }
0x88: {  	_ =	swait.ge [sflag:s14], $0x4000  }
0x89: {  	s1 =	rddreg [dreg:$0xa]  }
0x8a: {  	s0 =	ssub.s32 $0x2, s1  }
0x8b: {  	s16 =	sshrl.u32 s0, $0x1  }
0x8c: {  	s0 =	ssub.s32 s0, s16  }
0x8d: {  	s0 =	smax.u32 s0, $0x1  }
0x8e: {  	[sflag:s14] =	ssyncset.done $0x0;
	p0 =	sne.s32 s0, $0x1  }
.Ltmp0:
0x8f: {  	[sflag:s14] =	ssyncadd.s32 $0xFFFFC000;
	(pc) =	sbr.rel @!p0 .LBB2_2-.Ltmp0, $4  }
0x90: {  	_ =	swait.ge [sflag:s18], $0x4000  }
0x91: {  	[sflag:s18] =	ssyncset.done $0x0  }
0x92: {  	[sflag:s18] =	ssyncadd.s32 $0xFFFFC000  }
0x93: {  	s1 =	sadd.s32 $0xFFFFFFFF, s0;
	_ =	swait.ge [sflag:s20], $0x4000  }
.LBB2_1:
0x94: {  	[sflag:s20] =	ssyncset.done $0x0  }
0x95: {  	s0 =	rddreg [dreg:$0x2];
	[sflag:s20] =	ssyncadd.s32 $0xFFFFC000  }
0x96: {  	[tilespmem:s2], [sflag:$0x1] =	stream.linear.gather [hbm4b:s0+s2], $0x100, $0x38;
	[tilespmem:$0xC300] =	vst v63  }
0x97: {  	s16 =	rddreg [dreg:$0x3]  }
0x98: {  	[tilespmem:s3], [sflag:$0x2] =	stream.linear.gather [hbm4b:s16+s2], $0x100, $0x38;
	[tilespmem:$0xC300] =	vst v63  }
0x99: {  	s0 =	rddreg [dreg:$0x4]  }
0x9a: {  	[tilespmem:s4], [sflag:$0x3] =	stream.linear.gather [hbm4b:s0+s2], $0x100, $0x38;
	[tilespmem:$0xC300] =	vst v63  }
0x9b: {  	_ =	swait.ge [sflag:s5], $0x100  }
0x9c: {  	[sflag:s5] =	ssyncset.done $0x0  }
0x9d: {  	[sflag:s5] =	ssyncadd.s32 $0xFFFFFF00  }
0x9e: {  	[tilespmem:s7], [sflag:$0x4] =	stream.indirect.gather [hbm4b:s6+s3], $0x40, s2, s3, $0xb8;
	[tilespmem:$0xC300] =	vst v63  }
0x9f: {  	_ =	swait.ge [sflag:s8], $0x100  }
0xa0: {  	[sflag:s8] =	ssyncset.done $0x0  }
0xa1: {  	[sflag:s8] =	ssyncadd.s32 $0xFFFFFF00  }
0xa2: {  	[tilespmem:s9], [sflag:$0x5] =	stream.indirect.gather [hbm4b:s6+s3], $0x40, s3, s3, $0xb8;
	[tilespmem:$0xC300] =	vst v63  }
0xa3: {  	_ =	swait.ge [sflag:s10], $0x4000  }
0xa4: {  	[sflag:s10] =	ssyncset.done $0x0  }
0xa5: {  	s0 =	rddreg [dreg:$0x5];
	[sflag:s10] =	ssyncadd.s32 $0xFFFFC000  }
0xa6: {  	[hbm4b:s0+s2] =	stream.linear.scatter [tilespmem:s7], [sflag:$0x7], $0x4000, $0x38;
	[tilespmem:$0xC300] =	vst v63  }
0xa7: {  	s16 =	rddreg [dreg:$0x6]  }
0xa8: {  	[tilespmem:s2], [sflag:$0x1] =	stream.linear.gather [hbm4b:s16+s2], $0x100, $0x38;
	[tilespmem:$0xC300] =	vst v63  }
0xa9: {  	_ =	swait.ge [sflag:s11], $0x100  }
0xaa: {  	[sflag:s11] =	ssyncset.done $0x0  }
0xab: {  	[sflag:s11] =	ssyncadd.s32 $0xFFFFFF00  }
0xac: {  	[tilespmem:s12], [sflag:$0x6] =	stream.indirect.gather [hbm4b:s6+s3], $0x40, s4, s3, $0xb8;
	[tilespmem:$0xC300] =	vst v63  }
0xad: {  	_ =	swait.ge [sflag:s13], $0x4000  }
0xae: {  	[sflag:s13] =	ssyncset.done $0x0  }
0xaf: {  	s0 =	rddreg [dreg:$0x7];
	[sflag:s13] =	ssyncadd.s32 $0xFFFFC000  }
0xb0: {  	[hbm4b:s0+s2] =	stream.linear.scatter [tilespmem:s9], [sflag:$0x8], $0x4000, $0x38;
	[tilespmem:$0xC300] =	vst v63  }
0xb1: {  	s16 =	rddreg [dreg:$0x8]  }
0xb2: {  	[tilespmem:s3], [sflag:$0x2] =	stream.linear.gather [hbm4b:s16+s2], $0x100, $0x38;
	[tilespmem:$0xC300] =	vst v63  }
0xb3: {  	_ =	swait.ge [sflag:s14], $0x4000  }
0xb4: {  	[sflag:s14] =	ssyncset.done $0x0  }
0xb5: {  	[sflag:s14] =	ssyncadd.s32 $0xFFFFC000  }
0xb6: {  	_ =	swait.ge [sflag:s5], $0x100  }
0xb7: {  	[sflag:s5] =	ssyncset.done $0x0  }
0xb8: {  	[sflag:s5] =	ssyncadd.s32 $0xFFFFFF00  }
0xb9: {  	[tilespmem:s7], [sflag:$0x4] =	stream.indirect.gather [hbm4b:s6+s3], $0x40, s2, s3, $0xb8;
	[tilespmem:$0xC300] =	vst v63  }
0xba: {  	_ =	swait.ge [sflag:s15], $0x4000  }
0xbb: {  	[sflag:s15] =	ssyncset.done $0x0  }
0xbc: {  	s16 =	rddreg [dreg:$0x9];
	[sflag:s15] =	ssyncadd.s32 $0xFFFFC000  }
0xbd: {  	[hbm4b:s16+s2] =	stream.linear.scatter [tilespmem:s12], [sflag:$0x9], $0x4000, $0x38;
	[tilespmem:$0xC300] =	vst v63  }
0xbe: {  	_ = 	snop  }
0xbf: {  	[tilespmem:s4], [sflag:$0x3] =	stream.linear.gather [hbm4b:s17+s2], $0x100, $0x38;
	[tilespmem:$0xC300] =	vst v63  }
0xc0: {  	_ =	swait.ge [sflag:s18], $0x4000  }
0xc1: {  	[sflag:s18] =	ssyncset.done $0x0  }
0xc2: {  	[sflag:s18] =	ssyncadd.s32 $0xFFFFC000  }
0xc3: {  	_ =	swait.ge [sflag:s8], $0x100  }
0xc4: {  	[sflag:s8] =	ssyncset.done $0x0  }
0xc5: {  	[sflag:s8] =	ssyncadd.s32 $0xFFFFFF00  }
0xc6: {  	[tilespmem:s9], [sflag:$0x5] =	stream.indirect.gather [hbm4b:s6+s3], $0x40, s3, s3, $0xb8;
	[tilespmem:$0xC300] =	vst v63  }
0xc7: {  	_ =	swait.ge [sflag:s10], $0x4000  }
0xc8: {  	[sflag:s10] =	ssyncset.done $0x0  }
0xc9: {  	[sflag:s10] =	ssyncadd.s32 $0xFFFFC000  }
0xca: {  	[hbm4b:s19+s2] =	stream.linear.scatter [tilespmem:s7], [sflag:$0x7], $0x4000, $0x38;
	[tilespmem:$0xC300] =	vst v63  }
0xcb: {  	_ = 	snop  }
0xcc: {  	[tilespmem:s2], [sflag:$0x1] =	stream.linear.gather [hbm4b:s21+s2], $0x100, $0x38;
	[tilespmem:$0xC300] =	vst v63  }
0xcd: {  	_ =	swait.ge [sflag:s20], $0x4000  }
0xce: {  	[sflag:s20] =	ssyncset.done $0x0  }
0xcf: {  	[sflag:s20] =	ssyncadd.s32 $0xFFFFC000  }
0xd0: {  	_ =	swait.ge [sflag:s11], $0x100  }
0xd1: {  	[sflag:s11] =	ssyncset.done $0x0  }
0xd2: {  	[sflag:s11] =	ssyncadd.s32 $0xFFFFFF00  }
0xd3: {  	[tilespmem:s12], [sflag:$0x6] =	stream.indirect.gather [hbm4b:s6+s3], $0x40, s4, s3, $0xb8;
	[tilespmem:$0xC300] =	vst v63  }
0xd4: {  	_ =	swait.ge [sflag:s13], $0x4000  }
0xd5: {  	[sflag:s13] =	ssyncset.done $0x0  }
0xd6: {  	[sflag:s13] =	ssyncadd.s32 $0xFFFFC000  }
0xd7: {  	[hbm4b:s22+s2] =	stream.linear.scatter [tilespmem:s9], [sflag:$0x8], $0x4000, $0x38;
	[tilespmem:$0xC300] =	vst v63  }
0xd8: {  	_ = 	snop  }
0xd9: {  	[tilespmem:s3], [sflag:$0x2] =	stream.linear.gather [hbm4b:s23+s2], $0x100, $0x38;
	[tilespmem:$0xC300] =	vst v63  }
0xda: {  	_ =	swait.ge [sflag:s14], $0x4000  }
0xdb: {  	[sflag:s14] =	ssyncset.done $0x0  }
0xdc: {  	[sflag:s14] =	ssyncadd.s32 $0xFFFFC000  }
0xdd: {  	_ =	swait.ge [sflag:s5], $0x100  }
0xde: {  	[sflag:s5] =	ssyncset.done $0x0  }
0xdf: {  	[sflag:s5] =	ssyncadd.s32 $0xFFFFFF00  }
0xe0: {  	[tilespmem:s7], [sflag:$0x4] =	stream.indirect.gather [hbm4b:s6+s3], $0x40, s2, s3, $0xb8;
	[tilespmem:$0xC300] =	vst v63  }
0xe1: {  	_ =	swait.ge [sflag:s15], $0x4000  }
0xe2: {  	[sflag:s15] =	ssyncset.done $0x0  }
0xe3: {  	[sflag:s15] =	ssyncadd.s32 $0xFFFFC000  }
0xe4: {  	[hbm4b:s24+s2] =	stream.linear.scatter [tilespmem:s12], [sflag:$0x9], $0x4000, $0x38;
	[tilespmem:$0xC300] =	vst v63  }
0xe5: {  	_ = 	snop  }
0xe6: {  	[tilespmem:s4], [sflag:$0x3] =	stream.linear.gather [hbm4b:s25+s2], $0x100, $0x38;
	[tilespmem:$0xC300] =	vst v63  }
0xe7: {  	_ =	swait.ge [sflag:s18], $0x4000  }
0xe8: {  	[sflag:s18] =	ssyncset.done $0x0  }
0xe9: {  	[sflag:s18] =	ssyncadd.s32 $0xFFFFC000  }
0xea: {  	_ =	swait.ge [sflag:s8], $0x100  }
0xeb: {  	[sflag:s8] =	ssyncset.done $0x0  }
0xec: {  	[sflag:s8] =	ssyncadd.s32 $0xFFFFFF00  }
0xed: {  	[tilespmem:s9], [sflag:$0x5] =	stream.indirect.gather [hbm4b:s6+s3], $0x40, s3, s3, $0xb8;
	[tilespmem:$0xC300] =	vst v63  }
0xee: {  	_ =	swait.ge [sflag:s10], $0x4000  }
0xef: {  	[sflag:s10] =	ssyncset.done $0x0  }
0xf0: {  	[sflag:s10] =	ssyncadd.s32 $0xFFFFC000  }
0xf1: {  	[hbm4b:s26+s2] =	stream.linear.scatter [tilespmem:s7], [sflag:$0x7], $0x4000, $0x38;
	[tilespmem:$0xC300] =	vst v63  }
0xf2: {  	_ = 	snop  }
0xf3: {  	[tilespmem:s2], [sflag:$0x1] =	stream.linear.gather [hbm4b:s28+s2], $0x100, $0x38;
	[tilespmem:$0xC300] =	vst v63  }
0xf4: {  	_ =	swait.ge [sflag:s20], $0x4000  }
0xf5: {  	[sflag:s20] =	ssyncset.done $0x0  }
0xf6: {  	[sflag:s20] =	ssyncadd.s32 $0xFFFFC000  }
0xf7: {  	_ =	swait.ge [sflag:s11], $0x100  }
0xf8: {  	[sflag:s11] =	ssyncset.done $0x0  }
0xf9: {  	[sflag:s11] =	ssyncadd.s32 $0xFFFFFF00  }
0xfa: {  	[tilespmem:s12], [sflag:$0x6] =	stream.indirect.gather [hbm4b:s6+s3], $0x40, s4, s3, $0xb8;
	[tilespmem:$0xC300] =	vst v63  }
0xfb: {  	_ =	swait.ge [sflag:s13], $0x4000  }
0xfc: {  	[sflag:s13] =	ssyncset.done $0x0  }
0xfd: {  	[sflag:s13] =	ssyncadd.s32 $0xFFFFC000  }
0xfe: {  	[hbm4b:s29+s2] =	stream.linear.scatter [tilespmem:s9], [sflag:$0x8], $0x4000, $0x38;
	[tilespmem:$0xC300] =	vst v63  }
0xff: {  	_ =	swait.ge [sflag:s14], $0x4000  }
0x100: {  	[sflag:s14] =	ssyncset.done $0x0  }
0x101: {  	[sflag:s14] =	ssyncadd.s32 $0xFFFFC000  }
0x102: {  	_ =	swait.ge [sflag:s5], $0x100  }
0x103: {  	[sflag:s5] =	ssyncset.done $0x0  }
0x104: {  	[sflag:s5] =	ssyncadd.s32 $0xFFFFFF00  }
0x105: {  	[tilespmem:s7], [sflag:$0x4] =	stream.indirect.gather [hbm4b:s6+s3], $0x40, s2, s3, $0xb8;
	[tilespmem:$0xC300] =	vst v63  }
0x106: {  	_ =	swait.ge [sflag:s15], $0x4000  }
0x107: {  	[sflag:s15] =	ssyncset.done $0x0  }
0x108: {  	[sflag:s15] =	ssyncadd.s32 $0xFFFFC000  }
0x109: {  	[hbm4b:s30+s2] =	stream.linear.scatter [tilespmem:s12], [sflag:$0x9], $0x4000, $0x38;
	[tilespmem:$0xC300] =	vst v63  }
0x10a: {  	_ =	swait.ge [sflag:s10], $0x4000  }
0x10b: {  	[sflag:s10] =	ssyncset.done $0x0  }
0x10c: {  	[sflag:s10] =	ssyncadd.s32 $0xFFFFC000  }
0x10d: {  	[hbm4b:s31+s2] =	stream.linear.scatter [tilespmem:s7], [sflag:$0x7], $0x4000, $0x38;
	[tilespmem:$0xC300] =	vst v63  }
0x10e: {  	_ =	swait.ge [sflag:s14], $0x4000  }
0x10f: {  	p0 =	sne.s32 s1, $0x1;
	[sflag:s14] =	ssyncset.done $0x0  }
.Ltmp1:
0x110: {  	[sflag:s14] =	ssyncadd.s32 $0xFFFFC000;
	(pc) =	sbr.rel @p0 .LBB2_1-.Ltmp1, $4  }
0x111: {  	_ =	swait.ge [sflag:s18], $0x4000  }
0x112: {  	[sflag:s18] =	ssyncset.done $0x0  }
0x113: {  	[sflag:s18] =	ssyncadd.s32 $0xFFFFC000  }
0x114: {  	s1 =	sadd.s32 $0xFFFFFFFF, s1;
	_ =	swait.ge [sflag:s20], $0x4000  }
.LBB2_2:
0x115: {  	[sflag:s20] =	ssyncset.done $0x0  }
0x116: {  	[sflag:s20] =	ssyncadd.s32 $0xFFFFC000  }
0x117: {  	_ =	sfence.sel $0x180000  }
0x118: {  	[bflag:$0x0] =	sbarrier.arrive $0xFFFF  }
0x119: {  	_ =	strace $0x9000004A  }
0x11a: {  	s0 =	stileid.u32;
	[bflag:$0x2] =	sbarrier.arrive $0xFFFF  }
0x11b: {  	p0 =	sne.s32 s0, $0x0;
	s0 =	rddreg [dreg:$0x1]  }
0x11c: {  	s0 =	sadd.s32 @!p0 $0x100000, s0  }
0x11d: {  	[sflag:s0] =	ssyncadd.tile.s32 @!p0 $0x1;
	_ =	shalt  }
.Lfunc_end2:
_tile_overlayer_lowered:
.L_overlay_start_2:
0x11e: {  	(tag) =	ssettag $0x2  }
0x11f: {  	s0 =	rddreg [dreg:$0x0];
	s2 =	stileid.u32  }
0x120: {  	s1 =	rddreg [dreg:$0x1];
	p0 =	sne.s32 s2, $0x0  }
0x121: {  	s3 =	rddreg [dreg:$0x2];
	[bflag:$0x3] =	sbarrier.arrive $0xFFFF;
	s2 =	simm.s32 @!p0 $0x1C0A  }
0x122: {  	[timem:s3], [sflag:s2] =	dma.local @!p0 [hbm:s0], s1  }
0x123: {  	s0 =	simm.s32 @!p0 $0xA  }
0x124: {  	_ =	swait.ge @!p0 [sflag:s0], s1  }
0x125: {  	s1 =	ssub.s32 @!p0 $0x0, s1;
	[sflag:s0] =	ssyncset.done @!p0 $0x0  }
0x126: {  	[sflag:s0] =	ssyncadd.s32 @!p0 s1  }
0x127: {  	[bflag:$0x3] =	sbarrier.arrive $0xFFFF  }
0x128: {  	_ =	shalt  }

// kernel: kernel.7.cloned.1.call-start
scs
__scs_entry_jumppad:
0x0: {  	(pc) =	sbr.rel $0x88, $3  }
0x1: {  	(tag) =	ssettag $0x0;
	lr =	simm.s32 $0x1  }
0x2: {  	[smem:$0x3F96] =	sst lr;
	_ =	strace $0xD0000000  }
0x3: {  	_ = 	snop  }
0x4: {  	_ = 	snop  }
0x5: {  	_ = 	snop  }
0x6: {  	_ = 	snop  }
0x7: {  	_ = 	snop  }
__scs_overlays_trampoline_lowered:
0x8: {  	[smem:$0x3FA5] =	sst s0  }
0x9: {  	[smem:$0x3FA6] =	sst s1  }
0xa: {  	[smem:$0x3FA7] =	sst s2  }
0xb: {  	[smem:$0x3FA8] =	sst s3  }
0xc: {  	[smem:$0x3FA9] =	sst s4  }
0xd: {  	[smem:$0x3FAA] =	sst s5  }
0xe: {  	[smem:$0x3FAB] =	sst s6  }
0xf: {  	[smem:$0x3FAC] =	sst s7  }
0x10: {  	[smem:$0x3FAD] =	sst s8  }
0x11: {  	[smem:$0x3FAE] =	sst s9;
	s0 =	simm.s32 @!p0 $0x0  }
0x12: {  	s1 =	sld [smem:$0x3F94];
	s0 =	simm.s32 @p0 $0x1  }
0x13: {  	[smem:$0x3FAF] =	sst s0;
	s0 =	simm.s32 @!p1 $0x0  }
0x14: {  	s2 =	sld [smem:$0x3F93];
	s0 =	simm.s32 @p1 $0x1  }
0x15: {  	[smem:$0x3FB0] =	sst s0;
	s0 =	simm.s32 @!p2 $0x0  }
0x16: {  	s3 =	sld [smem:$0x3FDB];
	s0 =	simm.s32 @p2 $0x1  }
0x17: {  	s4 =	simm.s32 $0x1BF5;
	[smem:$0x3FB2] =	sst s0  }
0x18: {  	s0 =	sld [smem:$0x3F95];
	_ =	swait.ge [sflag:s4], $0x0  }
0x19: {  	s7 =	sld [smem:$0x3F96]  }
0x1a: {  	s8 =	sadd.s32 $0xFFFFE003, lr  }
0x1b: {  	s9 =	sadd.s32 $0xFFFFFEF7, lr;
	s5 =	simm.s32 $0xFFFFFFFF;
	p2 =	slt.u32 s8, $0xFFFFF086  }
0x1c: {  	p1 =	slt.u32 s9, $0xF7A;
	s5 =	simm.s32 @!p2 $0x0  }
0x1d: {  	s5 =	simm.s32 @p1 $0x1;
	p0 =	seq.s32 s7, s2  }
0x1e: {  	s7 =	smul.u32 @!p0 $0xF7A, s2;
	p2 =	seq.s32 @!p0 s5, $0x0  }
0x1f: {  	s9 =	smul.u32 $0xF7A, s1;
	s8 =	simm.s32 @!p0 $0x1BF5;
	p2 =	por !p2, p0  }
0x20: {  	[sflag:s8] =	ssyncset.s32 @!p0 $0xFFFFF086;
	s6 =	sadd.s32 @!p0 s3, s7;
	s7 =	simm.s32 @!p0 $0x108  }
0x21: {  	s3 =	sadd.s32 s3, s9;
	s6 =	sadd.s32 @!p0 $0x88, s6;
	s7 =	simm.s32 @p2 $0x1082  }
0x22: {  	[simem:s7], [sflag:s8] =	dma.local @!p0 [hbm:s6], $0xF7A  }
0x23: {  	s9 =	sor.u32 $0xD0000000, s2;
	s6 =	simm.s32 $0x108;
	_ =	swait.ge @!p0 [sflag:s8], $0x0  }
0x24: {  	s3 =	sadd.s32 $0x88, s3;
	s6 =	simm.s32 @!p1 $0x1082;
	[sflag:s4] =	ssyncset.s32 $0xFFFFF086  }
0x25: {  	[simem:s6], [sflag:s4] =	dma.local [hbm:s3], $0xF7A  }
0x26: {  	[smem:$0x3F96] =	sst s1;
	(tag) =	ssettag s2;
	_ =	strace s9  }
0x27: {  	s1 =	sld [smem:$0x3FA6]  }
0x28: {  	s2 =	sld [smem:$0x3FA7]  }
0x29: {  	s4 =	sld [smem:$0x3FA9]  }
0x2a: {  	p0 =	seq.s32 s5, $0x0;
	s5 =	sld [smem:$0x3FAA]  }
0x2b: {  	s6 =	sld [smem:$0x3FAB]  }
0x2c: {  	s7 =	sld [smem:$0x3FAC]  }
0x2d: {  	s3 =	simm.s32 $0x108;
	s8 =	sld [smem:$0x3FAD]  }
0x2e: {  	s3 =	simm.s32 @!p0 $0x1082;
	s9 =	sld [smem:$0x3FAE]  }
0x2f: {  	lr =	sadd.s32 s0, s3;
	s0 =	sld [smem:$0x3FA5]  }
0x30: {  	s3 =	sld [smem:$0x3FA8]  }
0x31: {  	[smem:$0x3FB1] =	sst s10  }
0x32: {  	s10 =	sld [smem:$0x3FAF];
	_ =	sdelay $0x3  }
0x33: {  	p0 =	seq.s32 s10, $0x1;
	s10 =	sld [smem:$0x3FB1];
	_ =	sdelay $0x3  }
0x34: {  	[smem:$0x3FB1] =	sst s10  }
0x35: {  	s10 =	sld [smem:$0x3FB0];
	_ =	sdelay $0x3  }
0x36: {  	p1 =	seq.s32 s10, $0x1;
	s10 =	sld [smem:$0x3FB1];
	_ =	sdelay $0x3  }
0x37: {  	[smem:$0x3FB1] =	sst s10  }
0x38: {  	s10 =	sld [smem:$0x3FB2]  }
0x39: {  	_ = 	snop;
	(pc) =	sbr.ind lr, $3  }
0x3a: {  	_ = 	snop  }
0x3b: {  	_ = 	snop  }
0x3c: {  	p2 =	seq.s32 s10, $0x1;
	s10 =	sld [smem:$0x3FB1]  }
0x3d: {  	_ =	shalt  }
0x3e: {  	_ =	shalt  }
0x3f: {  	_ =	shalt  }
0x40: {  	_ =	shalt  }
0x41: {  	_ =	shalt  }
0x42: {  	_ =	shalt  }
0x43: {  	_ =	shalt  }
0x44: {  	_ =	shalt  }
0x45: {  	_ =	shalt  }
0x46: {  	_ =	shalt  }
0x47: {  	_ =	shalt  }
0x48: {  	_ =	shalt  }
0x49: {  	_ =	shalt  }
0x4a: {  	_ =	shalt  }
0x4b: {  	_ =	shalt  }
0x4c: {  	_ =	shalt  }
0x4d: {  	_ =	shalt  }
0x4e: {  	_ =	shalt  }
0x4f: {  	_ =	shalt  }
0x50: {  	_ =	shalt  }
0x51: {  	_ =	shalt  }
0x52: {  	_ =	shalt  }
0x53: {  	_ =	shalt  }
0x54: {  	_ =	shalt  }
0x55: {  	_ =	shalt  }
0x56: {  	_ =	shalt  }
0x57: {  	_ =	shalt  }
0x58: {  	_ =	shalt  }
0x59: {  	_ =	shalt  }
0x5a: {  	_ =	shalt  }
0x5b: {  	_ =	shalt  }
0x5c: {  	_ =	shalt  }
0x5d: {  	_ =	shalt  }
0x5e: {  	_ =	shalt  }
0x5f: {  	_ =	shalt  }
0x60: {  	_ =	shalt  }
0x61: {  	_ =	shalt  }
0x62: {  	_ =	shalt  }
0x63: {  	_ =	shalt  }
0x64: {  	_ =	shalt  }
0x65: {  	_ =	shalt  }
0x66: {  	_ =	shalt  }
0x67: {  	_ =	shalt  }
0x68: {  	_ =	shalt  }
0x69: {  	_ =	shalt  }
0x6a: {  	_ =	shalt  }
0x6b: {  	_ =	shalt  }
0x6c: {  	_ =	shalt  }
0x6d: {  	_ =	shalt  }
0x6e: {  	_ =	shalt  }
0x6f: {  	_ =	shalt  }
0x70: {  	_ =	shalt  }
0x71: {  	_ =	shalt  }
0x72: {  	_ =	shalt  }
0x73: {  	_ =	shalt  }
0x74: {  	_ =	shalt  }
0x75: {  	_ =	shalt  }
0x76: {  	_ =	shalt  }
0x77: {  	_ =	shalt  }
0x78: {  	_ =	shalt  }
0x79: {  	_ =	shalt  }
0x7a: {  	_ =	shalt  }
0x7b: {  	_ =	shalt  }
0x7c: {  	_ =	shalt  }
0x7d: {  	_ =	shalt  }
0x7e: {  	_ =	shalt  }
0x7f: {  	_ =	shalt  }
0x80: {  	_ =	shalt  }
0x81: {  	_ =	shalt  }
0x82: {  	_ =	shalt  }
0x83: {  	_ =	shalt  }
0x84: {  	_ =	shalt  }
0x85: {  	_ =	shalt  }
0x86: {  	_ =	shalt  }
0x87: {  	_ =	shalt  }
.Lfunc_end0:
.L_simem_size_0:
called_computation_lowered:
.L_overlay_start_0:
0x88: {  	s2 =	sld [smem:$0x3FD9]  }
0x89: {  	s3 =	sld [smem:$0x3FFE];
	_ =	sdelay $0x1  }
0x8a: {  	s1 =	srdreg.scid  }
0x8b: {  	s0 =	sand.u32 $0x1, s1  }
0x8c: {  	s16 =	sshll.u32 s0, $0xA;
	s2 =	sadd.s32 s3, s2  }
0x8d: {  	s2 =	sadd.s32 s2, s16  }
0x8e: {  	[smem:$0x3FBD] =	sst s2  }
0x8f: {  	_ = 	snop  }
0x90: {  	(tm) =	ssettm $0x1  }
0x91: {  	s17 =	sld [smem:$0x3FFB];
	_ =	sdelay $0x3  }
0x92: {  	_ =	strace s17  }
0x93: {  	s2 =	sld [smem:$0x3FFC];
	_ =	sdelay $0x3  }
0x94: {  	_ =	strace s2  }
0x95: {  	s2 =	sld [smem:$0x3FFD];
	_ =	sdelay $0x3  }
0x96: {  	_ =	strace s2  }
0x97: {  	_ =	strace $0x8FFFFFFF  }
0x98: {  	s18 =	sld [smem:$0x3FDB];
	_ =	sdelay $0x1  }
0x99: {  	s19 =	simm.s32 $_scs_section_size  }
0x9a: {  	s4 =	simm.s32 $_size__tile_overlayer_lowered;
	s5 =	simm.s32 $_tile_overlayer_lowered  }
0x9b: {  	s22 =	simm.s32 $0x1BFF;
	s21 =	sshll.u32 s5, $0x1;
	s2 =	sadd.s32 s19, s18  }
0x9c: {  	s6 =	simm.s32 $0x0;
	s20 =	sshll.u32 s4, $0x1;
	s4 =	sadd.s32 s21, s2  }
0x9d: {  	[timem:s6], [sflag:s22] =	dma.local [hbm:s4], s20  }
0x9e: {  	_ =	swait.ge [sflag:s22], s20  }
0x9f: {  	s3 =	ssub.s32 $0x0, s20;
	[sflag:s22] =	ssyncset.done $0x0  }
0xa0: {  	[sflag:s22] =	ssyncadd.s32 s3;
	_ =	sdelay $0x1  }
0xa1: {  	s23 =	simm.s32 $0x1B8B  }
0xa2: {  	_ =	swait.ge [sflag:s23], $0x1  }
0xa3: {  	[sflag:s23] =	ssyncset.done $0x0  }
0xa4: {  	s25 =	simm.s32 $0x1B8E;
	s24 =	sld [smem:$0x3FFE];
	[sflag:s23] =	ssyncadd.s32 $0xFFFFFFFF  }
0xa5: {  	s26 =	simm.s32 $execute0_lowered;
	[smem:$0x3FD2] =	sst s25  }
0xa6: {  	s4 =	sshll.u32 s26, $0x1;
	_ =	strace $0x80000046;
	[dreg:$0x1] =	wrdreg $0xFFFFFFFF  }
0xa7: {  	s28 =	simm.s32 $_size_execute0_lowered;
	s2 =	sadd.s32 s2, s4;
	[dreg:$0x0] =	wrdreg $0x0  }
0xa8: {  	s4 =	sshll.u32 s28, $0x1;
	[dreg:$0x2] =	wrdreg s2  }
0xa9: {  	[dreg:$0x3] =	wrdreg s4  }
0xaa: {  	[dreg:$0x4] =	wrdreg $0xC0  }
0xab: {  	_ =	task [dreg:s6], $0x5FFFF  }
0xac: {  	[dreg:$0x1] =	wrdreg $0xFFFFFFFF  }
0xad: {  	[dreg:$0x0] =	wrdreg $0x60  }
0xae: {  	[dreg:$0x2] =	wrdreg s24  }
0xaf: {  	[dreg:$0x3] =	wrdreg $0x9  }
0xb0: {  	_ =	task.clear_ibuf [dreg:s6], $0x4FFFF;
	_ =	strace $0x90000046  }
0xb1: {  	s29 =	simm.s32 $0x9;
	_ =	strace $0x80000048  }
0xb2: {  	_ =	swait.ge [sflag:s29], $0x1  }
0xb3: {  	[sflag:s29] =	ssyncadd.s32 $0xFFFFFFFF  }
0xb4: {  	_ =	strace $0x90000048  }
0xb5: {  	_ =	sfence  }
0xb6: {  	s30 =	sld [smem:$0x0];
	_ =	sdelay $0x2  }
0xb7: {  	s31 =	sshll.u32 s1, $0xD;
	s1 =	sshrl.u32 s1, $0x2  }
0xb8: {  	s3 =	sand.u32 $0x4000, s31;
	s1 =	sadd.s32 s1, s30  }
0xb9: {  	s0 =	sor.u32 s3, s0;
	s1 =	sshll.u32 s1, $0x11  }
0xba: {  	s0 =	sor.u32 s1, s0  }
0xbb: {  	s0 =	sadd.s32 $0x8F2B, s0  }
0xbc: {  	[sflag:s0] =	ssyncadd.remote.s32 $0x1  }
0xbd: {  	_ =	sfence.sel $0xFFFF  }
0xbe: {  	[dreg:$0x0] =	wrdreg $0xFFFFFFFF;
	(pc) =	sbr.abs _section_cstart, $3  }
0xbf: {  	[dreg:$0x1] =	wrdreg $0xFFFFFFFF  }
0xc0: {  	_ =	task.clear_ibuf [dreg:s6], $0x2FFFF;
	_ =	strace $0x9FFFFFFF  }
0xc1: {  	(tm) =	ssettm $0x7FFFFFFF  }
tec
execute0_lowered:
.L_overlay_start_1:
0x0: {  	(tag) =	ssettag $0x1  }
0x1: {  	s1 =	srdreg.scid;
	s0 =	stileid.u32  }
0x2: {  	s6 =	rddreg [dreg:$0x0];
	s1 =	sand.u32 $0x1, s1;
	s2 =	sshll.u32 s0, $0x1  }
0x3: {  	s28 =	sadd.s32 $0x2400, s6;
	s3 =	sor.u32 s1, s2  }
0x4: {  	[dreg:$0xa] =	wrdreg s1;
	s2 =	simm.s32 $0x0;
	s29 =	smul.u32 $0xA00, s3  }
0x5: {  	s31 =	sadd.s32 $0xEC00, s6;
	[smem:$0x7FF] =	sst s2;
	s3 =	smul.u32 $0x2800, s3  }
0x6: {  	_ =	strace $0x80000047;
	s4 =	sshrl.u32 s29, $0x3;
	s5 =	sor.u32 $0x100, s29  }
0x7: {  	s16 =	sadd.s32 $0x200, s29;
	s19 =	sadd.s32 $0x300, s29;
	s3 =	sadd.s32 s31, s3  }
0x8: {  	s4 =	sadd.s32 s28, s4;
	s10 =	sshrl.u32 s5, $0x3;
	[dreg:$0x5] =	wrdreg s3  }
0x9: {  	s7 =	sshrl.u32 s16, $0x3;
	[dreg:$0x2] =	wrdreg s4;
	s4 =	sadd.s32 s28, s10  }
0xa: {  	s12 =	sshrl.u32 s19, $0x3;
	s11 =	sadd.s32 s28, s7;
	[dreg:$0x3] =	wrdreg s4  }
0xb: {  	s13 =	sadd.s32 s28, s12;
	[dreg:$0x4] =	wrdreg s11  }
0xc: {  	s22 =	sadd.s32 $0x400, s29;
	s14 =	sshll.u32 s5, $0x2;
	[dreg:$0x6] =	wrdreg s13  }
0xd: {  	s17 =	sshrl.u32 s22, $0x3;
	s3 =	sadd.s32 s31, s14;
	s15 =	rddreg [dreg:$0x2]  }
0xe: {  	s20 =	sadd.s32 s28, s17;
	[dreg:$0x7] =	wrdreg s3  }
0xf: {  	[dreg:$0x8] =	wrdreg s20  }
0x10: {  	[tilespmem:s2], [sflag:$0x1] =	stream.linear.gather [hbm4b:s15+s2], $0x100, $0x38;
	[tilespmem:$0x6300] =	vst v63  }
0x11: {  	s3 =	simm.s32 $0x100;
	s18 =	rddreg [dreg:$0x3]  }
0x12: {  	[tilespmem:s3], [sflag:$0x2] =	stream.linear.gather [hbm4b:s18+s2], $0x100, $0x38;
	[tilespmem:$0x6300] =	vst v63  }
0x13: {  	s5 =	simm.s32 $0x1;
	s4 =	simm.s32 $0x200;
	s21 =	rddreg [dreg:$0x4]  }
0x14: {  	[tilespmem:s4], [sflag:$0x3] =	stream.linear.gather [hbm4b:s21+s2], $0x100, $0x38;
	[tilespmem:$0x6300] =	vst v63  }
0x15: {  	_ =	swait.ge [sflag:s5], $0x100  }
0x16: {  	s8 =	simm.s32 $0x2;
	[sflag:s5] =	ssyncset.done $0x0  }
0x17: {  	s6 =	sadd.s32 $0x4C00, s6;
	s7 =	simm.s32 $0x300;
	[sflag:s5] =	ssyncadd.s32 $0xFFFFFF00  }
0x18: {  	[tilespmem:s7], [sflag:$0x4] =	stream.indirect.gather [hbm4b:s6+s3], $0x20, s2, s3, $0xb8;
	[tilespmem:$0x6300] =	vst v63  }
0x19: {  	_ =	swait.ge [sflag:s8], $0x100  }
0x1a: {  	[sflag:s8] =	ssyncset.done $0x0  }
0x1b: {  	s9 =	simm.s32 $0x2300;
	s10 =	simm.s32 $0x4;
	[sflag:s8] =	ssyncadd.s32 $0xFFFFFF00  }
0x1c: {  	[tilespmem:s9], [sflag:$0x5] =	stream.indirect.gather [hbm4b:s6+s3], $0x20, s3, s3, $0xb8;
	[tilespmem:$0x6300] =	vst v63  }
0x1d: {  	_ =	swait.ge [sflag:s10], $0x2000  }
0x1e: {  	[sflag:s10] =	ssyncset.done $0x0  }
0x1f: {  	s11 =	rddreg [dreg:$0x5];
	[sflag:s10] =	ssyncadd.s32 $0xFFFFE000  }
0x20: {  	[hbm4b:s11+s2] =	stream.linear.scatter [tilespmem:s7], [sflag:$0x7], $0x2000, $0x38;
	[tilespmem:$0x6300] =	vst v63  }
0x21: {  	s12 =	rddreg [dreg:$0x6];
	s11 =	simm.s32 $0x3  }
0x22: {  	[tilespmem:s2], [sflag:$0x1] =	stream.linear.gather [hbm4b:s12+s2], $0x100, $0x38;
	[tilespmem:$0x6300] =	vst v63  }
0x23: {  	_ =	swait.ge [sflag:s11], $0x100  }
0x24: {  	[sflag:s11] =	ssyncset.done $0x0  }
0x25: {  	s13 =	simm.s32 $0x5;
	s12 =	simm.s32 $0x4300;
	[sflag:s11] =	ssyncadd.s32 $0xFFFFFF00  }
0x26: {  	[tilespmem:s12], [sflag:$0x6] =	stream.indirect.gather [hbm4b:s6+s3], $0x20, s4, s3, $0xb8;
	[tilespmem:$0x6300] =	vst v63  }
0x27: {  	_ =	swait.ge [sflag:s13], $0x2000  }
0x28: {  	[sflag:s13] =	ssyncset.done $0x0  }
0x29: {  	s14 =	rddreg [dreg:$0x7];
	[sflag:s13] =	ssyncadd.s32 $0xFFFFE000  }
0x2a: {  	[hbm4b:s14+s2] =	stream.linear.scatter [tilespmem:s9], [sflag:$0x8], $0x2000, $0x38;
	[tilespmem:$0x6300] =	vst v63  }
0x2b: {  	s15 =	rddreg [dreg:$0x8];
	s14 =	simm.s32 $0x7  }
0x2c: {  	[tilespmem:s3], [sflag:$0x2] =	stream.linear.gather [hbm4b:s15+s2], $0x100, $0x38;
	[tilespmem:$0x6300] =	vst v63  }
0x2d: {  	_ =	swait.ge [sflag:s14], $0x2000  }
0x2e: {  	[sflag:s14] =	ssyncset.done $0x0  }
0x2f: {  	[sflag:s14] =	ssyncadd.s32 $0xFFFFE000  }
0x30: {  	_ =	swait.ge [sflag:s5], $0x100  }
0x31: {  	[sflag:s5] =	ssyncset.done $0x0  }
0x32: {  	s15 =	simm.s32 $0x6;
	[sflag:s5] =	ssyncadd.s32 $0xFFFFFF00  }
0x33: {  	[tilespmem:s7], [sflag:$0x4] =	stream.indirect.gather [hbm4b:s6+s3], $0x20, s2, s3, $0xb8;
	[tilespmem:$0x6300] =	vst v63  }
0x34: {  	_ =	swait.ge [sflag:s15], $0x2000  }
0x35: {  	s24 =	sadd.s32 $0x500, s29;
	s16 =	sshll.u32 s16, $0x2;
	[sflag:s15] =	ssyncset.done $0x0  }
0x36: {  	s25 =	sshrl.u32 s24, $0x3;
	s23 =	sadd.s32 s31, s16;
	[sflag:s15] =	ssyncadd.s32 $0xFFFFE000  }
0x37: {  	[hbm4b:s23+s2] =	stream.linear.scatter [tilespmem:s12], [sflag:$0x9], $0x2000, $0x38;
	[tilespmem:$0x6300] =	vst v63  }
0x38: {  	s26 =	sadd.s32 s28, s25;
	s18 =	simm.s32 $0x8;
	[dreg:$0x9] =	wrdreg s23  }
0x39: {  	[tilespmem:s4], [sflag:$0x3] =	stream.linear.gather [hbm4b:s26+s2], $0x100, $0x38;
	[tilespmem:$0x6300] =	vst v63  }
0x3a: {  	_ =	swait.ge [sflag:s18], $0x2000  }
0x3b: {  	[sflag:s18] =	ssyncset.done $0x0  }
0x3c: {  	[sflag:s18] =	ssyncadd.s32 $0xFFFFE000  }
0x3d: {  	_ =	swait.ge [sflag:s8], $0x100  }
0x3e: {  	[sflag:s8] =	ssyncset.done $0x0  }
0x3f: {  	[sflag:s8] =	ssyncadd.s32 $0xFFFFFF00  }
0x40: {  	[tilespmem:s9], [sflag:$0x5] =	stream.indirect.gather [hbm4b:s6+s3], $0x20, s3, s3, $0xb8;
	[tilespmem:$0x6300] =	vst v63  }
0x41: {  	s19 =	sshll.u32 s19, $0x2;
	_ =	swait.ge [sflag:s10], $0x2000  }
0x42: {  	s17 =	smov.u32 s26;
	s26 =	sadd.s32 $0x600, s29;
	[sflag:s10] =	ssyncset.done $0x0  }
0x43: {  	s19 =	sadd.s32 s31, s19;
	s20 =	sshrl.u32 s26, $0x3;
	[sflag:s10] =	ssyncadd.s32 $0xFFFFE000  }
0x44: {  	[hbm4b:s19+s2] =	stream.linear.scatter [tilespmem:s7], [sflag:$0x7], $0x2000, $0x38;
	[tilespmem:$0x6300] =	vst v63  }
0x45: {  	s21 =	sadd.s32 s28, s20;
	s20 =	simm.s32 $0x9  }
0x46: {  	[tilespmem:s2], [sflag:$0x1] =	stream.linear.gather [hbm4b:s21+s2], $0x100, $0x38;
	[tilespmem:$0x6300] =	vst v63  }
0x47: {  	_ =	swait.ge [sflag:s20], $0x2000  }
0x48: {  	[sflag:s20] =	ssyncset.done $0x0  }
0x49: {  	[sflag:s20] =	ssyncadd.s32 $0xFFFFE000  }
0x4a: {  	_ =	swait.ge [sflag:s11], $0x100  }
0x4b: {  	[sflag:s11] =	ssyncset.done $0x0  }
0x4c: {  	[sflag:s11] =	ssyncadd.s32 $0xFFFFFF00  }
0x4d: {  	[tilespmem:s12], [sflag:$0x6] =	stream.indirect.gather [hbm4b:s6+s3], $0x20, s4, s3, $0xb8;
	[tilespmem:$0x6300] =	vst v63  }
0x4e: {  	_ =	swait.ge [sflag:s13], $0x2000  }
0x4f: {  	s30 =	sadd.s32 $0x700, s29;
	s22 =	sshll.u32 s22, $0x2;
	[sflag:s13] =	ssyncset.done $0x0  }
0x50: {  	s22 =	sadd.s32 s31, s22;
	s23 =	sshrl.u32 s30, $0x3;
	[sflag:s13] =	ssyncadd.s32 $0xFFFFE000  }
0x51: {  	[hbm4b:s22+s2] =	stream.linear.scatter [tilespmem:s9], [sflag:$0x8], $0x2000, $0x38;
	[tilespmem:$0x6300] =	vst v63  }
0x52: {  	s23 =	sadd.s32 s28, s23  }
0x53: {  	[tilespmem:s3], [sflag:$0x2] =	stream.linear.gather [hbm4b:s23+s2], $0x100, $0x38;
	[tilespmem:$0x6300] =	vst v63  }
0x54: {  	_ =	swait.ge [sflag:s14], $0x2000  }
0x55: {  	[sflag:s14] =	ssyncset.done $0x0  }
0x56: {  	[sflag:s14] =	ssyncadd.s32 $0xFFFFE000  }
0x57: {  	_ =	swait.ge [sflag:s5], $0x100  }
0x58: {  	[sflag:s5] =	ssyncset.done $0x0  }
0x59: {  	[sflag:s5] =	ssyncadd.s32 $0xFFFFFF00  }
0x5a: {  	[tilespmem:s7], [sflag:$0x4] =	stream.indirect.gather [hbm4b:s6+s3], $0x20, s2, s3, $0xb8;
	[tilespmem:$0x6300] =	vst v63  }
0x5b: {  	_ =	swait.ge [sflag:s15], $0x2000  }
0x5c: {  	s0 =	sadd.s32 $0x800, s29;
	s24 =	sshll.u32 s24, $0x2;
	[sflag:s15] =	ssyncset.done $0x0  }
0x5d: {  	s24 =	sadd.s32 s31, s24;
	s25 =	sshrl.u32 s0, $0x3;
	[sflag:s15] =	ssyncadd.s32 $0xFFFFE000  }
0x5e: {  	[hbm4b:s24+s2] =	stream.linear.scatter [tilespmem:s12], [sflag:$0x9], $0x2000, $0x38;
	[tilespmem:$0x6300] =	vst v63  }
0x5f: {  	s25 =	sadd.s32 s28, s25  }
0x60: {  	[tilespmem:s4], [sflag:$0x3] =	stream.linear.gather [hbm4b:s25+s2], $0x100, $0x38;
	[tilespmem:$0x6300] =	vst v63  }
0x61: {  	_ =	swait.ge [sflag:s18], $0x2000  }
0x62: {  	[sflag:s18] =	ssyncset.done $0x0  }
0x63: {  	[sflag:s18] =	ssyncadd.s32 $0xFFFFE000  }
0x64: {  	_ =	swait.ge [sflag:s8], $0x100  }
0x65: {  	[sflag:s8] =	ssyncset.done $0x0  }
0x66: {  	[sflag:s8] =	ssyncadd.s32 $0xFFFFFF00  }
0x67: {  	[tilespmem:s9], [sflag:$0x5] =	stream.indirect.gather [hbm4b:s6+s3], $0x20, s3, s3, $0xb8;
	[tilespmem:$0x6300] =	vst v63  }
0x68: {  	_ =	swait.ge [sflag:s10], $0x2000  }
0x69: {  	s16 =	sadd.s32 $0x900, s29;
	s26 =	sshll.u32 s26, $0x2;
	[sflag:s10] =	ssyncset.done $0x0  }
0x6a: {  	s29 =	sshrl.u32 s16, $0x3;
	s26 =	sadd.s32 s31, s26;
	[sflag:s10] =	ssyncadd.s32 $0xFFFFE000  }
0x6b: {  	[hbm4b:s26+s2] =	stream.linear.scatter [tilespmem:s7], [sflag:$0x7], $0x2000, $0x38;
	[tilespmem:$0x6300] =	vst v63  }
0x6c: {  	s28 =	sadd.s32 s28, s29  }
0x6d: {  	[tilespmem:s2], [sflag:$0x1] =	stream.linear.gather [hbm4b:s28+s2], $0x100, $0x38;
	[tilespmem:$0x6300] =	vst v63  }
0x6e: {  	_ =	swait.ge [sflag:s20], $0x2000  }
0x6f: {  	[sflag:s20] =	ssyncset.done $0x0  }
0x70: {  	[sflag:s20] =	ssyncadd.s32 $0xFFFFE000  }
0x71: {  	_ =	swait.ge [sflag:s11], $0x100  }
0x72: {  	[sflag:s11] =	ssyncset.done $0x0  }
0x73: {  	[sflag:s11] =	ssyncadd.s32 $0xFFFFFF00  }
0x74: {  	[tilespmem:s12], [sflag:$0x6] =	stream.indirect.gather [hbm4b:s6+s3], $0x20, s4, s3, $0xb8;
	[tilespmem:$0x6300] =	vst v63  }
0x75: {  	_ =	swait.ge [sflag:s13], $0x2000  }
0x76: {  	s29 =	sshll.u32 s30, $0x2;
	[sflag:s13] =	ssyncset.done $0x0  }
0x77: {  	s29 =	sadd.s32 s31, s29;
	[sflag:s13] =	ssyncadd.s32 $0xFFFFE000  }
0x78: {  	[hbm4b:s29+s2] =	stream.linear.scatter [tilespmem:s9], [sflag:$0x8], $0x2000, $0x38;
	[tilespmem:$0x6300] =	vst v63  }
0x79: {  	_ =	swait.ge [sflag:s14], $0x2000  }
0x7a: {  	[sflag:s14] =	ssyncset.done $0x0  }
0x7b: {  	[sflag:s14] =	ssyncadd.s32 $0xFFFFE000  }
0x7c: {  	_ =	swait.ge [sflag:s5], $0x100  }
0x7d: {  	[sflag:s5] =	ssyncset.done $0x0  }
0x7e: {  	[sflag:s5] =	ssyncadd.s32 $0xFFFFFF00  }
0x7f: {  	[tilespmem:s7], [sflag:$0x4] =	stream.indirect.gather [hbm4b:s6+s3], $0x20, s2, s3, $0xb8;
	[tilespmem:$0x6300] =	vst v63  }
0x80: {  	_ =	swait.ge [sflag:s15], $0x2000  }
0x81: {  	s1 =	sshll.u32 s0, $0x2;
	[sflag:s15] =	ssyncset.done $0x0  }
0x82: {  	s30 =	sadd.s32 s31, s1;
	[sflag:s15] =	ssyncadd.s32 $0xFFFFE000  }
0x83: {  	[hbm4b:s30+s2] =	stream.linear.scatter [tilespmem:s12], [sflag:$0x9], $0x2000, $0x38;
	[tilespmem:$0x6300] =	vst v63  }
0x84: {  	_ =	swait.ge [sflag:s10], $0x2000  }
0x85: {  	s0 =	sshll.u32 s16, $0x2;
	[sflag:s10] =	ssyncset.done $0x0  }
0x86: {  	s31 =	sadd.s32 s31, s0;
	[sflag:s10] =	ssyncadd.s32 $0xFFFFE000  }
0x87: {  	[hbm4b:s31+s2] =	stream.linear.scatter [tilespmem:s7], [sflag:$0x7], $0x2000, $0x38;
	[tilespmem:$0x6300] =	vst v63  }
0x88: {  	_ =	swait.ge [sflag:s14], $0x2000  }
0x89: {  	s1 =	rddreg [dreg:$0xa]  }
0x8a: {  	s0 =	ssub.s32 $0x2, s1  }
0x8b: {  	s16 =	sshrl.u32 s0, $0x1  }
0x8c: {  	s0 =	ssub.s32 s0, s16  }
0x8d: {  	s0 =	smax.u32 s0, $0x1  }
0x8e: {  	[sflag:s14] =	ssyncset.done $0x0;
	p0 =	sne.s32 s0, $0x1  }
.Ltmp0:
0x8f: {  	[sflag:s14] =	ssyncadd.s32 $0xFFFFE000;
	(pc) =	sbr.rel @!p0 .LBB2_2-.Ltmp0, $4  }
0x90: {  	_ =	swait.ge [sflag:s18], $0x2000  }
0x91: {  	[sflag:s18] =	ssyncset.done $0x0  }
0x92: {  	[sflag:s18] =	ssyncadd.s32 $0xFFFFE000  }
0x93: {  	s1 =	sadd.s32 $0xFFFFFFFF, s0;
	_ =	swait.ge [sflag:s20], $0x2000  }
.LBB2_1:
0x94: {  	[sflag:s20] =	ssyncset.done $0x0  }
0x95: {  	s0 =	rddreg [dreg:$0x2];
	[sflag:s20] =	ssyncadd.s32 $0xFFFFE000  }
0x96: {  	[tilespmem:s2], [sflag:$0x1] =	stream.linear.gather [hbm4b:s0+s2], $0x100, $0x38;
	[tilespmem:$0x6300] =	vst v63  }
0x97: {  	s16 =	rddreg [dreg:$0x3]  }
0x98: {  	[tilespmem:s3], [sflag:$0x2] =	stream.linear.gather [hbm4b:s16+s2], $0x100, $0x38;
	[tilespmem:$0x6300] =	vst v63  }
0x99: {  	s0 =	rddreg [dreg:$0x4]  }
0x9a: {  	[tilespmem:s4], [sflag:$0x3] =	stream.linear.gather [hbm4b:s0+s2], $0x100, $0x38;
	[tilespmem:$0x6300] =	vst v63  }
0x9b: {  	_ =	swait.ge [sflag:s5], $0x100  }
0x9c: {  	[sflag:s5] =	ssyncset.done $0x0  }
0x9d: {  	[sflag:s5] =	ssyncadd.s32 $0xFFFFFF00  }
0x9e: {  	[tilespmem:s7], [sflag:$0x4] =	stream.indirect.gather [hbm4b:s6+s3], $0x20, s2, s3, $0xb8;
	[tilespmem:$0x6300] =	vst v63  }
0x9f: {  	_ =	swait.ge [sflag:s8], $0x100  }
0xa0: {  	[sflag:s8] =	ssyncset.done $0x0  }
0xa1: {  	[sflag:s8] =	ssyncadd.s32 $0xFFFFFF00  }
0xa2: {  	[tilespmem:s9], [sflag:$0x5] =	stream.indirect.gather [hbm4b:s6+s3], $0x20, s3, s3, $0xb8;
	[tilespmem:$0x6300] =	vst v63  }
0xa3: {  	_ =	swait.ge [sflag:s10], $0x2000  }
0xa4: {  	[sflag:s10] =	ssyncset.done $0x0  }
0xa5: {  	s0 =	rddreg [dreg:$0x5];
	[sflag:s10] =	ssyncadd.s32 $0xFFFFE000  }
0xa6: {  	[hbm4b:s0+s2] =	stream.linear.scatter [tilespmem:s7], [sflag:$0x7], $0x2000, $0x38;
	[tilespmem:$0x6300] =	vst v63  }
0xa7: {  	s16 =	rddreg [dreg:$0x6]  }
0xa8: {  	[tilespmem:s2], [sflag:$0x1] =	stream.linear.gather [hbm4b:s16+s2], $0x100, $0x38;
	[tilespmem:$0x6300] =	vst v63  }
0xa9: {  	_ =	swait.ge [sflag:s11], $0x100  }
0xaa: {  	[sflag:s11] =	ssyncset.done $0x0  }
0xab: {  	[sflag:s11] =	ssyncadd.s32 $0xFFFFFF00  }
0xac: {  	[tilespmem:s12], [sflag:$0x6] =	stream.indirect.gather [hbm4b:s6+s3], $0x20, s4, s3, $0xb8;
	[tilespmem:$0x6300] =	vst v63  }
0xad: {  	_ =	swait.ge [sflag:s13], $0x2000  }
0xae: {  	[sflag:s13] =	ssyncset.done $0x0  }
0xaf: {  	s0 =	rddreg [dreg:$0x7];
	[sflag:s13] =	ssyncadd.s32 $0xFFFFE000  }
0xb0: {  	[hbm4b:s0+s2] =	stream.linear.scatter [tilespmem:s9], [sflag:$0x8], $0x2000, $0x38;
	[tilespmem:$0x6300] =	vst v63  }
0xb1: {  	s16 =	rddreg [dreg:$0x8]  }
0xb2: {  	[tilespmem:s3], [sflag:$0x2] =	stream.linear.gather [hbm4b:s16+s2], $0x100, $0x38;
	[tilespmem:$0x6300] =	vst v63  }
0xb3: {  	_ =	swait.ge [sflag:s14], $0x2000  }
0xb4: {  	[sflag:s14] =	ssyncset.done $0x0  }
0xb5: {  	[sflag:s14] =	ssyncadd.s32 $0xFFFFE000  }
0xb6: {  	_ =	swait.ge [sflag:s5], $0x100  }
0xb7: {  	[sflag:s5] =	ssyncset.done $0x0  }
0xb8: {  	[sflag:s5] =	ssyncadd.s32 $0xFFFFFF00  }
0xb9: {  	[tilespmem:s7], [sflag:$0x4] =	stream.indirect.gather [hbm4b:s6+s3], $0x20, s2, s3, $0xb8;
	[tilespmem:$0x6300] =	vst v63  }
0xba: {  	_ =	swait.ge [sflag:s15], $0x2000  }
0xbb: {  	[sflag:s15] =	ssyncset.done $0x0  }
0xbc: {  	s16 =	rddreg [dreg:$0x9];
	[sflag:s15] =	ssyncadd.s32 $0xFFFFE000  }
0xbd: {  	[hbm4b:s16+s2] =	stream.linear.scatter [tilespmem:s12], [sflag:$0x9], $0x2000, $0x38;
	[tilespmem:$0x6300] =	vst v63  }
0xbe: {  	_ = 	snop  }
0xbf: {  	[tilespmem:s4], [sflag:$0x3] =	stream.linear.gather [hbm4b:s17+s2], $0x100, $0x38;
	[tilespmem:$0x6300] =	vst v63  }
0xc0: {  	_ =	swait.ge [sflag:s18], $0x2000  }
0xc1: {  	[sflag:s18] =	ssyncset.done $0x0  }
0xc2: {  	[sflag:s18] =	ssyncadd.s32 $0xFFFFE000  }
0xc3: {  	_ =	swait.ge [sflag:s8], $0x100  }
0xc4: {  	[sflag:s8] =	ssyncset.done $0x0  }
0xc5: {  	[sflag:s8] =	ssyncadd.s32 $0xFFFFFF00  }
0xc6: {  	[tilespmem:s9], [sflag:$0x5] =	stream.indirect.gather [hbm4b:s6+s3], $0x20, s3, s3, $0xb8;
	[tilespmem:$0x6300] =	vst v63  }
0xc7: {  	_ =	swait.ge [sflag:s10], $0x2000  }
0xc8: {  	[sflag:s10] =	ssyncset.done $0x0  }
0xc9: {  	[sflag:s10] =	ssyncadd.s32 $0xFFFFE000  }
0xca: {  	[hbm4b:s19+s2] =	stream.linear.scatter [tilespmem:s7], [sflag:$0x7], $0x2000, $0x38;
	[tilespmem:$0x6300] =	vst v63  }
0xcb: {  	_ = 	snop  }
0xcc: {  	[tilespmem:s2], [sflag:$0x1] =	stream.linear.gather [hbm4b:s21+s2], $0x100, $0x38;
	[tilespmem:$0x6300] =	vst v63  }
0xcd: {  	_ =	swait.ge [sflag:s20], $0x2000  }
0xce: {  	[sflag:s20] =	ssyncset.done $0x0  }
0xcf: {  	[sflag:s20] =	ssyncadd.s32 $0xFFFFE000  }
0xd0: {  	_ =	swait.ge [sflag:s11], $0x100  }
0xd1: {  	[sflag:s11] =	ssyncset.done $0x0  }
0xd2: {  	[sflag:s11] =	ssyncadd.s32 $0xFFFFFF00  }
0xd3: {  	[tilespmem:s12], [sflag:$0x6] =	stream.indirect.gather [hbm4b:s6+s3], $0x20, s4, s3, $0xb8;
	[tilespmem:$0x6300] =	vst v63  }
0xd4: {  	_ =	swait.ge [sflag:s13], $0x2000  }
0xd5: {  	[sflag:s13] =	ssyncset.done $0x0  }
0xd6: {  	[sflag:s13] =	ssyncadd.s32 $0xFFFFE000  }
0xd7: {  	[hbm4b:s22+s2] =	stream.linear.scatter [tilespmem:s9], [sflag:$0x8], $0x2000, $0x38;
	[tilespmem:$0x6300] =	vst v63  }
0xd8: {  	_ = 	snop  }
0xd9: {  	[tilespmem:s3], [sflag:$0x2] =	stream.linear.gather [hbm4b:s23+s2], $0x100, $0x38;
	[tilespmem:$0x6300] =	vst v63  }
0xda: {  	_ =	swait.ge [sflag:s14], $0x2000  }
0xdb: {  	[sflag:s14] =	ssyncset.done $0x0  }
0xdc: {  	[sflag:s14] =	ssyncadd.s32 $0xFFFFE000  }
0xdd: {  	_ =	swait.ge [sflag:s5], $0x100  }
0xde: {  	[sflag:s5] =	ssyncset.done $0x0  }
0xdf: {  	[sflag:s5] =	ssyncadd.s32 $0xFFFFFF00  }
0xe0: {  	[tilespmem:s7], [sflag:$0x4] =	stream.indirect.gather [hbm4b:s6+s3], $0x20, s2, s3, $0xb8;
	[tilespmem:$0x6300] =	vst v63  }
0xe1: {  	_ =	swait.ge [sflag:s15], $0x2000  }
0xe2: {  	[sflag:s15] =	ssyncset.done $0x0  }
0xe3: {  	[sflag:s15] =	ssyncadd.s32 $0xFFFFE000  }
0xe4: {  	[hbm4b:s24+s2] =	stream.linear.scatter [tilespmem:s12], [sflag:$0x9], $0x2000, $0x38;
	[tilespmem:$0x6300] =	vst v63  }
0xe5: {  	_ = 	snop  }
0xe6: {  	[tilespmem:s4], [sflag:$0x3] =	stream.linear.gather [hbm4b:s25+s2], $0x100, $0x38;
	[tilespmem:$0x6300] =	vst v63  }
0xe7: {  	_ =	swait.ge [sflag:s18], $0x2000  }
0xe8: {  	[sflag:s18] =	ssyncset.done $0x0  }
0xe9: {  	[sflag:s18] =	ssyncadd.s32 $0xFFFFE000  }
0xea: {  	_ =	swait.ge [sflag:s8], $0x100  }
0xeb: {  	[sflag:s8] =	ssyncset.done $0x0  }
0xec: {  	[sflag:s8] =	ssyncadd.s32 $0xFFFFFF00  }
0xed: {  	[tilespmem:s9], [sflag:$0x5] =	stream.indirect.gather [hbm4b:s6+s3], $0x20, s3, s3, $0xb8;
	[tilespmem:$0x6300] =	vst v63  }
0xee: {  	_ =	swait.ge [sflag:s10], $0x2000  }
0xef: {  	[sflag:s10] =	ssyncset.done $0x0  }
0xf0: {  	[sflag:s10] =	ssyncadd.s32 $0xFFFFE000  }
0xf1: {  	[hbm4b:s26+s2] =	stream.linear.scatter [tilespmem:s7], [sflag:$0x7], $0x2000, $0x38;
	[tilespmem:$0x6300] =	vst v63  }
0xf2: {  	_ = 	snop  }
0xf3: {  	[tilespmem:s2], [sflag:$0x1] =	stream.linear.gather [hbm4b:s28+s2], $0x100, $0x38;
	[tilespmem:$0x6300] =	vst v63  }
0xf4: {  	_ =	swait.ge [sflag:s20], $0x2000  }
0xf5: {  	[sflag:s20] =	ssyncset.done $0x0  }
0xf6: {  	[sflag:s20] =	ssyncadd.s32 $0xFFFFE000  }
0xf7: {  	_ =	swait.ge [sflag:s11], $0x100  }
0xf8: {  	[sflag:s11] =	ssyncset.done $0x0  }
0xf9: {  	[sflag:s11] =	ssyncadd.s32 $0xFFFFFF00  }
0xfa: {  	[tilespmem:s12], [sflag:$0x6] =	stream.indirect.gather [hbm4b:s6+s3], $0x20, s4, s3, $0xb8;
	[tilespmem:$0x6300] =	vst v63  }
0xfb: {  	_ =	swait.ge [sflag:s13], $0x2000  }
0xfc: {  	[sflag:s13] =	ssyncset.done $0x0  }
0xfd: {  	[sflag:s13] =	ssyncadd.s32 $0xFFFFE000  }
0xfe: {  	[hbm4b:s29+s2] =	stream.linear.scatter [tilespmem:s9], [sflag:$0x8], $0x2000, $0x38;
	[tilespmem:$0x6300] =	vst v63  }
0xff: {  	_ =	swait.ge [sflag:s14], $0x2000  }
0x100: {  	[sflag:s14] =	ssyncset.done $0x0  }
0x101: {  	[sflag:s14] =	ssyncadd.s32 $0xFFFFE000  }
0x102: {  	_ =	swait.ge [sflag:s5], $0x100  }
0x103: {  	[sflag:s5] =	ssyncset.done $0x0  }
0x104: {  	[sflag:s5] =	ssyncadd.s32 $0xFFFFFF00  }
0x105: {  	[tilespmem:s7], [sflag:$0x4] =	stream.indirect.gather [hbm4b:s6+s3], $0x20, s2, s3, $0xb8;
	[tilespmem:$0x6300] =	vst v63  }
0x106: {  	_ =	swait.ge [sflag:s15], $0x2000  }
0x107: {  	[sflag:s15] =	ssyncset.done $0x0  }
0x108: {  	[sflag:s15] =	ssyncadd.s32 $0xFFFFE000  }
0x109: {  	[hbm4b:s30+s2] =	stream.linear.scatter [tilespmem:s12], [sflag:$0x9], $0x2000, $0x38;
	[tilespmem:$0x6300] =	vst v63  }
0x10a: {  	_ =	swait.ge [sflag:s10], $0x2000  }
0x10b: {  	[sflag:s10] =	ssyncset.done $0x0  }
0x10c: {  	[sflag:s10] =	ssyncadd.s32 $0xFFFFE000  }
0x10d: {  	[hbm4b:s31+s2] =	stream.linear.scatter [tilespmem:s7], [sflag:$0x7], $0x2000, $0x38;
	[tilespmem:$0x6300] =	vst v63  }
0x10e: {  	_ =	swait.ge [sflag:s14], $0x2000  }
0x10f: {  	p0 =	sne.s32 s1, $0x1;
	[sflag:s14] =	ssyncset.done $0x0  }
.Ltmp1:
0x110: {  	[sflag:s14] =	ssyncadd.s32 $0xFFFFE000;
	(pc) =	sbr.rel @p0 .LBB2_1-.Ltmp1, $4  }
0x111: {  	_ =	swait.ge [sflag:s18], $0x2000  }
0x112: {  	[sflag:s18] =	ssyncset.done $0x0  }
0x113: {  	[sflag:s18] =	ssyncadd.s32 $0xFFFFE000  }
0x114: {  	s1 =	sadd.s32 $0xFFFFFFFF, s1;
	_ =	swait.ge [sflag:s20], $0x2000  }
.LBB2_2:
0x115: {  	[sflag:s20] =	ssyncset.done $0x0  }
0x116: {  	[sflag:s20] =	ssyncadd.s32 $0xFFFFE000  }
0x117: {  	_ =	sfence.sel $0x180000  }
0x118: {  	[bflag:$0x0] =	sbarrier.arrive $0xFFFF  }
0x119: {  	_ =	strace $0x90000047  }
0x11a: {  	s0 =	stileid.u32;
	[bflag:$0x2] =	sbarrier.arrive $0xFFFF  }
0x11b: {  	p0 =	sne.s32 s0, $0x0;
	s0 =	rddreg [dreg:$0x1]  }
0x11c: {  	s0 =	sadd.s32 @!p0 $0x100000, s0  }
0x11d: {  	[sflag:s0] =	ssyncadd.tile.s32 @!p0 $0x1;
	_ =	shalt  }
.Lfunc_end2:
_tile_overlayer_lowered:
.L_overlay_start_2:
0x11e: {  	(tag) =	ssettag $0x2  }
0x11f: {  	s0 =	rddreg [dreg:$0x0];
	s2 =	stileid.u32  }
0x120: {  	s1 =	rddreg [dreg:$0x1];
	p0 =	sne.s32 s2, $0x0  }
0x121: {  	s3 =	rddreg [dreg:$0x2];
	[bflag:$0x3] =	sbarrier.arrive $0xFFFF;
	s2 =	simm.s32 @!p0 $0x1C0A  }
0x122: {  	[timem:s3], [sflag:s2] =	dma.local @!p0 [hbm:s0], s1  }
0x123: {  	s0 =	simm.s32 @!p0 $0xA  }
0x124: {  	_ =	swait.ge @!p0 [sflag:s0], s1  }
0x125: {  	s1 =	ssub.s32 @!p0 $0x0, s1;
	[sflag:s0] =	ssyncset.done @!p0 $0x0  }
0x126: {  	[sflag:s0] =	ssyncadd.s32 @!p0 s1  }
0x127: {  	[bflag:$0x3] =	sbarrier.arrive $0xFFFF  }
0x128: {  	_ =	shalt  }

</sc_bundles>
